<compile_context>
chip_gen: v7x
topology: tpu7x:2x2x1
jax: 0.10.2.dev20260603
libtpu: 0.0.44.dev20260713+nightly
codegen_flags: <defaults>
</compile_context>

<pallas_src>
import jax
import jax.numpy as jnp
from jax import lax
from jax.experimental import pallas as pl
from jax.experimental.pallas import tpu as pltpu
from jax.experimental.pallas import tpu_sc as plsc

_N_STATES = 1000000
_N_ACT = 16
_B = 16384
_NC, _NS = 2, 16
_NW = _NC * _NS
_BPW = _B // _NW
_CHUNK = 16
_NCHUNK = _BPW // _CHUNK
_TAIL0 = (_N_STATES // 128) * 128
_CLAMP = _TAIL0 - 128

_LN2 = 0.6931471805599453


def _log_1_16(s):
    bits = plsc.bitcast(s, jnp.int32)
    e = (bits >> 23) - 127
    mant = plsc.bitcast((bits & 0x007FFFFF) | 0x3F800000, jnp.float32)
    t = (mant - 1.0) / (mant + 1.0)
    u = t * t
    logm = 2.0 * t * (1.0 + u * (1.0 / 3.0 + u * (0.2 + u * (1.0 / 7.0))))
    return e.astype(jnp.float32) * _LN2 + logm


def _body(policy_t, tail_hbm, feat_hbm, act_hbm, out_hbm, idx_v, act_v, buf,
          tail_v, out_v, sem):
    wid = lax.axis_index("s") * _NC + lax.axis_index("c")
    base = wid * _BPW

    pltpu.sync_copy(feat_hbm.at[pl.ds(base, _BPW)], idx_v)
    pltpu.sync_copy(act_hbm.at[pl.ds(base, _BPW)], act_v)
    pltpu.sync_copy(tail_hbm, tail_v)

    lanes = lax.iota(jnp.int32, _N_ACT)

    def fire(c, slot0):
        svec0 = idx_v[pl.ds(c * _CHUNK, _CHUNK)]
        for i in range(_CHUNK):
            s = svec0[i]
            c0 = pl.multiple_of(
                jnp.minimum((s >> 7) << 7, _CLAMP).astype(jnp.int32), 128)
            pltpu.async_copy(policy_t.at[:, pl.ds(c0, 128)],
                             buf.at[slot0 + i], sem)

    def drain(slot0):
        for i in range(_CHUNK):
            pltpu.make_async_copy(policy_t.at[:, pl.ds(0, 128)],
                                  buf.at[slot0 + i], sem).wait()

    fire(jnp.int32(0), jnp.int32(0))
    fire(jnp.int32(1), jnp.int32(_CHUNK))

    def chunk(k, carry):
        p = jnp.remainder(k, 3) * _CHUNK
        drain(p)

        @pl.when(k + 2 < _NCHUNK)
        def _():
            fire(k + 2, jnp.remainder(k + 2, 3) * _CHUNK)

        sl = pl.ds(k * _CHUNK, _CHUNK)
        svec = idx_v[sl]
        mvec = svec & 127
        istail = svec >= _TAIL0
        tidx = jnp.where(istail, svec - _TAIL0, 0)
        slots = p + lanes

        def logits(avec):
            main = plsc.load_gather(buf, [slots, avec, mvec])
            tail = plsc.load_gather(tail_v, [tidx, avec])
            return jnp.where(istail, tail, main)

        cols = [logits(jnp.full((16,), a, jnp.int32)) for a in range(_N_ACT)]
        m = cols[0]
        for a in range(1, _N_ACT):
            m = jnp.maximum(m, cols[a])
        ssum = jnp.exp(cols[0] - m)
        for a in range(1, _N_ACT):
            ssum = ssum + jnp.exp(cols[a] - m)
        sel = logits(act_v[sl])
        out_v[sl] = sel - m - _log_1_16(ssum)
        return carry

    lax.fori_loop(0, _NCHUNK, chunk, None)
    pltpu.sync_copy(out_v, out_hbm.at[pl.ds(base, _BPW)])


_sc_call_cache = []


def _sc_call():
    if not _sc_call_cache:
        _sc_call_cache.append(pl.kernel(
            _body,
            out_type=jax.ShapeDtypeStruct((_B,), jnp.float32),
            mesh=plsc.VectorSubcoreMesh(core_axis_name="c",
                                        subcore_axis_name="s",
                                        num_cores=_NC, num_subcores=_NS),
            compiler_params=pltpu.CompilerParams(
                needs_layout_passes=False,
            ),
            scratch_types=[
                pltpu.VMEM((_BPW,), jnp.int32),
                pltpu.VMEM((_BPW,), jnp.int32),
                pltpu.VMEM((3 * _CHUNK, _N_ACT, 128), jnp.float32),
                pltpu.VMEM((_N_STATES - _TAIL0, _N_ACT), jnp.float32),
                pltpu.VMEM((_BPW,), jnp.float32),
                pltpu.SemaphoreType.DMA,
            ],
        ))
    return _sc_call_cache[0]


def kernel(policy, feat, taken_actions):
    tail = lax.slice(policy, (_TAIL0, 0), (_N_STATES, _N_ACT))
    return _sc_call()(policy.T, tail, feat.astype(jnp.int32),
                      taken_actions.astype(jnp.int32))

# --- scband reference (transcript-rebuilt; emitter-appended) ---
"""Pipeline reference for scband-torch-stochastic-policy-12902081757525 (READ-ONLY COPY).

The authoritative reference and input builder live on the scoring server;
editing this copy changes nothing except your own understanding.
"""

import jax, jax.numpy as jnp
import numpy as np

N_STATES = 1000000
N_ACTIONS = 16
BATCH = 16384


def setup_inputs(seed: int = 0) -> dict:
    key = jax.random.key(seed)
    k1, k2, k3 = jax.random.split(key, 3)
    feat = jax.random.randint(k1, (BATCH,), 0, N_STATES, dtype=jnp.int64 if jax.config.jax_enable_x64 else jnp.int32).astype(jnp.int32)
    taken_actions = jax.random.randint(k2, (BATCH,), 0, N_ACTIONS).astype(jnp.int32)
    # learned parameter: policy logits table [n_states, n_actions]
    policy = jax.random.normal(k3, (N_STATES, N_ACTIONS), dtype=jnp.float32)
    return {"policy": policy, "feat": feat, "taken_actions": taken_actions}


def reference(policy, feat, taken_actions):
    # forward(x) is Identity (feature_fn); log_likelihood path:
    # _dist: Categorical(logits=policy[feat]); log_prob(taken_actions)
    logits = jnp.take(policy, feat, axis=0)          # embedding gather [B, A]
    # torch Categorical normalizes logits: logits - logsumexp
    logp = jax.nn.log_softmax(logits, axis=-1)
    out = jnp.take_along_axis(logp, taken_actions[:, None].astype(jnp.int32), axis=-1)
    return out.squeeze(-1)

if __name__ == "__main__":
    import jax
    _d = setup_inputs()
    print(jax.jit(kernel)(*tuple(_d.values())))

</pallas_src>

<mosaic_0001>
#map = affine_map<(d0, d1) -> (0, 0)>
#map1 = affine_map<(d0, d1) -> (0)>
module attributes {stable_mosaic.version = 14 : i64} {
  func.func @_body(%arg0: i32, %arg1: i32, %arg2: memref<16x1000000xf32, #tpu.memory_space<hbm>>, %arg3: memref<64x16xf32, #tpu.memory_space<hbm>>, %arg4: memref<16384xi32, #tpu.memory_space<hbm>>, %arg5: memref<16384xi32, #tpu.memory_space<hbm>>, %arg6: memref<16384xf32, #tpu.memory_space<hbm>>, %arg7: memref<512xi32, #tpu.memory_space<vmem>>, %arg8: memref<512xi32, #tpu.memory_space<vmem>>, %arg9: memref<48x16x128xf32, #tpu.memory_space<vmem>>, %arg10: memref<64x16xf32, #tpu.memory_space<vmem>>, %arg11: memref<512xf32, #tpu.memory_space<vmem>>, %arg12: memref<!tpu.dma_semaphore, #tpu.memory_space<semaphore_mem>>) attributes {dimension_semantics = [#tpu.dimension_semantics<core_parallel>, #tpu.dimension_semantics<subcore_parallel>], iteration_bounds = array<i64: 2, 16>, scalar_prefetch = 0 : i64, scratch_operands = 6 : i64, tpu.core_type = #tpu.core_type<sc_vector_subcore>, window_params = [{transform_indices = #map}, {transform_indices = #map}, {transform_indices = #map1}, {transform_indices = #map1}, {transform_indices = #map1}]} {
    %mul3A = arith.constant 2 : i32
    %mul3A_0 = arith.muli %arg1, %mul3A : i32
    %add3A = arith.addi %mul3A_0, %arg0 : i32
    %mul3A_1 = arith.constant 512 : i32
    %mul3A_2 = arith.muli %add3A, %mul3A_1 : i32
    "tpu.region"() ({
      %run_scoped3A = tpu.sem_alloc : memref<!tpu.dma_semaphore, #tpu.memory_space<semaphore_mem>>
      %dma_start3A_777 = tpu.memref_slice %arg4[%mul3A_2] : memref<16384xi32, #tpu.memory_space<hbm>> -> memref<512xi32, #tpu.memory_space<hbm>>
      %dma_start3A_778 = tpu.memref_slice %arg4[%mul3A_2] : memref<16384xi32, #tpu.memory_space<hbm>> -> memref<512xi32, #tpu.memory_space<hbm>>
      tpu.enqueue_dma source(%dma_start3A_778 : memref<512xi32, #tpu.memory_space<hbm>>) target(%arg7 : memref<512xi32, #tpu.memory_space<vmem>>) target_semaphore(%run_scoped3A : memref<!tpu.dma_semaphore, #tpu.memory_space<semaphore_mem>>)
      %dma_wait3A = tpu.memref_slice %arg4[%mul3A_2] : memref<16384xi32, #tpu.memory_space<hbm>> -> memref<512xi32, #tpu.memory_space<hbm>>
      %dma_wait3A_779 = tpu.memref_slice %arg4[%mul3A_2] : memref<16384xi32, #tpu.memory_space<hbm>> -> memref<512xi32, #tpu.memory_space<hbm>>
      tpu.wait_dma2 semaphore(%run_scoped3A : memref<!tpu.dma_semaphore, #tpu.memory_space<semaphore_mem>>) src(%dma_wait3A_779 : memref<512xi32, #tpu.memory_space<hbm>>) dst(%arg7 : memref<512xi32, #tpu.memory_space<vmem>>)
      tpu.yield
    }) : () -> ()
    "tpu.region"() ({
      %run_scoped3A = tpu.sem_alloc : memref<!tpu.dma_semaphore, #tpu.memory_space<semaphore_mem>>
      %dma_start3A_777 = tpu.memref_slice %arg5[%mul3A_2] : memref<16384xi32, #tpu.memory_space<hbm>> -> memref<512xi32, #tpu.memory_space<hbm>>
      %dma_start3A_778 = tpu.memref_slice %arg5[%mul3A_2] : memref<16384xi32, #tpu.memory_space<hbm>> -> memref<512xi32, #tpu.memory_space<hbm>>
      tpu.enqueue_dma source(%dma_start3A_778 : memref<512xi32, #tpu.memory_space<hbm>>) target(%arg8 : memref<512xi32, #tpu.memory_space<vmem>>) target_semaphore(%run_scoped3A : memref<!tpu.dma_semaphore, #tpu.memory_space<semaphore_mem>>)
      %dma_wait3A = tpu.memref_slice %arg5[%mul3A_2] : memref<16384xi32, #tpu.memory_space<hbm>> -> memref<512xi32, #tpu.memory_space<hbm>>
      %dma_wait3A_779 = tpu.memref_slice %arg5[%mul3A_2] : memref<16384xi32, #tpu.memory_space<hbm>> -> memref<512xi32, #tpu.memory_space<hbm>>
      tpu.wait_dma2 semaphore(%run_scoped3A : memref<!tpu.dma_semaphore, #tpu.memory_space<semaphore_mem>>) src(%dma_wait3A_779 : memref<512xi32, #tpu.memory_space<hbm>>) dst(%arg8 : memref<512xi32, #tpu.memory_space<vmem>>)
      tpu.yield
    }) : () -> ()
    "tpu.region"() ({
      %run_scoped3A = tpu.sem_alloc : memref<!tpu.dma_semaphore, #tpu.memory_space<semaphore_mem>>
      tpu.enqueue_dma source(%arg3 : memref<64x16xf32, #tpu.memory_space<hbm>>) target(%arg10 : memref<64x16xf32, #tpu.memory_space<vmem>>) target_semaphore(%run_scoped3A : memref<!tpu.dma_semaphore, #tpu.memory_space<semaphore_mem>>)
      tpu.wait_dma2 semaphore(%run_scoped3A : memref<!tpu.dma_semaphore, #tpu.memory_space<semaphore_mem>>) src(%arg3 : memref<64x16xf32, #tpu.memory_space<hbm>>) dst(%arg10 : memref<64x16xf32, #tpu.memory_space<vmem>>)
      tpu.yield
    }) : () -> ()
    %iota3A = tpu.iota {dimensions = array<i32: 0>} : vector<16xi32>
    %mul3A_3 = arith.constant 0 : i32
    %mul3A_4 = arith.constant 16 : i32
    %mul3A_5 = arith.muli %mul3A_3, %mul3A_4 : i32
    %get3A = arith.index_cast %mul3A_5 : i32 to index
    %get3A_6 = tpu.vector_load %arg7[%get3A] {strides = array<i32>} : memref<512xi32, #tpu.memory_space<vmem>>, vector<16xi32>,
    %slice3A = vector.extract_strided_slice %get3A_6 {offsets = [0], sizes = [1], strides = [1]} : vector<16xi32> to vector<1xi32>
    %squeeze3A = vector.extract %slice3A[0] : i32 from vector<1xi32>
    %shift_right_arithmetic3A = arith.constant 7 : i32
    %shift_right_arithmetic3A_7 = arith.shrsi %squeeze3A, %shift_right_arithmetic3A : i32
    %shift_left3A = arith.constant 7 : i32
    %shift_left3A_8 = arith.shli %shift_right_arithmetic3A_7, %shift_left3A : i32
    %min3A = arith.constant 999808 : i32
    %min3A_9 = arith.minsi %shift_left3A_8, %min3A : i32
    %multiple_of3A = tpu.assume_multiple %min3A_9, 128 : i32
    %add3A_10 = arith.constant 0 : i32
    %add3A_11 = arith.constant 0 : i32
    %add3A_12 = arith.addi %add3A_10, %add3A_11 : i32
    %dma_start3A = arith.constant 0 : i32
    %dma_start3A_13 = arith.constant 0 : i32
    %dma_start3A_14 = tpu.memref_slice %arg9[%add3A_12, %dma_start3A, %dma_start3A_13] : memref<48x16x128xf32, #tpu.memory_space<vmem>> -> memref<1x16x128xf32, #tpu.memory_space<vmem>>
    %dma_start3A_15 = tpu.memref_squeeze %dma_start3A_14 : memref<1x16x128xf32, #tpu.memory_space<vmem>> -> memref<16x128xf32, #tpu.memory_space<vmem>>
    %dma_start3A_16 = arith.constant 0 : i32
    %dma_start3A_17 = tpu.memref_slice %arg2[%dma_start3A_16, %multiple_of3A] : memref<16x1000000xf32, #tpu.memory_space<hbm>> -> memref<16x128xf32, #tpu.memory_space<hbm>>
    %dma_start3A_18 = arith.constant 0 : i32
    %dma_start3A_19 = arith.constant 0 : i32
    %dma_start3A_20 = tpu.memref_slice %arg9[%add3A_12, %dma_start3A_18, %dma_start3A_19] : memref<48x16x128xf32, #tpu.memory_space<vmem>> -> memref<1x16x128xf32, #tpu.memory_space<vmem>>
    %dma_start3A_21 = tpu.memref_squeeze %dma_start3A_20 : memref<1x16x128xf32, #tpu.memory_space<vmem>> -> memref<16x128xf32, #tpu.memory_space<vmem>>
    %dma_start3A_22 = arith.constant 0 : i32
    %dma_start3A_23 = tpu.memref_slice %arg2[%dma_start3A_22, %multiple_of3A] : memref<16x1000000xf32, #tpu.memory_space<hbm>> -> memref<16x128xf32, #tpu.memory_space<hbm>>
    tpu.enqueue_dma source(%dma_start3A_23 : memref<16x128xf32, #tpu.memory_space<hbm>>) target(%dma_start3A_21 : memref<16x128xf32, #tpu.memory_space<vmem>>) target_semaphore(%arg12 : memref<!tpu.dma_semaphore, #tpu.memory_space<semaphore_mem>>)
    %slice3A_24 = vector.extract_strided_slice %get3A_6 {offsets = [1], sizes = [1], strides = [1]} : vector<16xi32> to vector<1xi32>
    %squeeze3A_25 = vector.extract %slice3A_24[0] : i32 from vector<1xi32>
    %shift_right_arithmetic3A_26 = arith.constant 7 : i32
    %shift_right_arithmetic3A_27 = arith.shrsi %squeeze3A_25, %shift_right_arithmetic3A_26 : i32
    %shift_left3A_28 = arith.constant 7 : i32
    %shift_left3A_29 = arith.shli %shift_right_arithmetic3A_27, %shift_left3A_28 : i32
    %min3A_30 = arith.constant 999808 : i32
    %min3A_31 = arith.minsi %shift_left3A_29, %min3A_30 : i32
    %multiple_of3A_32 = tpu.assume_multiple %min3A_31, 128 : i32
    %add3A_33 = arith.constant 0 : i32
    %add3A_34 = arith.constant 1 : i32
    %add3A_35 = arith.addi %add3A_33, %add3A_34 : i32
    %dma_start3A_36 = arith.constant 0 : i32
    %dma_start3A_37 = arith.constant 0 : i32
    %dma_start3A_38 = tpu.memref_slice %arg9[%add3A_35, %dma_start3A_36, %dma_start3A_37] : memref<48x16x128xf32, #tpu.memory_space<vmem>> -> memref<1x16x128xf32, #tpu.memory_space<vmem>>
    %dma_start3A_39 = tpu.memref_squeeze %dma_start3A_38 : memref<1x16x128xf32, #tpu.memory_space<vmem>> -> memref<16x128xf32, #tpu.memory_space<vmem>>
    %dma_start3A_40 = arith.constant 0 : i32
    %dma_start3A_41 = tpu.memref_slice %arg2[%dma_start3A_40, %multiple_of3A_32] : memref<16x1000000xf32, #tpu.memory_space<hbm>> -> memref<16x128xf32, #tpu.memory_space<hbm>>
    %dma_start3A_42 = arith.constant 0 : i32
    %dma_start3A_43 = arith.constant 0 : i32
    %dma_start3A_44 = tpu.memref_slice %arg9[%add3A_35, %dma_start3A_42, %dma_start3A_43] : memref<48x16x128xf32, #tpu.memory_space<vmem>> -> memref<1x16x128xf32, #tpu.memory_space<vmem>>
    %dma_start3A_45 = tpu.memref_squeeze %dma_start3A_44 : memref<1x16x128xf32, #tpu.memory_space<vmem>> -> memref<16x128xf32, #tpu.memory_space<vmem>>
    %dma_start3A_46 = arith.constant 0 : i32
    %dma_start3A_47 = tpu.memref_slice %arg2[%dma_start3A_46, %multiple_of3A_32] : memref<16x1000000xf32, #tpu.memory_space<hbm>> -> memref<16x128xf32, #tpu.memory_space<hbm>>
    tpu.enqueue_dma source(%dma_start3A_47 : memref<16x128xf32, #tpu.memory_space<hbm>>) target(%dma_start3A_45 : memref<16x128xf32, #tpu.memory_space<vmem>>) target_semaphore(%arg12 : memref<!tpu.dma_semaphore, #tpu.memory_space<semaphore_mem>>)
    %slice3A_48 = vector.extract_strided_slice %get3A_6 {offsets = [2], sizes = [1], strides = [1]} : vector<16xi32> to vector<1xi32>
    %squeeze3A_49 = vector.extract %slice3A_48[0] : i32 from vector<1xi32>
    %shift_right_arithmetic3A_50 = arith.constant 7 : i32
    %shift_right_arithmetic3A_51 = arith.shrsi %squeeze3A_49, %shift_right_arithmetic3A_50 : i32
    %shift_left3A_52 = arith.constant 7 : i32
    %shift_left3A_53 = arith.shli %shift_right_arithmetic3A_51, %shift_left3A_52 : i32
    %min3A_54 = arith.constant 999808 : i32
    %min3A_55 = arith.minsi %shift_left3A_53, %min3A_54 : i32
    %multiple_of3A_56 = tpu.assume_multiple %min3A_55, 128 : i32
    %add3A_57 = arith.constant 0 : i32
    %add3A_58 = arith.constant 2 : i32
    %add3A_59 = arith.addi %add3A_57, %add3A_58 : i32
    %dma_start3A_60 = arith.constant 0 : i32
    %dma_start3A_61 = arith.constant 0 : i32
    %dma_start3A_62 = tpu.memref_slice %arg9[%add3A_59, %dma_start3A_60, %dma_start3A_61] : memref<48x16x128xf32, #tpu.memory_space<vmem>> -> memref<1x16x128xf32, #tpu.memory_space<vmem>>
    %dma_start3A_63 = tpu.memref_squeeze %dma_start3A_62 : memref<1x16x128xf32, #tpu.memory_space<vmem>> -> memref<16x128xf32, #tpu.memory_space<vmem>>
    %dma_start3A_64 = arith.constant 0 : i32
    %dma_start3A_65 = tpu.memref_slice %arg2[%dma_start3A_64, %multiple_of3A_56] : memref<16x1000000xf32, #tpu.memory_space<hbm>> -> memref<16x128xf32, #tpu.memory_space<hbm>>
    %dma_start3A_66 = arith.constant 0 : i32
    %dma_start3A_67 = arith.constant 0 : i32
    %dma_start3A_68 = tpu.memref_slice %arg9[%add3A_59, %dma_start3A_66, %dma_start3A_67] : memref<48x16x128xf32, #tpu.memory_space<vmem>> -> memref<1x16x128xf32, #tpu.memory_space<vmem>>
    %dma_start3A_69 = tpu.memref_squeeze %dma_start3A_68 : memref<1x16x128xf32, #tpu.memory_space<vmem>> -> memref<16x128xf32, #tpu.memory_space<vmem>>
    %dma_start3A_70 = arith.constant 0 : i32
    %dma_start3A_71 = tpu.memref_slice %arg2[%dma_start3A_70, %multiple_of3A_56] : memref<16x1000000xf32, #tpu.memory_space<hbm>> -> memref<16x128xf32, #tpu.memory_space<hbm>>
    tpu.enqueue_dma source(%dma_start3A_71 : memref<16x128xf32, #tpu.memory_space<hbm>>) target(%dma_start3A_69 : memref<16x128xf32, #tpu.memory_space<vmem>>) target_semaphore(%arg12 : memref<!tpu.dma_semaphore, #tpu.memory_space<semaphore_mem>>)
    %slice3A_72 = vector.extract_strided_slice %get3A_6 {offsets = [3], sizes = [1], strides = [1]} : vector<16xi32> to vector<1xi32>
    %squeeze3A_73 = vector.extract %slice3A_72[0] : i32 from vector<1xi32>
    %shift_right_arithmetic3A_74 = arith.constant 7 : i32
    %shift_right_arithmetic3A_75 = arith.shrsi %squeeze3A_73, %shift_right_arithmetic3A_74 : i32
    %shift_left3A_76 = arith.constant 7 : i32
    %shift_left3A_77 = arith.shli %shift_right_arithmetic3A_75, %shift_left3A_76 : i32
    %min3A_78 = arith.constant 999808 : i32
    %min3A_79 = arith.minsi %shift_left3A_77, %min3A_78 : i32
    %multiple_of3A_80 = tpu.assume_multiple %min3A_79, 128 : i32
    %add3A_81 = arith.constant 0 : i32
    %add3A_82 = arith.constant 3 : i32
    %add3A_83 = arith.addi %add3A_81, %add3A_82 : i32
    %dma_start3A_84 = arith.constant 0 : i32
    %dma_start3A_85 = arith.constant 0 : i32
    %dma_start3A_86 = tpu.memref_slice %arg9[%add3A_83, %dma_start3A_84, %dma_start3A_85] : memref<48x16x128xf32, #tpu.memory_space<vmem>> -> memref<1x16x128xf32, #tpu.memory_space<vmem>>
    %dma_start3A_87 = tpu.memref_squeeze %dma_start3A_86 : memref<1x16x128xf32, #tpu.memory_space<vmem>> -> memref<16x128xf32, #tpu.memory_space<vmem>>
    %dma_start3A_88 = arith.constant 0 : i32
    %dma_start3A_89 = tpu.memref_slice %arg2[%dma_start3A_88, %multiple_of3A_80] : memref<16x1000000xf32, #tpu.memory_space<hbm>> -> memref<16x128xf32, #tpu.memory_space<hbm>>
    %dma_start3A_90 = arith.constant 0 : i32
    %dma_start3A_91 = arith.constant 0 : i32
    %dma_start3A_92 = tpu.memref_slice %arg9[%add3A_83, %dma_start3A_90, %dma_start3A_91] : memref<48x16x128xf32, #tpu.memory_space<vmem>> -> memref<1x16x128xf32, #tpu.memory_space<vmem>>
    %dma_start3A_93 = tpu.memref_squeeze %dma_start3A_92 : memref<1x16x128xf32, #tpu.memory_space<vmem>> -> memref<16x128xf32, #tpu.memory_space<vmem>>
    %dma_start3A_94 = arith.constant 0 : i32
    %dma_start3A_95 = tpu.memref_slice %arg2[%dma_start3A_94, %multiple_of3A_80] : memref<16x1000000xf32, #tpu.memory_space<hbm>> -> memref<16x128xf32, #tpu.memory_space<hbm>>
    tpu.enqueue_dma source(%dma_start3A_95 : memref<16x128xf32, #tpu.memory_space<hbm>>) target(%dma_start3A_93 : memref<16x128xf32, #tpu.memory_space<vmem>>) target_semaphore(%arg12 : memref<!tpu.dma_semaphore, #tpu.memory_space<semaphore_mem>>)
    %slice3A_96 = vector.extract_strided_slice %get3A_6 {offsets = [4], sizes = [1], strides = [1]} : vector<16xi32> to vector<1xi32>
    %squeeze3A_97 = vector.extract %slice3A_96[0] : i32 from vector<1xi32>
    %shift_right_arithmetic3A_98 = arith.constant 7 : i32
    %shift_right_arithmetic3A_99 = arith.shrsi %squeeze3A_97, %shift_right_arithmetic3A_98 : i32
    %shift_left3A_100 = arith.constant 7 : i32
    %shift_left3A_101 = arith.shli %shift_right_arithmetic3A_99, %shift_left3A_100 : i32
    %min3A_102 = arith.constant 999808 : i32
    %min3A_103 = arith.minsi %shift_left3A_101, %min3A_102 : i32
    %multiple_of3A_104 = tpu.assume_multiple %min3A_103, 128 : i32
    %add3A_105 = arith.constant 0 : i32
    %add3A_106 = arith.constant 4 : i32
    %add3A_107 = arith.addi %add3A_105, %add3A_106 : i32
    %dma_start3A_108 = arith.constant 0 : i32
    %dma_start3A_109 = arith.constant 0 : i32
    %dma_start3A_110 = tpu.memref_slice %arg9[%add3A_107, %dma_start3A_108, %dma_start3A_109] : memref<48x16x128xf32, #tpu.memory_space<vmem>> -> memref<1x16x128xf32, #tpu.memory_space<vmem>>
    %dma_start3A_111 = tpu.memref_squeeze %dma_start3A_110 : memref<1x16x128xf32, #tpu.memory_space<vmem>> -> memref<16x128xf32, #tpu.memory_space<vmem>>
    %dma_start3A_112 = arith.constant 0 : i32
    %dma_start3A_113 = tpu.memref_slice %arg2[%dma_start3A_112, %multiple_of3A_104] : memref<16x1000000xf32, #tpu.memory_space<hbm>> -> memref<16x128xf32, #tpu.memory_space<hbm>>
    %dma_start3A_114 = arith.constant 0 : i32
    %dma_start3A_115 = arith.constant 0 : i32
    %dma_start3A_116 = tpu.memref_slice %arg9[%add3A_107, %dma_start3A_114, %dma_start3A_115] : memref<48x16x128xf32, #tpu.memory_space<vmem>> -> memref<1x16x128xf32, #tpu.memory_space<vmem>>
    %dma_start3A_117 = tpu.memref_squeeze %dma_start3A_116 : memref<1x16x128xf32, #tpu.memory_space<vmem>> -> memref<16x128xf32, #tpu.memory_space<vmem>>
    %dma_start3A_118 = arith.constant 0 : i32
    %dma_start3A_119 = tpu.memref_slice %arg2[%dma_start3A_118, %multiple_of3A_104] : memref<16x1000000xf32, #tpu.memory_space<hbm>> -> memref<16x128xf32, #tpu.memory_space<hbm>>
    tpu.enqueue_dma source(%dma_start3A_119 : memref<16x128xf32, #tpu.memory_space<hbm>>) target(%dma_start3A_117 : memref<16x128xf32, #tpu.memory_space<vmem>>) target_semaphore(%arg12 : memref<!tpu.dma_semaphore, #tpu.memory_space<semaphore_mem>>)
    %slice3A_120 = vector.extract_strided_slice %get3A_6 {offsets = [5], sizes = [1], strides = [1]} : vector<16xi32> to vector<1xi32>
    %squeeze3A_121 = vector.extract %slice3A_120[0] : i32 from vector<1xi32>
    %shift_right_arithmetic3A_122 = arith.constant 7 : i32
    %shift_right_arithmetic3A_123 = arith.shrsi %squeeze3A_121, %shift_right_arithmetic3A_122 : i32
    %shift_left3A_124 = arith.constant 7 : i32
    %shift_left3A_125 = arith.shli %shift_right_arithmetic3A_123, %shift_left3A_124 : i32
    %min3A_126 = arith.constant 999808 : i32
    %min3A_127 = arith.minsi %shift_left3A_125, %min3A_126 : i32
    %multiple_of3A_128 = tpu.assume_multiple %min3A_127, 128 : i32
    %add3A_129 = arith.constant 0 : i32
    %add3A_130 = arith.constant 5 : i32
    %add3A_131 = arith.addi %add3A_129, %add3A_130 : i32
    %dma_start3A_132 = arith.constant 0 : i32
    %dma_start3A_133 = arith.constant 0 : i32
    %dma_start3A_134 = tpu.memref_slice %arg9[%add3A_131, %dma_start3A_132, %dma_start3A_133] : memref<48x16x128xf32, #tpu.memory_space<vmem>> -> memref<1x16x128xf32, #tpu.memory_space<vmem>>
    %dma_start3A_135 = tpu.memref_squeeze %dma_start3A_134 : memref<1x16x128xf32, #tpu.memory_space<vmem>> -> memref<16x128xf32, #tpu.memory_space<vmem>>
    %dma_start3A_136 = arith.constant 0 : i32
    %dma_start3A_137 = tpu.memref_slice %arg2[%dma_start3A_136, %multiple_of3A_128] : memref<16x1000000xf32, #tpu.memory_space<hbm>> -> memref<16x128xf32, #tpu.memory_space<hbm>>
    %dma_start3A_138 = arith.constant 0 : i32
    %dma_start3A_139 = arith.constant 0 : i32
    %dma_start3A_140 = tpu.memref_slice %arg9[%add3A_131, %dma_start3A_138, %dma_start3A_139] : memref<48x16x128xf32, #tpu.memory_space<vmem>> -> memref<1x16x128xf32, #tpu.memory_space<vmem>>
    %dma_start3A_141 = tpu.memref_squeeze %dma_start3A_140 : memref<1x16x128xf32, #tpu.memory_space<vmem>> -> memref<16x128xf32, #tpu.memory_space<vmem>>
    %dma_start3A_142 = arith.constant 0 : i32
    %dma_start3A_143 = tpu.memref_slice %arg2[%dma_start3A_142, %multiple_of3A_128] : memref<16x1000000xf32, #tpu.memory_space<hbm>> -> memref<16x128xf32, #tpu.memory_space<hbm>>
    tpu.enqueue_dma source(%dma_start3A_143 : memref<16x128xf32, #tpu.memory_space<hbm>>) target(%dma_start3A_141 : memref<16x128xf32, #tpu.memory_space<vmem>>) target_semaphore(%arg12 : memref<!tpu.dma_semaphore, #tpu.memory_space<semaphore_mem>>)
    %slice3A_144 = vector.extract_strided_slice %get3A_6 {offsets = [6], sizes = [1], strides = [1]} : vector<16xi32> to vector<1xi32>
    %squeeze3A_145 = vector.extract %slice3A_144[0] : i32 from vector<1xi32>
    %shift_right_arithmetic3A_146 = arith.constant 7 : i32
    %shift_right_arithmetic3A_147 = arith.shrsi %squeeze3A_145, %shift_right_arithmetic3A_146 : i32
    %shift_left3A_148 = arith.constant 7 : i32
    %shift_left3A_149 = arith.shli %shift_right_arithmetic3A_147, %shift_left3A_148 : i32
    %min3A_150 = arith.constant 999808 : i32
    %min3A_151 = arith.minsi %shift_left3A_149, %min3A_150 : i32
    %multiple_of3A_152 = tpu.assume_multiple %min3A_151, 128 : i32
    %add3A_153 = arith.constant 0 : i32
    %add3A_154 = arith.constant 6 : i32
    %add3A_155 = arith.addi %add3A_153, %add3A_154 : i32
    %dma_start3A_156 = arith.constant 0 : i32
    %dma_start3A_157 = arith.constant 0 : i32
    %dma_start3A_158 = tpu.memref_slice %arg9[%add3A_155, %dma_start3A_156, %dma_start3A_157] : memref<48x16x128xf32, #tpu.memory_space<vmem>> -> memref<1x16x128xf32, #tpu.memory_space<vmem>>
    %dma_start3A_159 = tpu.memref_squeeze %dma_start3A_158 : memref<1x16x128xf32, #tpu.memory_space<vmem>> -> memref<16x128xf32, #tpu.memory_space<vmem>>
    %dma_start3A_160 = arith.constant 0 : i32
    %dma_start3A_161 = tpu.memref_slice %arg2[%dma_start3A_160, %multiple_of3A_152] : memref<16x1000000xf32, #tpu.memory_space<hbm>> -> memref<16x128xf32, #tpu.memory_space<hbm>>
    %dma_start3A_162 = arith.constant 0 : i32
    %dma_start3A_163 = arith.constant 0 : i32
    %dma_start3A_164 = tpu.memref_slice %arg9[%add3A_155, %dma_start3A_162, %dma_start3A_163] : memref<48x16x128xf32, #tpu.memory_space<vmem>> -> memref<1x16x128xf32, #tpu.memory_space<vmem>>
    %dma_start3A_165 = tpu.memref_squeeze %dma_start3A_164 : memref<1x16x128xf32, #tpu.memory_space<vmem>> -> memref<16x128xf32, #tpu.memory_space<vmem>>
    %dma_start3A_166 = arith.constant 0 : i32
    %dma_start3A_167 = tpu.memref_slice %arg2[%dma_start3A_166, %multiple_of3A_152] : memref<16x1000000xf32, #tpu.memory_space<hbm>> -> memref<16x128xf32, #tpu.memory_space<hbm>>
    tpu.enqueue_dma source(%dma_start3A_167 : memref<16x128xf32, #tpu.memory_space<hbm>>) target(%dma_start3A_165 : memref<16x128xf32, #tpu.memory_space<vmem>>) target_semaphore(%arg12 : memref<!tpu.dma_semaphore, #tpu.memory_space<semaphore_mem>>)
    %slice3A_168 = vector.extract_strided_slice %get3A_6 {offsets = [7], sizes = [1], strides = [1]} : vector<16xi32> to vector<1xi32>
    %squeeze3A_169 = vector.extract %slice3A_168[0] : i32 from vector<1xi32>
    %shift_right_arithmetic3A_170 = arith.constant 7 : i32
    %shift_right_arithmetic3A_171 = arith.shrsi %squeeze3A_169, %shift_right_arithmetic3A_170 : i32
    %shift_left3A_172 = arith.constant 7 : i32
    %shift_left3A_173 = arith.shli %shift_right_arithmetic3A_171, %shift_left3A_172 : i32
    %min3A_174 = arith.constant 999808 : i32
    %min3A_175 = arith.minsi %shift_left3A_173, %min3A_174 : i32
    %multiple_of3A_176 = tpu.assume_multiple %min3A_175, 128 : i32
    %add3A_177 = arith.constant 0 : i32
    %add3A_178 = arith.constant 7 : i32
    %add3A_179 = arith.addi %add3A_177, %add3A_178 : i32
    %dma_start3A_180 = arith.constant 0 : i32
    %dma_start3A_181 = arith.constant 0 : i32
    %dma_start3A_182 = tpu.memref_slice %arg9[%add3A_179, %dma_start3A_180, %dma_start3A_181] : memref<48x16x128xf32, #tpu.memory_space<vmem>> -> memref<1x16x128xf32, #tpu.memory_space<vmem>>
    %dma_start3A_183 = tpu.memref_squeeze %dma_start3A_182 : memref<1x16x128xf32, #tpu.memory_space<vmem>> -> memref<16x128xf32, #tpu.memory_space<vmem>>
    %dma_start3A_184 = arith.constant 0 : i32
    %dma_start3A_185 = tpu.memref_slice %arg2[%dma_start3A_184, %multiple_of3A_176] : memref<16x1000000xf32, #tpu.memory_space<hbm>> -> memref<16x128xf32, #tpu.memory_space<hbm>>
    %dma_start3A_186 = arith.constant 0 : i32
    %dma_start3A_187 = arith.constant 0 : i32
    %dma_start3A_188 = tpu.memref_slice %arg9[%add3A_179, %dma_start3A_186, %dma_start3A_187] : memref<48x16x128xf32, #tpu.memory_space<vmem>> -> memref<1x16x128xf32, #tpu.memory_space<vmem>>
    %dma_start3A_189 = tpu.memref_squeeze %dma_start3A_188 : memref<1x16x128xf32, #tpu.memory_space<vmem>> -> memref<16x128xf32, #tpu.memory_space<vmem>>
    %dma_start3A_190 = arith.constant 0 : i32
    %dma_start3A_191 = tpu.memref_slice %arg2[%dma_start3A_190, %multiple_of3A_176] : memref<16x1000000xf32, #tpu.memory_space<hbm>> -> memref<16x128xf32, #tpu.memory_space<hbm>>
    tpu.enqueue_dma source(%dma_start3A_191 : memref<16x128xf32, #tpu.memory_space<hbm>>) target(%dma_start3A_189 : memref<16x128xf32, #tpu.memory_space<vmem>>) target_semaphore(%arg12 : memref<!tpu.dma_semaphore, #tpu.memory_space<semaphore_mem>>)
    %slice3A_192 = vector.extract_strided_slice %get3A_6 {offsets = [8], sizes = [1], strides = [1]} : vector<16xi32> to vector<1xi32>
    %squeeze3A_193 = vector.extract %slice3A_192[0] : i32 from vector<1xi32>
    %shift_right_arithmetic3A_194 = arith.constant 7 : i32
    %shift_right_arithmetic3A_195 = arith.shrsi %squeeze3A_193, %shift_right_arithmetic3A_194 : i32
    %shift_left3A_196 = arith.constant 7 : i32
    %shift_left3A_197 = arith.shli %shift_right_arithmetic3A_195, %shift_left3A_196 : i32
    %min3A_198 = arith.constant 999808 : i32
    %min3A_199 = arith.minsi %shift_left3A_197, %min3A_198 : i32
    %multiple_of3A_200 = tpu.assume_multiple %min3A_199, 128 : i32
    %add3A_201 = arith.constant 0 : i32
    %add3A_202 = arith.constant 8 : i32
    %add3A_203 = arith.addi %add3A_201, %add3A_202 : i32
    %dma_start3A_204 = arith.constant 0 : i32
    %dma_start3A_205 = arith.constant 0 : i32
    %dma_start3A_206 = tpu.memref_slice %arg9[%add3A_203, %dma_start3A_204, %dma_start3A_205] : memref<48x16x128xf32, #tpu.memory_space<vmem>> -> memref<1x16x128xf32, #tpu.memory_space<vmem>>
    %dma_start3A_207 = tpu.memref_squeeze %dma_start3A_206 : memref<1x16x128xf32, #tpu.memory_space<vmem>> -> memref<16x128xf32, #tpu.memory_space<vmem>>
    %dma_start3A_208 = arith.constant 0 : i32
    %dma_start3A_209 = tpu.memref_slice %arg2[%dma_start3A_208, %multiple_of3A_200] : memref<16x1000000xf32, #tpu.memory_space<hbm>> -> memref<16x128xf32, #tpu.memory_space<hbm>>
    %dma_start3A_210 = arith.constant 0 : i32
    %dma_start3A_211 = arith.constant 0 : i32
    %dma_start3A_212 = tpu.memref_slice %arg9[%add3A_203, %dma_start3A_210, %dma_start3A_211] : memref<48x16x128xf32, #tpu.memory_space<vmem>> -> memref<1x16x128xf32, #tpu.memory_space<vmem>>
    %dma_start3A_213 = tpu.memref_squeeze %dma_start3A_212 : memref<1x16x128xf32, #tpu.memory_space<vmem>> -> memref<16x128xf32, #tpu.memory_space<vmem>>
    %dma_start3A_214 = arith.constant 0 : i32
    %dma_start3A_215 = tpu.memref_slice %arg2[%dma_start3A_214, %multiple_of3A_200] : memref<16x1000000xf32, #tpu.memory_space<hbm>> -> memref<16x128xf32, #tpu.memory_space<hbm>>
    tpu.enqueue_dma source(%dma_start3A_215 : memref<16x128xf32, #tpu.memory_space<hbm>>) target(%dma_start3A_213 : memref<16x128xf32, #tpu.memory_space<vmem>>) target_semaphore(%arg12 : memref<!tpu.dma_semaphore, #tpu.memory_space<semaphore_mem>>)
    %slice3A_216 = vector.extract_strided_slice %get3A_6 {offsets = [9], sizes = [1], strides = [1]} : vector<16xi32> to vector<1xi32>
    %squeeze3A_217 = vector.extract %slice3A_216[0] : i32 from vector<1xi32>
    %shift_right_arithmetic3A_218 = arith.constant 7 : i32
    %shift_right_arithmetic3A_219 = arith.shrsi %squeeze3A_217, %shift_right_arithmetic3A_218 : i32
    %shift_left3A_220 = arith.constant 7 : i32
    %shift_left3A_221 = arith.shli %shift_right_arithmetic3A_219, %shift_left3A_220 : i32
    %min3A_222 = arith.constant 999808 : i32
    %min3A_223 = arith.minsi %shift_left3A_221, %min3A_222 : i32
    %multiple_of3A_224 = tpu.assume_multiple %min3A_223, 128 : i32
    %add3A_225 = arith.constant 0 : i32
    %add3A_226 = arith.constant 9 : i32
    %add3A_227 = arith.addi %add3A_225, %add3A_226 : i32
    %dma_start3A_228 = arith.constant 0 : i32
    %dma_start3A_229 = arith.constant 0 : i32
    %dma_start3A_230 = tpu.memref_slice %arg9[%add3A_227, %dma_start3A_228, %dma_start3A_229] : memref<48x16x128xf32, #tpu.memory_space<vmem>> -> memref<1x16x128xf32, #tpu.memory_space<vmem>>
    %dma_start3A_231 = tpu.memref_squeeze %dma_start3A_230 : memref<1x16x128xf32, #tpu.memory_space<vmem>> -> memref<16x128xf32, #tpu.memory_space<vmem>>
    %dma_start3A_232 = arith.constant 0 : i32
    %dma_start3A_233 = tpu.memref_slice %arg2[%dma_start3A_232, %multiple_of3A_224] : memref<16x1000000xf32, #tpu.memory_space<hbm>> -> memref<16x128xf32, #tpu.memory_space<hbm>>
    %dma_start3A_234 = arith.constant 0 : i32
    %dma_start3A_235 = arith.constant 0 : i32
    %dma_start3A_236 = tpu.memref_slice %arg9[%add3A_227, %dma_start3A_234, %dma_start3A_235] : memref<48x16x128xf32, #tpu.memory_space<vmem>> -> memref<1x16x128xf32, #tpu.memory_space<vmem>>
    %dma_start3A_237 = tpu.memref_squeeze %dma_start3A_236 : memref<1x16x128xf32, #tpu.memory_space<vmem>> -> memref<16x128xf32, #tpu.memory_space<vmem>>
    %dma_start3A_238 = arith.constant 0 : i32
    %dma_start3A_239 = tpu.memref_slice %arg2[%dma_start3A_238, %multiple_of3A_224] : memref<16x1000000xf32, #tpu.memory_space<hbm>> -> memref<16x128xf32, #tpu.memory_space<hbm>>
    tpu.enqueue_dma source(%dma_start3A_239 : memref<16x128xf32, #tpu.memory_space<hbm>>) target(%dma_start3A_237 : memref<16x128xf32, #tpu.memory_space<vmem>>) target_semaphore(%arg12 : memref<!tpu.dma_semaphore, #tpu.memory_space<semaphore_mem>>)
    %slice3A_240 = vector.extract_strided_slice %get3A_6 {offsets = [10], sizes = [1], strides = [1]} : vector<16xi32> to vector<1xi32>
    %squeeze3A_241 = vector.extract %slice3A_240[0] : i32 from vector<1xi32>
    %shift_right_arithmetic3A_242 = arith.constant 7 : i32
    %shift_right_arithmetic3A_243 = arith.shrsi %squeeze3A_241, %shift_right_arithmetic3A_242 : i32
    %shift_left3A_244 = arith.constant 7 : i32
    %shift_left3A_245 = arith.shli %shift_right_arithmetic3A_243, %shift_left3A_244 : i32
    %min3A_246 = arith.constant 999808 : i32
    %min3A_247 = arith.minsi %shift_left3A_245, %min3A_246 : i32
    %multiple_of3A_248 = tpu.assume_multiple %min3A_247, 128 : i32
    %add3A_249 = arith.constant 0 : i32
    %add3A_250 = arith.constant 10 : i32
    %add3A_251 = arith.addi %add3A_249, %add3A_250 : i32
    %dma_start3A_252 = arith.constant 0 : i32
    %dma_start3A_253 = arith.constant 0 : i32
    %dma_start3A_254 = tpu.memref_slice %arg9[%add3A_251, %dma_start3A_252, %dma_start3A_253] : memref<48x16x128xf32, #tpu.memory_space<vmem>> -> memref<1x16x128xf32, #tpu.memory_space<vmem>>
    %dma_start3A_255 = tpu.memref_squeeze %dma_start3A_254 : memref<1x16x128xf32, #tpu.memory_space<vmem>> -> memref<16x128xf32, #tpu.memory_space<vmem>>
    %dma_start3A_256 = arith.constant 0 : i32
    %dma_start3A_257 = tpu.memref_slice %arg2[%dma_start3A_256, %multiple_of3A_248] : memref<16x1000000xf32, #tpu.memory_space<hbm>> -> memref<16x128xf32, #tpu.memory_space<hbm>>
    %dma_start3A_258 = arith.constant 0 : i32
    %dma_start3A_259 = arith.constant 0 : i32
    %dma_start3A_260 = tpu.memref_slice %arg9[%add3A_251, %dma_start3A_258, %dma_start3A_259] : memref<48x16x128xf32, #tpu.memory_space<vmem>> -> memref<1x16x128xf32, #tpu.memory_space<vmem>>
    %dma_start3A_261 = tpu.memref_squeeze %dma_start3A_260 : memref<1x16x128xf32, #tpu.memory_space<vmem>> -> memref<16x128xf32, #tpu.memory_space<vmem>>
    %dma_start3A_262 = arith.constant 0 : i32
    %dma_start3A_263 = tpu.memref_slice %arg2[%dma_start3A_262, %multiple_of3A_248] : memref<16x1000000xf32, #tpu.memory_space<hbm>> -> memref<16x128xf32, #tpu.memory_space<hbm>>
    tpu.enqueue_dma source(%dma_start3A_263 : memref<16x128xf32, #tpu.memory_space<hbm>>) target(%dma_start3A_261 : memref<16x128xf32, #tpu.memory_space<vmem>>) target_semaphore(%arg12 : memref<!tpu.dma_semaphore, #tpu.memory_space<semaphore_mem>>)
    %slice3A_264 = vector.extract_strided_slice %get3A_6 {offsets = [11], sizes = [1], strides = [1]} : vector<16xi32> to vector<1xi32>
    %squeeze3A_265 = vector.extract %slice3A_264[0] : i32 from vector<1xi32>
    %shift_right_arithmetic3A_266 = arith.constant 7 : i32
    %shift_right_arithmetic3A_267 = arith.shrsi %squeeze3A_265, %shift_right_arithmetic3A_266 : i32
    %shift_left3A_268 = arith.constant 7 : i32
    %shift_left3A_269 = arith.shli %shift_right_arithmetic3A_267, %shift_left3A_268 : i32
    %min3A_270 = arith.constant 999808 : i32
    %min3A_271 = arith.minsi %shift_left3A_269, %min3A_270 : i32
    %multiple_of3A_272 = tpu.assume_multiple %min3A_271, 128 : i32
    %add3A_273 = arith.constant 0 : i32
    %add3A_274 = arith.constant 11 : i32
    %add3A_275 = arith.addi %add3A_273, %add3A_274 : i32
    %dma_start3A_276 = arith.constant 0 : i32
    %dma_start3A_277 = arith.constant 0 : i32
    %dma_start3A_278 = tpu.memref_slice %arg9[%add3A_275, %dma_start3A_276, %dma_start3A_277] : memref<48x16x128xf32, #tpu.memory_space<vmem>> -> memref<1x16x128xf32, #tpu.memory_space<vmem>>
    %dma_start3A_279 = tpu.memref_squeeze %dma_start3A_278 : memref<1x16x128xf32, #tpu.memory_space<vmem>> -> memref<16x128xf32, #tpu.memory_space<vmem>>
    %dma_start3A_280 = arith.constant 0 : i32
    %dma_start3A_281 = tpu.memref_slice %arg2[%dma_start3A_280, %multiple_of3A_272] : memref<16x1000000xf32, #tpu.memory_space<hbm>> -> memref<16x128xf32, #tpu.memory_space<hbm>>
    %dma_start3A_282 = arith.constant 0 : i32
    %dma_start3A_283 = arith.constant 0 : i32
    %dma_start3A_284 = tpu.memref_slice %arg9[%add3A_275, %dma_start3A_282, %dma_start3A_283] : memref<48x16x128xf32, #tpu.memory_space<vmem>> -> memref<1x16x128xf32, #tpu.memory_space<vmem>>
    %dma_start3A_285 = tpu.memref_squeeze %dma_start3A_284 : memref<1x16x128xf32, #tpu.memory_space<vmem>> -> memref<16x128xf32, #tpu.memory_space<vmem>>
    %dma_start3A_286 = arith.constant 0 : i32
    %dma_start3A_287 = tpu.memref_slice %arg2[%dma_start3A_286, %multiple_of3A_272] : memref<16x1000000xf32, #tpu.memory_space<hbm>> -> memref<16x128xf32, #tpu.memory_space<hbm>>
    tpu.enqueue_dma source(%dma_start3A_287 : memref<16x128xf32, #tpu.memory_space<hbm>>) target(%dma_start3A_285 : memref<16x128xf32, #tpu.memory_space<vmem>>) target_semaphore(%arg12 : memref<!tpu.dma_semaphore, #tpu.memory_space<semaphore_mem>>)
    %slice3A_288 = vector.extract_strided_slice %get3A_6 {offsets = [12], sizes = [1], strides = [1]} : vector<16xi32> to vector<1xi32>
    %squeeze3A_289 = vector.extract %slice3A_288[0] : i32 from vector<1xi32>
    %shift_right_arithmetic3A_290 = arith.constant 7 : i32
    %shift_right_arithmetic3A_291 = arith.shrsi %squeeze3A_289, %shift_right_arithmetic3A_290 : i32
    %shift_left3A_292 = arith.constant 7 : i32
    %shift_left3A_293 = arith.shli %shift_right_arithmetic3A_291, %shift_left3A_292 : i32
    %min3A_294 = arith.constant 999808 : i32
    %min3A_295 = arith.minsi %shift_left3A_293, %min3A_294 : i32
    %multiple_of3A_296 = tpu.assume_multiple %min3A_295, 128 : i32
    %add3A_297 = arith.constant 0 : i32
    %add3A_298 = arith.constant 12 : i32
    %add3A_299 = arith.addi %add3A_297, %add3A_298 : i32
    %dma_start3A_300 = arith.constant 0 : i32
    %dma_start3A_301 = arith.constant 0 : i32
    %dma_start3A_302 = tpu.memref_slice %arg9[%add3A_299, %dma_start3A_300, %dma_start3A_301] : memref<48x16x128xf32, #tpu.memory_space<vmem>> -> memref<1x16x128xf32, #tpu.memory_space<vmem>>
    %dma_start3A_303 = tpu.memref_squeeze %dma_start3A_302 : memref<1x16x128xf32, #tpu.memory_space<vmem>> -> memref<16x128xf32, #tpu.memory_space<vmem>>
    %dma_start3A_304 = arith.constant 0 : i32
    %dma_start3A_305 = tpu.memref_slice %arg2[%dma_start3A_304, %multiple_of3A_296] : memref<16x1000000xf32, #tpu.memory_space<hbm>> -> memref<16x128xf32, #tpu.memory_space<hbm>>
    %dma_start3A_306 = arith.constant 0 : i32
    %dma_start3A_307 = arith.constant 0 : i32
    %dma_start3A_308 = tpu.memref_slice %arg9[%add3A_299, %dma_start3A_306, %dma_start3A_307] : memref<48x16x128xf32, #tpu.memory_space<vmem>> -> memref<1x16x128xf32, #tpu.memory_space<vmem>>
    %dma_start3A_309 = tpu.memref_squeeze %dma_start3A_308 : memref<1x16x128xf32, #tpu.memory_space<vmem>> -> memref<16x128xf32, #tpu.memory_space<vmem>>
    %dma_start3A_310 = arith.constant 0 : i32
    %dma_start3A_311 = tpu.memref_slice %arg2[%dma_start3A_310, %multiple_of3A_296] : memref<16x1000000xf32, #tpu.memory_space<hbm>> -> memref<16x128xf32, #tpu.memory_space<hbm>>
    tpu.enqueue_dma source(%dma_start3A_311 : memref<16x128xf32, #tpu.memory_space<hbm>>) target(%dma_start3A_309 : memref<16x128xf32, #tpu.memory_space<vmem>>) target_semaphore(%arg12 : memref<!tpu.dma_semaphore, #tpu.memory_space<semaphore_mem>>)
    %slice3A_312 = vector.extract_strided_slice %get3A_6 {offsets = [13], sizes = [1], strides = [1]} : vector<16xi32> to vector<1xi32>
    %squeeze3A_313 = vector.extract %slice3A_312[0] : i32 from vector<1xi32>
    %shift_right_arithmetic3A_314 = arith.constant 7 : i32
    %shift_right_arithmetic3A_315 = arith.shrsi %squeeze3A_313, %shift_right_arithmetic3A_314 : i32
    %shift_left3A_316 = arith.constant 7 : i32
    %shift_left3A_317 = arith.shli %shift_right_arithmetic3A_315, %shift_left3A_316 : i32
    %min3A_318 = arith.constant 999808 : i32
    %min3A_319 = arith.minsi %shift_left3A_317, %min3A_318 : i32
    %multiple_of3A_320 = tpu.assume_multiple %min3A_319, 128 : i32
    %add3A_321 = arith.constant 0 : i32
    %add3A_322 = arith.constant 13 : i32
    %add3A_323 = arith.addi %add3A_321, %add3A_322 : i32
    %dma_start3A_324 = arith.constant 0 : i32
    %dma_start3A_325 = arith.constant 0 : i32
    %dma_start3A_326 = tpu.memref_slice %arg9[%add3A_323, %dma_start3A_324, %dma_start3A_325] : memref<48x16x128xf32, #tpu.memory_space<vmem>> -> memref<1x16x128xf32, #tpu.memory_space<vmem>>
    %dma_start3A_327 = tpu.memref_squeeze %dma_start3A_326 : memref<1x16x128xf32, #tpu.memory_space<vmem>> -> memref<16x128xf32, #tpu.memory_space<vmem>>
    %dma_start3A_328 = arith.constant 0 : i32
    %dma_start3A_329 = tpu.memref_slice %arg2[%dma_start3A_328, %multiple_of3A_320] : memref<16x1000000xf32, #tpu.memory_space<hbm>> -> memref<16x128xf32, #tpu.memory_space<hbm>>
    %dma_start3A_330 = arith.constant 0 : i32
    %dma_start3A_331 = arith.constant 0 : i32
    %dma_start3A_332 = tpu.memref_slice %arg9[%add3A_323, %dma_start3A_330, %dma_start3A_331] : memref<48x16x128xf32, #tpu.memory_space<vmem>> -> memref<1x16x128xf32, #tpu.memory_space<vmem>>
    %dma_start3A_333 = tpu.memref_squeeze %dma_start3A_332 : memref<1x16x128xf32, #tpu.memory_space<vmem>> -> memref<16x128xf32, #tpu.memory_space<vmem>>
    %dma_start3A_334 = arith.constant 0 : i32
    %dma_start3A_335 = tpu.memref_slice %arg2[%dma_start3A_334, %multiple_of3A_320] : memref<16x1000000xf32, #tpu.memory_space<hbm>> -> memref<16x128xf32, #tpu.memory_space<hbm>>
    tpu.enqueue_dma source(%dma_start3A_335 : memref<16x128xf32, #tpu.memory_space<hbm>>) target(%dma_start3A_333 : memref<16x128xf32, #tpu.memory_space<vmem>>) target_semaphore(%arg12 : memref<!tpu.dma_semaphore, #tpu.memory_space<semaphore_mem>>)
    %slice3A_336 = vector.extract_strided_slice %get3A_6 {offsets = [14], sizes = [1], strides = [1]} : vector<16xi32> to vector<1xi32>
    %squeeze3A_337 = vector.extract %slice3A_336[0] : i32 from vector<1xi32>
    %shift_right_arithmetic3A_338 = arith.constant 7 : i32
    %shift_right_arithmetic3A_339 = arith.shrsi %squeeze3A_337, %shift_right_arithmetic3A_338 : i32
    %shift_left3A_340 = arith.constant 7 : i32
    %shift_left3A_341 = arith.shli %shift_right_arithmetic3A_339, %shift_left3A_340 : i32
    %min3A_342 = arith.constant 999808 : i32
    %min3A_343 = arith.minsi %shift_left3A_341, %min3A_342 : i32
    %multiple_of3A_344 = tpu.assume_multiple %min3A_343, 128 : i32
    %add3A_345 = arith.constant 0 : i32
    %add3A_346 = arith.constant 14 : i32
    %add3A_347 = arith.addi %add3A_345, %add3A_346 : i32
    %dma_start3A_348 = arith.constant 0 : i32
    %dma_start3A_349 = arith.constant 0 : i32
    %dma_start3A_350 = tpu.memref_slice %arg9[%add3A_347, %dma_start3A_348, %dma_start3A_349] : memref<48x16x128xf32, #tpu.memory_space<vmem>> -> memref<1x16x128xf32, #tpu.memory_space<vmem>>
    %dma_start3A_351 = tpu.memref_squeeze %dma_start3A_350 : memref<1x16x128xf32, #tpu.memory_space<vmem>> -> memref<16x128xf32, #tpu.memory_space<vmem>>
    %dma_start3A_352 = arith.constant 0 : i32
    %dma_start3A_353 = tpu.memref_slice %arg2[%dma_start3A_352, %multiple_of3A_344] : memref<16x1000000xf32, #tpu.memory_space<hbm>> -> memref<16x128xf32, #tpu.memory_space<hbm>>
    %dma_start3A_354 = arith.constant 0 : i32
    %dma_start3A_355 = arith.constant 0 : i32
    %dma_start3A_356 = tpu.memref_slice %arg9[%add3A_347, %dma_start3A_354, %dma_start3A_355] : memref<48x16x128xf32, #tpu.memory_space<vmem>> -> memref<1x16x128xf32, #tpu.memory_space<vmem>>
    %dma_start3A_357 = tpu.memref_squeeze %dma_start3A_356 : memref<1x16x128xf32, #tpu.memory_space<vmem>> -> memref<16x128xf32, #tpu.memory_space<vmem>>
    %dma_start3A_358 = arith.constant 0 : i32
    %dma_start3A_359 = tpu.memref_slice %arg2[%dma_start3A_358, %multiple_of3A_344] : memref<16x1000000xf32, #tpu.memory_space<hbm>> -> memref<16x128xf32, #tpu.memory_space<hbm>>
    tpu.enqueue_dma source(%dma_start3A_359 : memref<16x128xf32, #tpu.memory_space<hbm>>) target(%dma_start3A_357 : memref<16x128xf32, #tpu.memory_space<vmem>>) target_semaphore(%arg12 : memref<!tpu.dma_semaphore, #tpu.memory_space<semaphore_mem>>)
    %slice3A_360 = vector.extract_strided_slice %get3A_6 {offsets = [15], sizes = [1], strides = [1]} : vector<16xi32> to vector<1xi32>
    %squeeze3A_361 = vector.extract %slice3A_360[0] : i32 from vector<1xi32>
    %shift_right_arithmetic3A_362 = arith.constant 7 : i32
    %shift_right_arithmetic3A_363 = arith.shrsi %squeeze3A_361, %shift_right_arithmetic3A_362 : i32
    %shift_left3A_364 = arith.constant 7 : i32
    %shift_left3A_365 = arith.shli %shift_right_arithmetic3A_363, %shift_left3A_364 : i32
    %min3A_366 = arith.constant 999808 : i32
    %min3A_367 = arith.minsi %shift_left3A_365, %min3A_366 : i32
    %multiple_of3A_368 = tpu.assume_multiple %min3A_367, 128 : i32
    %add3A_369 = arith.constant 0 : i32
    %add3A_370 = arith.constant 15 : i32
    %add3A_371 = arith.addi %add3A_369, %add3A_370 : i32
    %dma_start3A_372 = arith.constant 0 : i32
    %dma_start3A_373 = arith.constant 0 : i32
    %dma_start3A_374 = tpu.memref_slice %arg9[%add3A_371, %dma_start3A_372, %dma_start3A_373] : memref<48x16x128xf32, #tpu.memory_space<vmem>> -> memref<1x16x128xf32, #tpu.memory_space<vmem>>
    %dma_start3A_375 = tpu.memref_squeeze %dma_start3A_374 : memref<1x16x128xf32, #tpu.memory_space<vmem>> -> memref<16x128xf32, #tpu.memory_space<vmem>>
    %dma_start3A_376 = arith.constant 0 : i32
    %dma_start3A_377 = tpu.memref_slice %arg2[%dma_start3A_376, %multiple_of3A_368] : memref<16x1000000xf32, #tpu.memory_space<hbm>> -> memref<16x128xf32, #tpu.memory_space<hbm>>
    %dma_start3A_378 = arith.constant 0 : i32
    %dma_start3A_379 = arith.constant 0 : i32
    %dma_start3A_380 = tpu.memref_slice %arg9[%add3A_371, %dma_start3A_378, %dma_start3A_379] : memref<48x16x128xf32, #tpu.memory_space<vmem>> -> memref<1x16x128xf32, #tpu.memory_space<vmem>>
    %dma_start3A_381 = tpu.memref_squeeze %dma_start3A_380 : memref<1x16x128xf32, #tpu.memory_space<vmem>> -> memref<16x128xf32, #tpu.memory_space<vmem>>
    %dma_start3A_382 = arith.constant 0 : i32
    %dma_start3A_383 = tpu.memref_slice %arg2[%dma_start3A_382, %multiple_of3A_368] : memref<16x1000000xf32, #tpu.memory_space<hbm>> -> memref<16x128xf32, #tpu.memory_space<hbm>>
    tpu.enqueue_dma source(%dma_start3A_383 : memref<16x128xf32, #tpu.memory_space<hbm>>) target(%dma_start3A_381 : memref<16x128xf32, #tpu.memory_space<vmem>>) target_semaphore(%arg12 : memref<!tpu.dma_semaphore, #tpu.memory_space<semaphore_mem>>)
    %mul3A_384 = arith.constant 1 : i32
    %mul3A_385 = arith.constant 16 : i32
    %mul3A_386 = arith.muli %mul3A_384, %mul3A_385 : i32
    %get3A_387 = arith.index_cast %mul3A_386 : i32 to index
    %get3A_388 = tpu.vector_load %arg7[%get3A_387] {strides = array<i32>} : memref<512xi32, #tpu.memory_space<vmem>>, vector<16xi32>,
    %slice3A_389 = vector.extract_strided_slice %get3A_388 {offsets = [0], sizes = [1], strides = [1]} : vector<16xi32> to vector<1xi32>
    %squeeze3A_390 = vector.extract %slice3A_389[0] : i32 from vector<1xi32>
    %shift_right_arithmetic3A_391 = arith.constant 7 : i32
    %shift_right_arithmetic3A_392 = arith.shrsi %squeeze3A_390, %shift_right_arithmetic3A_391 : i32
    %shift_left3A_393 = arith.constant 7 : i32
    %shift_left3A_394 = arith.shli %shift_right_arithmetic3A_392, %shift_left3A_393 : i32
    %min3A_395 = arith.constant 999808 : i32
    %min3A_396 = arith.minsi %shift_left3A_394, %min3A_395 : i32
    %multiple_of3A_397 = tpu.assume_multiple %min3A_396, 128 : i32
    %add3A_398 = arith.constant 16 : i32
    %add3A_399 = arith.constant 0 : i32
    %add3A_400 = arith.addi %add3A_398, %add3A_399 : i32
    %dma_start3A_401 = arith.constant 0 : i32
    %dma_start3A_402 = arith.constant 0 : i32
    %dma_start3A_403 = tpu.memref_slice %arg9[%add3A_400, %dma_start3A_401, %dma_start3A_402] : memref<48x16x128xf32, #tpu.memory_space<vmem>> -> memref<1x16x128xf32, #tpu.memory_space<vmem>>
    %dma_start3A_404 = tpu.memref_squeeze %dma_start3A_403 : memref<1x16x128xf32, #tpu.memory_space<vmem>> -> memref<16x128xf32, #tpu.memory_space<vmem>>
    %dma_start3A_405 = arith.constant 0 : i32
    %dma_start3A_406 = tpu.memref_slice %arg2[%dma_start3A_405, %multiple_of3A_397] : memref<16x1000000xf32, #tpu.memory_space<hbm>> -> memref<16x128xf32, #tpu.memory_space<hbm>>
    %dma_start3A_407 = arith.constant 0 : i32
    %dma_start3A_408 = arith.constant 0 : i32
    %dma_start3A_409 = tpu.memref_slice %arg9[%add3A_400, %dma_start3A_407, %dma_start3A_408] : memref<48x16x128xf32, #tpu.memory_space<vmem>> -> memref<1x16x128xf32, #tpu.memory_space<vmem>>
    %dma_start3A_410 = tpu.memref_squeeze %dma_start3A_409 : memref<1x16x128xf32, #tpu.memory_space<vmem>> -> memref<16x128xf32, #tpu.memory_space<vmem>>
    %dma_start3A_411 = arith.constant 0 : i32
    %dma_start3A_412 = tpu.memref_slice %arg2[%dma_start3A_411, %multiple_of3A_397] : memref<16x1000000xf32, #tpu.memory_space<hbm>> -> memref<16x128xf32, #tpu.memory_space<hbm>>
    tpu.enqueue_dma source(%dma_start3A_412 : memref<16x128xf32, #tpu.memory_space<hbm>>) target(%dma_start3A_410 : memref<16x128xf32, #tpu.memory_space<vmem>>) target_semaphore(%arg12 : memref<!tpu.dma_semaphore, #tpu.memory_space<semaphore_mem>>)
    %slice3A_413 = vector.extract_strided_slice %get3A_388 {offsets = [1], sizes = [1], strides = [1]} : vector<16xi32> to vector<1xi32>
    %squeeze3A_414 = vector.extract %slice3A_413[0] : i32 from vector<1xi32>
    %shift_right_arithmetic3A_415 = arith.constant 7 : i32
    %shift_right_arithmetic3A_416 = arith.shrsi %squeeze3A_414, %shift_right_arithmetic3A_415 : i32
    %shift_left3A_417 = arith.constant 7 : i32
    %shift_left3A_418 = arith.shli %shift_right_arithmetic3A_416, %shift_left3A_417 : i32
    %min3A_419 = arith.constant 999808 : i32
    %min3A_420 = arith.minsi %shift_left3A_418, %min3A_419 : i32
    %multiple_of3A_421 = tpu.assume_multiple %min3A_420, 128 : i32
    %add3A_422 = arith.constant 16 : i32
    %add3A_423 = arith.constant 1 : i32
    %add3A_424 = arith.addi %add3A_422, %add3A_423 : i32
    %dma_start3A_425 = arith.constant 0 : i32
    %dma_start3A_426 = arith.constant 0 : i32
    %dma_start3A_427 = tpu.memref_slice %arg9[%add3A_424, %dma_start3A_425, %dma_start3A_426] : memref<48x16x128xf32, #tpu.memory_space<vmem>> -> memref<1x16x128xf32, #tpu.memory_space<vmem>>
    %dma_start3A_428 = tpu.memref_squeeze %dma_start3A_427 : memref<1x16x128xf32, #tpu.memory_space<vmem>> -> memref<16x128xf32, #tpu.memory_space<vmem>>
    %dma_start3A_429 = arith.constant 0 : i32
    %dma_start3A_430 = tpu.memref_slice %arg2[%dma_start3A_429, %multiple_of3A_421] : memref<16x1000000xf32, #tpu.memory_space<hbm>> -> memref<16x128xf32, #tpu.memory_space<hbm>>
    %dma_start3A_431 = arith.constant 0 : i32
    %dma_start3A_432 = arith.constant 0 : i32
    %dma_start3A_433 = tpu.memref_slice %arg9[%add3A_424, %dma_start3A_431, %dma_start3A_432] : memref<48x16x128xf32, #tpu.memory_space<vmem>> -> memref<1x16x128xf32, #tpu.memory_space<vmem>>
    %dma_start3A_434 = tpu.memref_squeeze %dma_start3A_433 : memref<1x16x128xf32, #tpu.memory_space<vmem>> -> memref<16x128xf32, #tpu.memory_space<vmem>>
    %dma_start3A_435 = arith.constant 0 : i32
    %dma_start3A_436 = tpu.memref_slice %arg2[%dma_start3A_435, %multiple_of3A_421] : memref<16x1000000xf32, #tpu.memory_space<hbm>> -> memref<16x128xf32, #tpu.memory_space<hbm>>
    tpu.enqueue_dma source(%dma_start3A_436 : memref<16x128xf32, #tpu.memory_space<hbm>>) target(%dma_start3A_434 : memref<16x128xf32, #tpu.memory_space<vmem>>) target_semaphore(%arg12 : memref<!tpu.dma_semaphore, #tpu.memory_space<semaphore_mem>>)
    %slice3A_437 = vector.extract_strided_slice %get3A_388 {offsets = [2], sizes = [1], strides = [1]} : vector<16xi32> to vector<1xi32>
    %squeeze3A_438 = vector.extract %slice3A_437[0] : i32 from vector<1xi32>
    %shift_right_arithmetic3A_439 = arith.constant 7 : i32
    %shift_right_arithmetic3A_440 = arith.shrsi %squeeze3A_438, %shift_right_arithmetic3A_439 : i32
    %shift_left3A_441 = arith.constant 7 : i32
    %shift_left3A_442 = arith.shli %shift_right_arithmetic3A_440, %shift_left3A_441 : i32
    %min3A_443 = arith.constant 999808 : i32
    %min3A_444 = arith.minsi %shift_left3A_442, %min3A_443 : i32
    %multiple_of3A_445 = tpu.assume_multiple %min3A_444, 128 : i32
    %add3A_446 = arith.constant 16 : i32
    %add3A_447 = arith.constant 2 : i32
    %add3A_448 = arith.addi %add3A_446, %add3A_447 : i32
    %dma_start3A_449 = arith.constant 0 : i32
    %dma_start3A_450 = arith.constant 0 : i32
    %dma_start3A_451 = tpu.memref_slice %arg9[%add3A_448, %dma_start3A_449, %dma_start3A_450] : memref<48x16x128xf32, #tpu.memory_space<vmem>> -> memref<1x16x128xf32, #tpu.memory_space<vmem>>
    %dma_start3A_452 = tpu.memref_squeeze %dma_start3A_451 : memref<1x16x128xf32, #tpu.memory_space<vmem>> -> memref<16x128xf32, #tpu.memory_space<vmem>>
    %dma_start3A_453 = arith.constant 0 : i32
    %dma_start3A_454 = tpu.memref_slice %arg2[%dma_start3A_453, %multiple_of3A_445] : memref<16x1000000xf32, #tpu.memory_space<hbm>> -> memref<16x128xf32, #tpu.memory_space<hbm>>
    %dma_start3A_455 = arith.constant 0 : i32
    %dma_start3A_456 = arith.constant 0 : i32
    %dma_start3A_457 = tpu.memref_slice %arg9[%add3A_448, %dma_start3A_455, %dma_start3A_456] : memref<48x16x128xf32, #tpu.memory_space<vmem>> -> memref<1x16x128xf32, #tpu.memory_space<vmem>>
    %dma_start3A_458 = tpu.memref_squeeze %dma_start3A_457 : memref<1x16x128xf32, #tpu.memory_space<vmem>> -> memref<16x128xf32, #tpu.memory_space<vmem>>
    %dma_start3A_459 = arith.constant 0 : i32
    %dma_start3A_460 = tpu.memref_slice %arg2[%dma_start3A_459, %multiple_of3A_445] : memref<16x1000000xf32, #tpu.memory_space<hbm>> -> memref<16x128xf32, #tpu.memory_space<hbm>>
    tpu.enqueue_dma source(%dma_start3A_460 : memref<16x128xf32, #tpu.memory_space<hbm>>) target(%dma_start3A_458 : memref<16x128xf32, #tpu.memory_space<vmem>>) target_semaphore(%arg12 : memref<!tpu.dma_semaphore, #tpu.memory_space<semaphore_mem>>)
    %slice3A_461 = vector.extract_strided_slice %get3A_388 {offsets = [3], sizes = [1], strides = [1]} : vector<16xi32> to vector<1xi32>
    %squeeze3A_462 = vector.extract %slice3A_461[0] : i32 from vector<1xi32>
    %shift_right_arithmetic3A_463 = arith.constant 7 : i32
    %shift_right_arithmetic3A_464 = arith.shrsi %squeeze3A_462, %shift_right_arithmetic3A_463 : i32
    %shift_left3A_465 = arith.constant 7 : i32
    %shift_left3A_466 = arith.shli %shift_right_arithmetic3A_464, %shift_left3A_465 : i32
    %min3A_467 = arith.constant 999808 : i32
    %min3A_468 = arith.minsi %shift_left3A_466, %min3A_467 : i32
    %multiple_of3A_469 = tpu.assume_multiple %min3A_468, 128 : i32
    %add3A_470 = arith.constant 16 : i32
    %add3A_471 = arith.constant 3 : i32
    %add3A_472 = arith.addi %add3A_470, %add3A_471 : i32
    %dma_start3A_473 = arith.constant 0 : i32
    %dma_start3A_474 = arith.constant 0 : i32
    %dma_start3A_475 = tpu.memref_slice %arg9[%add3A_472, %dma_start3A_473, %dma_start3A_474] : memref<48x16x128xf32, #tpu.memory_space<vmem>> -> memref<1x16x128xf32, #tpu.memory_space<vmem>>
    %dma_start3A_476 = tpu.memref_squeeze %dma_start3A_475 : memref<1x16x128xf32, #tpu.memory_space<vmem>> -> memref<16x128xf32, #tpu.memory_space<vmem>>
    %dma_start3A_477 = arith.constant 0 : i32
    %dma_start3A_478 = tpu.memref_slice %arg2[%dma_start3A_477, %multiple_of3A_469] : memref<16x1000000xf32, #tpu.memory_space<hbm>> -> memref<16x128xf32, #tpu.memory_space<hbm>>
    %dma_start3A_479 = arith.constant 0 : i32
    %dma_start3A_480 = arith.constant 0 : i32
    %dma_start3A_481 = tpu.memref_slice %arg9[%add3A_472, %dma_start3A_479, %dma_start3A_480] : memref<48x16x128xf32, #tpu.memory_space<vmem>> -> memref<1x16x128xf32, #tpu.memory_space<vmem>>
    %dma_start3A_482 = tpu.memref_squeeze %dma_start3A_481 : memref<1x16x128xf32, #tpu.memory_space<vmem>> -> memref<16x128xf32, #tpu.memory_space<vmem>>
    %dma_start3A_483 = arith.constant 0 : i32
    %dma_start3A_484 = tpu.memref_slice %arg2[%dma_start3A_483, %multiple_of3A_469] : memref<16x1000000xf32, #tpu.memory_space<hbm>> -> memref<16x128xf32, #tpu.memory_space<hbm>>
    tpu.enqueue_dma source(%dma_start3A_484 : memref<16x128xf32, #tpu.memory_space<hbm>>) target(%dma_start3A_482 : memref<16x128xf32, #tpu.memory_space<vmem>>) target_semaphore(%arg12 : memref<!tpu.dma_semaphore, #tpu.memory_space<semaphore_mem>>)
    %slice3A_485 = vector.extract_strided_slice %get3A_388 {offsets = [4], sizes = [1], strides = [1]} : vector<16xi32> to vector<1xi32>
    %squeeze3A_486 = vector.extract %slice3A_485[0] : i32 from vector<1xi32>
    %shift_right_arithmetic3A_487 = arith.constant 7 : i32
    %shift_right_arithmetic3A_488 = arith.shrsi %squeeze3A_486, %shift_right_arithmetic3A_487 : i32
    %shift_left3A_489 = arith.constant 7 : i32
    %shift_left3A_490 = arith.shli %shift_right_arithmetic3A_488, %shift_left3A_489 : i32
    %min3A_491 = arith.constant 999808 : i32
    %min3A_492 = arith.minsi %shift_left3A_490, %min3A_491 : i32
    %multiple_of3A_493 = tpu.assume_multiple %min3A_492, 128 : i32
    %add3A_494 = arith.constant 16 : i32
    %add3A_495 = arith.constant 4 : i32
    %add3A_496 = arith.addi %add3A_494, %add3A_495 : i32
    %dma_start3A_497 = arith.constant 0 : i32
    %dma_start3A_498 = arith.constant 0 : i32
    %dma_start3A_499 = tpu.memref_slice %arg9[%add3A_496, %dma_start3A_497, %dma_start3A_498] : memref<48x16x128xf32, #tpu.memory_space<vmem>> -> memref<1x16x128xf32, #tpu.memory_space<vmem>>
    %dma_start3A_500 = tpu.memref_squeeze %dma_start3A_499 : memref<1x16x128xf32, #tpu.memory_space<vmem>> -> memref<16x128xf32, #tpu.memory_space<vmem>>
    %dma_start3A_501 = arith.constant 0 : i32
    %dma_start3A_502 = tpu.memref_slice %arg2[%dma_start3A_501, %multiple_of3A_493] : memref<16x1000000xf32, #tpu.memory_space<hbm>> -> memref<16x128xf32, #tpu.memory_space<hbm>>
    %dma_start3A_503 = arith.constant 0 : i32
    %dma_start3A_504 = arith.constant 0 : i32
    %dma_start3A_505 = tpu.memref_slice %arg9[%add3A_496, %dma_start3A_503, %dma_start3A_504] : memref<48x16x128xf32, #tpu.memory_space<vmem>> -> memref<1x16x128xf32, #tpu.memory_space<vmem>>
    %dma_start3A_506 = tpu.memref_squeeze %dma_start3A_505 : memref<1x16x128xf32, #tpu.memory_space<vmem>> -> memref<16x128xf32, #tpu.memory_space<vmem>>
    %dma_start3A_507 = arith.constant 0 : i32
    %dma_start3A_508 = tpu.memref_slice %arg2[%dma_start3A_507, %multiple_of3A_493] : memref<16x1000000xf32, #tpu.memory_space<hbm>> -> memref<16x128xf32, #tpu.memory_space<hbm>>
    tpu.enqueue_dma source(%dma_start3A_508 : memref<16x128xf32, #tpu.memory_space<hbm>>) target(%dma_start3A_506 : memref<16x128xf32, #tpu.memory_space<vmem>>) target_semaphore(%arg12 : memref<!tpu.dma_semaphore, #tpu.memory_space<semaphore_mem>>)
    %slice3A_509 = vector.extract_strided_slice %get3A_388 {offsets = [5], sizes = [1], strides = [1]} : vector<16xi32> to vector<1xi32>
    %squeeze3A_510 = vector.extract %slice3A_509[0] : i32 from vector<1xi32>
    %shift_right_arithmetic3A_511 = arith.constant 7 : i32
    %shift_right_arithmetic3A_512 = arith.shrsi %squeeze3A_510, %shift_right_arithmetic3A_511 : i32
    %shift_left3A_513 = arith.constant 7 : i32
    %shift_left3A_514 = arith.shli %shift_right_arithmetic3A_512, %shift_left3A_513 : i32
    %min3A_515 = arith.constant 999808 : i32
    %min3A_516 = arith.minsi %shift_left3A_514, %min3A_515 : i32
    %multiple_of3A_517 = tpu.assume_multiple %min3A_516, 128 : i32
    %add3A_518 = arith.constant 16 : i32
    %add3A_519 = arith.constant 5 : i32
    %add3A_520 = arith.addi %add3A_518, %add3A_519 : i32
    %dma_start3A_521 = arith.constant 0 : i32
    %dma_start3A_522 = arith.constant 0 : i32
    %dma_start3A_523 = tpu.memref_slice %arg9[%add3A_520, %dma_start3A_521, %dma_start3A_522] : memref<48x16x128xf32, #tpu.memory_space<vmem>> -> memref<1x16x128xf32, #tpu.memory_space<vmem>>
    %dma_start3A_524 = tpu.memref_squeeze %dma_start3A_523 : memref<1x16x128xf32, #tpu.memory_space<vmem>> -> memref<16x128xf32, #tpu.memory_space<vmem>>
    %dma_start3A_525 = arith.constant 0 : i32
    %dma_start3A_526 = tpu.memref_slice %arg2[%dma_start3A_525, %multiple_of3A_517] : memref<16x1000000xf32, #tpu.memory_space<hbm>> -> memref<16x128xf32, #tpu.memory_space<hbm>>
    %dma_start3A_527 = arith.constant 0 : i32
    %dma_start3A_528 = arith.constant 0 : i32
    %dma_start3A_529 = tpu.memref_slice %arg9[%add3A_520, %dma_start3A_527, %dma_start3A_528] : memref<48x16x128xf32, #tpu.memory_space<vmem>> -> memref<1x16x128xf32, #tpu.memory_space<vmem>>
    %dma_start3A_530 = tpu.memref_squeeze %dma_start3A_529 : memref<1x16x128xf32, #tpu.memory_space<vmem>> -> memref<16x128xf32, #tpu.memory_space<vmem>>
    %dma_start3A_531 = arith.constant 0 : i32
    %dma_start3A_532 = tpu.memref_slice %arg2[%dma_start3A_531, %multiple_of3A_517] : memref<16x1000000xf32, #tpu.memory_space<hbm>> -> memref<16x128xf32, #tpu.memory_space<hbm>>
    tpu.enqueue_dma source(%dma_start3A_532 : memref<16x128xf32, #tpu.memory_space<hbm>>) target(%dma_start3A_530 : memref<16x128xf32, #tpu.memory_space<vmem>>) target_semaphore(%arg12 : memref<!tpu.dma_semaphore, #tpu.memory_space<semaphore_mem>>)
    %slice3A_533 = vector.extract_strided_slice %get3A_388 {offsets = [6], sizes = [1], strides = [1]} : vector<16xi32> to vector<1xi32>
    %squeeze3A_534 = vector.extract %slice3A_533[0] : i32 from vector<1xi32>
    %shift_right_arithmetic3A_535 = arith.constant 7 : i32
    %shift_right_arithmetic3A_536 = arith.shrsi %squeeze3A_534, %shift_right_arithmetic3A_535 : i32
    %shift_left3A_537 = arith.constant 7 : i32
    %shift_left3A_538 = arith.shli %shift_right_arithmetic3A_536, %shift_left3A_537 : i32
    %min3A_539 = arith.constant 999808 : i32
    %min3A_540 = arith.minsi %shift_left3A_538, %min3A_539 : i32
    %multiple_of3A_541 = tpu.assume_multiple %min3A_540, 128 : i32
    %add3A_542 = arith.constant 16 : i32
    %add3A_543 = arith.constant 6 : i32
    %add3A_544 = arith.addi %add3A_542, %add3A_543 : i32
    %dma_start3A_545 = arith.constant 0 : i32
    %dma_start3A_546 = arith.constant 0 : i32
    %dma_start3A_547 = tpu.memref_slice %arg9[%add3A_544, %dma_start3A_545, %dma_start3A_546] : memref<48x16x128xf32, #tpu.memory_space<vmem>> -> memref<1x16x128xf32, #tpu.memory_space<vmem>>
    %dma_start3A_548 = tpu.memref_squeeze %dma_start3A_547 : memref<1x16x128xf32, #tpu.memory_space<vmem>> -> memref<16x128xf32, #tpu.memory_space<vmem>>
    %dma_start3A_549 = arith.constant 0 : i32
    %dma_start3A_550 = tpu.memref_slice %arg2[%dma_start3A_549, %multiple_of3A_541] : memref<16x1000000xf32, #tpu.memory_space<hbm>> -> memref<16x128xf32, #tpu.memory_space<hbm>>
    %dma_start3A_551 = arith.constant 0 : i32
    %dma_start3A_552 = arith.constant 0 : i32
    %dma_start3A_553 = tpu.memref_slice %arg9[%add3A_544, %dma_start3A_551, %dma_start3A_552] : memref<48x16x128xf32, #tpu.memory_space<vmem>> -> memref<1x16x128xf32, #tpu.memory_space<vmem>>
    %dma_start3A_554 = tpu.memref_squeeze %dma_start3A_553 : memref<1x16x128xf32, #tpu.memory_space<vmem>> -> memref<16x128xf32, #tpu.memory_space<vmem>>
    %dma_start3A_555 = arith.constant 0 : i32
    %dma_start3A_556 = tpu.memref_slice %arg2[%dma_start3A_555, %multiple_of3A_541] : memref<16x1000000xf32, #tpu.memory_space<hbm>> -> memref<16x128xf32, #tpu.memory_space<hbm>>
    tpu.enqueue_dma source(%dma_start3A_556 : memref<16x128xf32, #tpu.memory_space<hbm>>) target(%dma_start3A_554 : memref<16x128xf32, #tpu.memory_space<vmem>>) target_semaphore(%arg12 : memref<!tpu.dma_semaphore, #tpu.memory_space<semaphore_mem>>)
    %slice3A_557 = vector.extract_strided_slice %get3A_388 {offsets = [7], sizes = [1], strides = [1]} : vector<16xi32> to vector<1xi32>
    %squeeze3A_558 = vector.extract %slice3A_557[0] : i32 from vector<1xi32>
    %shift_right_arithmetic3A_559 = arith.constant 7 : i32
    %shift_right_arithmetic3A_560 = arith.shrsi %squeeze3A_558, %shift_right_arithmetic3A_559 : i32
    %shift_left3A_561 = arith.constant 7 : i32
    %shift_left3A_562 = arith.shli %shift_right_arithmetic3A_560, %shift_left3A_561 : i32
    %min3A_563 = arith.constant 999808 : i32
    %min3A_564 = arith.minsi %shift_left3A_562, %min3A_563 : i32
    %multiple_of3A_565 = tpu.assume_multiple %min3A_564, 128 : i32
    %add3A_566 = arith.constant 16 : i32
    %add3A_567 = arith.constant 7 : i32
    %add3A_568 = arith.addi %add3A_566, %add3A_567 : i32
    %dma_start3A_569 = arith.constant 0 : i32
    %dma_start3A_570 = arith.constant 0 : i32
    %dma_start3A_571 = tpu.memref_slice %arg9[%add3A_568, %dma_start3A_569, %dma_start3A_570] : memref<48x16x128xf32, #tpu.memory_space<vmem>> -> memref<1x16x128xf32, #tpu.memory_space<vmem>>
    %dma_start3A_572 = tpu.memref_squeeze %dma_start3A_571 : memref<1x16x128xf32, #tpu.memory_space<vmem>> -> memref<16x128xf32, #tpu.memory_space<vmem>>
    %dma_start3A_573 = arith.constant 0 : i32
    %dma_start3A_574 = tpu.memref_slice %arg2[%dma_start3A_573, %multiple_of3A_565] : memref<16x1000000xf32, #tpu.memory_space<hbm>> -> memref<16x128xf32, #tpu.memory_space<hbm>>
    %dma_start3A_575 = arith.constant 0 : i32
    %dma_start3A_576 = arith.constant 0 : i32
    %dma_start3A_577 = tpu.memref_slice %arg9[%add3A_568, %dma_start3A_575, %dma_start3A_576] : memref<48x16x128xf32, #tpu.memory_space<vmem>> -> memref<1x16x128xf32, #tpu.memory_space<vmem>>
    %dma_start3A_578 = tpu.memref_squeeze %dma_start3A_577 : memref<1x16x128xf32, #tpu.memory_space<vmem>> -> memref<16x128xf32, #tpu.memory_space<vmem>>
    %dma_start3A_579 = arith.constant 0 : i32
    %dma_start3A_580 = tpu.memref_slice %arg2[%dma_start3A_579, %multiple_of3A_565] : memref<16x1000000xf32, #tpu.memory_space<hbm>> -> memref<16x128xf32, #tpu.memory_space<hbm>>
    tpu.enqueue_dma source(%dma_start3A_580 : memref<16x128xf32, #tpu.memory_space<hbm>>) target(%dma_start3A_578 : memref<16x128xf32, #tpu.memory_space<vmem>>) target_semaphore(%arg12 : memref<!tpu.dma_semaphore, #tpu.memory_space<semaphore_mem>>)
    %slice3A_581 = vector.extract_strided_slice %get3A_388 {offsets = [8], sizes = [1], strides = [1]} : vector<16xi32> to vector<1xi32>
    %squeeze3A_582 = vector.extract %slice3A_581[0] : i32 from vector<1xi32>
    %shift_right_arithmetic3A_583 = arith.constant 7 : i32
    %shift_right_arithmetic3A_584 = arith.shrsi %squeeze3A_582, %shift_right_arithmetic3A_583 : i32
    %shift_left3A_585 = arith.constant 7 : i32
    %shift_left3A_586 = arith.shli %shift_right_arithmetic3A_584, %shift_left3A_585 : i32
    %min3A_587 = arith.constant 999808 : i32
    %min3A_588 = arith.minsi %shift_left3A_586, %min3A_587 : i32
    %multiple_of3A_589 = tpu.assume_multiple %min3A_588, 128 : i32
    %add3A_590 = arith.constant 16 : i32
    %add3A_591 = arith.constant 8 : i32
    %add3A_592 = arith.addi %add3A_590, %add3A_591 : i32
    %dma_start3A_593 = arith.constant 0 : i32
    %dma_start3A_594 = arith.constant 0 : i32
    %dma_start3A_595 = tpu.memref_slice %arg9[%add3A_592, %dma_start3A_593, %dma_start3A_594] : memref<48x16x128xf32, #tpu.memory_space<vmem>> -> memref<1x16x128xf32, #tpu.memory_space<vmem>>
    %dma_start3A_596 = tpu.memref_squeeze %dma_start3A_595 : memref<1x16x128xf32, #tpu.memory_space<vmem>> -> memref<16x128xf32, #tpu.memory_space<vmem>>
    %dma_start3A_597 = arith.constant 0 : i32
    %dma_start3A_598 = tpu.memref_slice %arg2[%dma_start3A_597, %multiple_of3A_589] : memref<16x1000000xf32, #tpu.memory_space<hbm>> -> memref<16x128xf32, #tpu.memory_space<hbm>>
    %dma_start3A_599 = arith.constant 0 : i32
    %dma_start3A_600 = arith.constant 0 : i32
    %dma_start3A_601 = tpu.memref_slice %arg9[%add3A_592, %dma_start3A_599, %dma_start3A_600] : memref<48x16x128xf32, #tpu.memory_space<vmem>> -> memref<1x16x128xf32, #tpu.memory_space<vmem>>
    %dma_start3A_602 = tpu.memref_squeeze %dma_start3A_601 : memref<1x16x128xf32, #tpu.memory_space<vmem>> -> memref<16x128xf32, #tpu.memory_space<vmem>>
    %dma_start3A_603 = arith.constant 0 : i32
    %dma_start3A_604 = tpu.memref_slice %arg2[%dma_start3A_603, %multiple_of3A_589] : memref<16x1000000xf32, #tpu.memory_space<hbm>> -> memref<16x128xf32, #tpu.memory_space<hbm>>
    tpu.enqueue_dma source(%dma_start3A_604 : memref<16x128xf32, #tpu.memory_space<hbm>>) target(%dma_start3A_602 : memref<16x128xf32, #tpu.memory_space<vmem>>) target_semaphore(%arg12 : memref<!tpu.dma_semaphore, #tpu.memory_space<semaphore_mem>>)
    %slice3A_605 = vector.extract_strided_slice %get3A_388 {offsets = [9], sizes = [1], strides = [1]} : vector<16xi32> to vector<1xi32>
    %squeeze3A_606 = vector.extract %slice3A_605[0] : i32 from vector<1xi32>
    %shift_right_arithmetic3A_607 = arith.constant 7 : i32
    %shift_right_arithmetic3A_608 = arith.shrsi %squeeze3A_606, %shift_right_arithmetic3A_607 : i32
    %shift_left3A_609 = arith.constant 7 : i32
    %shift_left3A_610 = arith.shli %shift_right_arithmetic3A_608, %shift_left3A_609 : i32
    %min3A_611 = arith.constant 999808 : i32
    %min3A_612 = arith.minsi %shift_left3A_610, %min3A_611 : i32
    %multiple_of3A_613 = tpu.assume_multiple %min3A_612, 128 : i32
    %add3A_614 = arith.constant 16 : i32
    %add3A_615 = arith.constant 9 : i32
    %add3A_616 = arith.addi %add3A_614, %add3A_615 : i32
    %dma_start3A_617 = arith.constant 0 : i32
    %dma_start3A_618 = arith.constant 0 : i32
    %dma_start3A_619 = tpu.memref_slice %arg9[%add3A_616, %dma_start3A_617, %dma_start3A_618] : memref<48x16x128xf32, #tpu.memory_space<vmem>> -> memref<1x16x128xf32, #tpu.memory_space<vmem>>
    %dma_start3A_620 = tpu.memref_squeeze %dma_start3A_619 : memref<1x16x128xf32, #tpu.memory_space<vmem>> -> memref<16x128xf32, #tpu.memory_space<vmem>>
    %dma_start3A_621 = arith.constant 0 : i32
    %dma_start3A_622 = tpu.memref_slice %arg2[%dma_start3A_621, %multiple_of3A_613] : memref<16x1000000xf32, #tpu.memory_space<hbm>> -> memref<16x128xf32, #tpu.memory_space<hbm>>
    %dma_start3A_623 = arith.constant 0 : i32
    %dma_start3A_624 = arith.constant 0 : i32
    %dma_start3A_625 = tpu.memref_slice %arg9[%add3A_616, %dma_start3A_623, %dma_start3A_624] : memref<48x16x128xf32, #tpu.memory_space<vmem>> -> memref<1x16x128xf32, #tpu.memory_space<vmem>>
    %dma_start3A_626 = tpu.memref_squeeze %dma_start3A_625 : memref<1x16x128xf32, #tpu.memory_space<vmem>> -> memref<16x128xf32, #tpu.memory_space<vmem>>
    %dma_start3A_627 = arith.constant 0 : i32
    %dma_start3A_628 = tpu.memref_slice %arg2[%dma_start3A_627, %multiple_of3A_613] : memref<16x1000000xf32, #tpu.memory_space<hbm>> -> memref<16x128xf32, #tpu.memory_space<hbm>>
    tpu.enqueue_dma source(%dma_start3A_628 : memref<16x128xf32, #tpu.memory_space<hbm>>) target(%dma_start3A_626 : memref<16x128xf32, #tpu.memory_space<vmem>>) target_semaphore(%arg12 : memref<!tpu.dma_semaphore, #tpu.memory_space<semaphore_mem>>)
    %slice3A_629 = vector.extract_strided_slice %get3A_388 {offsets = [10], sizes = [1], strides = [1]} : vector<16xi32> to vector<1xi32>
    %squeeze3A_630 = vector.extract %slice3A_629[0] : i32 from vector<1xi32>
    %shift_right_arithmetic3A_631 = arith.constant 7 : i32
    %shift_right_arithmetic3A_632 = arith.shrsi %squeeze3A_630, %shift_right_arithmetic3A_631 : i32
    %shift_left3A_633 = arith.constant 7 : i32
    %shift_left3A_634 = arith.shli %shift_right_arithmetic3A_632, %shift_left3A_633 : i32
    %min3A_635 = arith.constant 999808 : i32
    %min3A_636 = arith.minsi %shift_left3A_634, %min3A_635 : i32
    %multiple_of3A_637 = tpu.assume_multiple %min3A_636, 128 : i32
    %add3A_638 = arith.constant 16 : i32
    %add3A_639 = arith.constant 10 : i32
    %add3A_640 = arith.addi %add3A_638, %add3A_639 : i32
    %dma_start3A_641 = arith.constant 0 : i32
    %dma_start3A_642 = arith.constant 0 : i32
    %dma_start3A_643 = tpu.memref_slice %arg9[%add3A_640, %dma_start3A_641, %dma_start3A_642] : memref<48x16x128xf32, #tpu.memory_space<vmem>> -> memref<1x16x128xf32, #tpu.memory_space<vmem>>
    %dma_start3A_644 = tpu.memref_squeeze %dma_start3A_643 : memref<1x16x128xf32, #tpu.memory_space<vmem>> -> memref<16x128xf32, #tpu.memory_space<vmem>>
    %dma_start3A_645 = arith.constant 0 : i32
    %dma_start3A_646 = tpu.memref_slice %arg2[%dma_start3A_645, %multiple_of3A_637] : memref<16x1000000xf32, #tpu.memory_space<hbm>> -> memref<16x128xf32, #tpu.memory_space<hbm>>
    %dma_start3A_647 = arith.constant 0 : i32
    %dma_start3A_648 = arith.constant 0 : i32
    %dma_start3A_649 = tpu.memref_slice %arg9[%add3A_640, %dma_start3A_647, %dma_start3A_648] : memref<48x16x128xf32, #tpu.memory_space<vmem>> -> memref<1x16x128xf32, #tpu.memory_space<vmem>>
    %dma_start3A_650 = tpu.memref_squeeze %dma_start3A_649 : memref<1x16x128xf32, #tpu.memory_space<vmem>> -> memref<16x128xf32, #tpu.memory_space<vmem>>
    %dma_start3A_651 = arith.constant 0 : i32
    %dma_start3A_652 = tpu.memref_slice %arg2[%dma_start3A_651, %multiple_of3A_637] : memref<16x1000000xf32, #tpu.memory_space<hbm>> -> memref<16x128xf32, #tpu.memory_space<hbm>>
    tpu.enqueue_dma source(%dma_start3A_652 : memref<16x128xf32, #tpu.memory_space<hbm>>) target(%dma_start3A_650 : memref<16x128xf32, #tpu.memory_space<vmem>>) target_semaphore(%arg12 : memref<!tpu.dma_semaphore, #tpu.memory_space<semaphore_mem>>)
    %slice3A_653 = vector.extract_strided_slice %get3A_388 {offsets = [11], sizes = [1], strides = [1]} : vector<16xi32> to vector<1xi32>
    %squeeze3A_654 = vector.extract %slice3A_653[0] : i32 from vector<1xi32>
    %shift_right_arithmetic3A_655 = arith.constant 7 : i32
    %shift_right_arithmetic3A_656 = arith.shrsi %squeeze3A_654, %shift_right_arithmetic3A_655 : i32
    %shift_left3A_657 = arith.constant 7 : i32
    %shift_left3A_658 = arith.shli %shift_right_arithmetic3A_656, %shift_left3A_657 : i32
    %min3A_659 = arith.constant 999808 : i32
    %min3A_660 = arith.minsi %shift_left3A_658, %min3A_659 : i32
    %multiple_of3A_661 = tpu.assume_multiple %min3A_660, 128 : i32
    %add3A_662 = arith.constant 16 : i32
    %add3A_663 = arith.constant 11 : i32
    %add3A_664 = arith.addi %add3A_662, %add3A_663 : i32
    %dma_start3A_665 = arith.constant 0 : i32
    %dma_start3A_666 = arith.constant 0 : i32
    %dma_start3A_667 = tpu.memref_slice %arg9[%add3A_664, %dma_start3A_665, %dma_start3A_666] : memref<48x16x128xf32, #tpu.memory_space<vmem>> -> memref<1x16x128xf32, #tpu.memory_space<vmem>>
    %dma_start3A_668 = tpu.memref_squeeze %dma_start3A_667 : memref<1x16x128xf32, #tpu.memory_space<vmem>> -> memref<16x128xf32, #tpu.memory_space<vmem>>
    %dma_start3A_669 = arith.constant 0 : i32
    %dma_start3A_670 = tpu.memref_slice %arg2[%dma_start3A_669, %multiple_of3A_661] : memref<16x1000000xf32, #tpu.memory_space<hbm>> -> memref<16x128xf32, #tpu.memory_space<hbm>>
    %dma_start3A_671 = arith.constant 0 : i32
    %dma_start3A_672 = arith.constant 0 : i32
    %dma_start3A_673 = tpu.memref_slice %arg9[%add3A_664, %dma_start3A_671, %dma_start3A_672] : memref<48x16x128xf32, #tpu.memory_space<vmem>> -> memref<1x16x128xf32, #tpu.memory_space<vmem>>
    %dma_start3A_674 = tpu.memref_squeeze %dma_start3A_673 : memref<1x16x128xf32, #tpu.memory_space<vmem>> -> memref<16x128xf32, #tpu.memory_space<vmem>>
    %dma_start3A_675 = arith.constant 0 : i32
    %dma_start3A_676 = tpu.memref_slice %arg2[%dma_start3A_675, %multiple_of3A_661] : memref<16x1000000xf32, #tpu.memory_space<hbm>> -> memref<16x128xf32, #tpu.memory_space<hbm>>
    tpu.enqueue_dma source(%dma_start3A_676 : memref<16x128xf32, #tpu.memory_space<hbm>>) target(%dma_start3A_674 : memref<16x128xf32, #tpu.memory_space<vmem>>) target_semaphore(%arg12 : memref<!tpu.dma_semaphore, #tpu.memory_space<semaphore_mem>>)
    %slice3A_677 = vector.extract_strided_slice %get3A_388 {offsets = [12], sizes = [1], strides = [1]} : vector<16xi32> to vector<1xi32>
    %squeeze3A_678 = vector.extract %slice3A_677[0] : i32 from vector<1xi32>
    %shift_right_arithmetic3A_679 = arith.constant 7 : i32
    %shift_right_arithmetic3A_680 = arith.shrsi %squeeze3A_678, %shift_right_arithmetic3A_679 : i32
    %shift_left3A_681 = arith.constant 7 : i32
    %shift_left3A_682 = arith.shli %shift_right_arithmetic3A_680, %shift_left3A_681 : i32
    %min3A_683 = arith.constant 999808 : i32
    %min3A_684 = arith.minsi %shift_left3A_682, %min3A_683 : i32
    %multiple_of3A_685 = tpu.assume_multiple %min3A_684, 128 : i32
    %add3A_686 = arith.constant 16 : i32
    %add3A_687 = arith.constant 12 : i32
    %add3A_688 = arith.addi %add3A_686, %add3A_687 : i32
    %dma_start3A_689 = arith.constant 0 : i32
    %dma_start3A_690 = arith.constant 0 : i32
    %dma_start3A_691 = tpu.memref_slice %arg9[%add3A_688, %dma_start3A_689, %dma_start3A_690] : memref<48x16x128xf32, #tpu.memory_space<vmem>> -> memref<1x16x128xf32, #tpu.memory_space<vmem>>
    %dma_start3A_692 = tpu.memref_squeeze %dma_start3A_691 : memref<1x16x128xf32, #tpu.memory_space<vmem>> -> memref<16x128xf32, #tpu.memory_space<vmem>>
    %dma_start3A_693 = arith.constant 0 : i32
    %dma_start3A_694 = tpu.memref_slice %arg2[%dma_start3A_693, %multiple_of3A_685] : memref<16x1000000xf32, #tpu.memory_space<hbm>> -> memref<16x128xf32, #tpu.memory_space<hbm>>
    %dma_start3A_695 = arith.constant 0 : i32
    %dma_start3A_696 = arith.constant 0 : i32
    %dma_start3A_697 = tpu.memref_slice %arg9[%add3A_688, %dma_start3A_695, %dma_start3A_696] : memref<48x16x128xf32, #tpu.memory_space<vmem>> -> memref<1x16x128xf32, #tpu.memory_space<vmem>>
    %dma_start3A_698 = tpu.memref_squeeze %dma_start3A_697 : memref<1x16x128xf32, #tpu.memory_space<vmem>> -> memref<16x128xf32, #tpu.memory_space<vmem>>
    %dma_start3A_699 = arith.constant 0 : i32
    %dma_start3A_700 = tpu.memref_slice %arg2[%dma_start3A_699, %multiple_of3A_685] : memref<16x1000000xf32, #tpu.memory_space<hbm>> -> memref<16x128xf32, #tpu.memory_space<hbm>>
    tpu.enqueue_dma source(%dma_start3A_700 : memref<16x128xf32, #tpu.memory_space<hbm>>) target(%dma_start3A_698 : memref<16x128xf32, #tpu.memory_space<vmem>>) target_semaphore(%arg12 : memref<!tpu.dma_semaphore, #tpu.memory_space<semaphore_mem>>)
    %slice3A_701 = vector.extract_strided_slice %get3A_388 {offsets = [13], sizes = [1], strides = [1]} : vector<16xi32> to vector<1xi32>
    %squeeze3A_702 = vector.extract %slice3A_701[0] : i32 from vector<1xi32>
    %shift_right_arithmetic3A_703 = arith.constant 7 : i32
    %shift_right_arithmetic3A_704 = arith.shrsi %squeeze3A_702, %shift_right_arithmetic3A_703 : i32
    %shift_left3A_705 = arith.constant 7 : i32
    %shift_left3A_706 = arith.shli %shift_right_arithmetic3A_704, %shift_left3A_705 : i32
    %min3A_707 = arith.constant 999808 : i32
    %min3A_708 = arith.minsi %shift_left3A_706, %min3A_707 : i32
    %multiple_of3A_709 = tpu.assume_multiple %min3A_708, 128 : i32
    %add3A_710 = arith.constant 16 : i32
    %add3A_711 = arith.constant 13 : i32
    %add3A_712 = arith.addi %add3A_710, %add3A_711 : i32
    %dma_start3A_713 = arith.constant 0 : i32
    %dma_start3A_714 = arith.constant 0 : i32
    %dma_start3A_715 = tpu.memref_slice %arg9[%add3A_712, %dma_start3A_713, %dma_start3A_714] : memref<48x16x128xf32, #tpu.memory_space<vmem>> -> memref<1x16x128xf32, #tpu.memory_space<vmem>>
    %dma_start3A_716 = tpu.memref_squeeze %dma_start3A_715 : memref<1x16x128xf32, #tpu.memory_space<vmem>> -> memref<16x128xf32, #tpu.memory_space<vmem>>
    %dma_start3A_717 = arith.constant 0 : i32
    %dma_start3A_718 = tpu.memref_slice %arg2[%dma_start3A_717, %multiple_of3A_709] : memref<16x1000000xf32, #tpu.memory_space<hbm>> -> memref<16x128xf32, #tpu.memory_space<hbm>>
    %dma_start3A_719 = arith.constant 0 : i32
    %dma_start3A_720 = arith.constant 0 : i32
    %dma_start3A_721 = tpu.memref_slice %arg9[%add3A_712, %dma_start3A_719, %dma_start3A_720] : memref<48x16x128xf32, #tpu.memory_space<vmem>> -> memref<1x16x128xf32, #tpu.memory_space<vmem>>
    %dma_start3A_722 = tpu.memref_squeeze %dma_start3A_721 : memref<1x16x128xf32, #tpu.memory_space<vmem>> -> memref<16x128xf32, #tpu.memory_space<vmem>>
    %dma_start3A_723 = arith.constant 0 : i32
    %dma_start3A_724 = tpu.memref_slice %arg2[%dma_start3A_723, %multiple_of3A_709] : memref<16x1000000xf32, #tpu.memory_space<hbm>> -> memref<16x128xf32, #tpu.memory_space<hbm>>
    tpu.enqueue_dma source(%dma_start3A_724 : memref<16x128xf32, #tpu.memory_space<hbm>>) target(%dma_start3A_722 : memref<16x128xf32, #tpu.memory_space<vmem>>) target_semaphore(%arg12 : memref<!tpu.dma_semaphore, #tpu.memory_space<semaphore_mem>>)
    %slice3A_725 = vector.extract_strided_slice %get3A_388 {offsets = [14], sizes = [1], strides = [1]} : vector<16xi32> to vector<1xi32>
    %squeeze3A_726 = vector.extract %slice3A_725[0] : i32 from vector<1xi32>
    %shift_right_arithmetic3A_727 = arith.constant 7 : i32
    %shift_right_arithmetic3A_728 = arith.shrsi %squeeze3A_726, %shift_right_arithmetic3A_727 : i32
    %shift_left3A_729 = arith.constant 7 : i32
    %shift_left3A_730 = arith.shli %shift_right_arithmetic3A_728, %shift_left3A_729 : i32
    %min3A_731 = arith.constant 999808 : i32
    %min3A_732 = arith.minsi %shift_left3A_730, %min3A_731 : i32
    %multiple_of3A_733 = tpu.assume_multiple %min3A_732, 128 : i32
    %add3A_734 = arith.constant 16 : i32
    %add3A_735 = arith.constant 14 : i32
    %add3A_736 = arith.addi %add3A_734, %add3A_735 : i32
    %dma_start3A_737 = arith.constant 0 : i32
    %dma_start3A_738 = arith.constant 0 : i32
    %dma_start3A_739 = tpu.memref_slice %arg9[%add3A_736, %dma_start3A_737, %dma_start3A_738] : memref<48x16x128xf32, #tpu.memory_space<vmem>> -> memref<1x16x128xf32, #tpu.memory_space<vmem>>
    %dma_start3A_740 = tpu.memref_squeeze %dma_start3A_739 : memref<1x16x128xf32, #tpu.memory_space<vmem>> -> memref<16x128xf32, #tpu.memory_space<vmem>>
    %dma_start3A_741 = arith.constant 0 : i32
    %dma_start3A_742 = tpu.memref_slice %arg2[%dma_start3A_741, %multiple_of3A_733] : memref<16x1000000xf32, #tpu.memory_space<hbm>> -> memref<16x128xf32, #tpu.memory_space<hbm>>
    %dma_start3A_743 = arith.constant 0 : i32
    %dma_start3A_744 = arith.constant 0 : i32
    %dma_start3A_745 = tpu.memref_slice %arg9[%add3A_736, %dma_start3A_743, %dma_start3A_744] : memref<48x16x128xf32, #tpu.memory_space<vmem>> -> memref<1x16x128xf32, #tpu.memory_space<vmem>>
    %dma_start3A_746 = tpu.memref_squeeze %dma_start3A_745 : memref<1x16x128xf32, #tpu.memory_space<vmem>> -> memref<16x128xf32, #tpu.memory_space<vmem>>
    %dma_start3A_747 = arith.constant 0 : i32
    %dma_start3A_748 = tpu.memref_slice %arg2[%dma_start3A_747, %multiple_of3A_733] : memref<16x1000000xf32, #tpu.memory_space<hbm>> -> memref<16x128xf32, #tpu.memory_space<hbm>>
    tpu.enqueue_dma source(%dma_start3A_748 : memref<16x128xf32, #tpu.memory_space<hbm>>) target(%dma_start3A_746 : memref<16x128xf32, #tpu.memory_space<vmem>>) target_semaphore(%arg12 : memref<!tpu.dma_semaphore, #tpu.memory_space<semaphore_mem>>)
    %slice3A_749 = vector.extract_strided_slice %get3A_388 {offsets = [15], sizes = [1], strides = [1]} : vector<16xi32> to vector<1xi32>
    %squeeze3A_750 = vector.extract %slice3A_749[0] : i32 from vector<1xi32>
    %shift_right_arithmetic3A_751 = arith.constant 7 : i32
    %shift_right_arithmetic3A_752 = arith.shrsi %squeeze3A_750, %shift_right_arithmetic3A_751 : i32
    %shift_left3A_753 = arith.constant 7 : i32
    %shift_left3A_754 = arith.shli %shift_right_arithmetic3A_752, %shift_left3A_753 : i32
    %min3A_755 = arith.constant 999808 : i32
    %min3A_756 = arith.minsi %shift_left3A_754, %min3A_755 : i32
    %multiple_of3A_757 = tpu.assume_multiple %min3A_756, 128 : i32
    %add3A_758 = arith.constant 16 : i32
    %add3A_759 = arith.constant 15 : i32
    %add3A_760 = arith.addi %add3A_758, %add3A_759 : i32
    %dma_start3A_761 = arith.constant 0 : i32
    %dma_start3A_762 = arith.constant 0 : i32
    %dma_start3A_763 = tpu.memref_slice %arg9[%add3A_760, %dma_start3A_761, %dma_start3A_762] : memref<48x16x128xf32, #tpu.memory_space<vmem>> -> memref<1x16x128xf32, #tpu.memory_space<vmem>>
    %dma_start3A_764 = tpu.memref_squeeze %dma_start3A_763 : memref<1x16x128xf32, #tpu.memory_space<vmem>> -> memref<16x128xf32, #tpu.memory_space<vmem>>
    %dma_start3A_765 = arith.constant 0 : i32
    %dma_start3A_766 = tpu.memref_slice %arg2[%dma_start3A_765, %multiple_of3A_757] : memref<16x1000000xf32, #tpu.memory_space<hbm>> -> memref<16x128xf32, #tpu.memory_space<hbm>>
    %dma_start3A_767 = arith.constant 0 : i32
    %dma_start3A_768 = arith.constant 0 : i32
    %dma_start3A_769 = tpu.memref_slice %arg9[%add3A_760, %dma_start3A_767, %dma_start3A_768] : memref<48x16x128xf32, #tpu.memory_space<vmem>> -> memref<1x16x128xf32, #tpu.memory_space<vmem>>
    %dma_start3A_770 = tpu.memref_squeeze %dma_start3A_769 : memref<1x16x128xf32, #tpu.memory_space<vmem>> -> memref<16x128xf32, #tpu.memory_space<vmem>>
    %dma_start3A_771 = arith.constant 0 : i32
    %dma_start3A_772 = tpu.memref_slice %arg2[%dma_start3A_771, %multiple_of3A_757] : memref<16x1000000xf32, #tpu.memory_space<hbm>> -> memref<16x128xf32, #tpu.memory_space<hbm>>
    tpu.enqueue_dma source(%dma_start3A_772 : memref<16x128xf32, #tpu.memory_space<hbm>>) target(%dma_start3A_770 : memref<16x128xf32, #tpu.memory_space<vmem>>) target_semaphore(%arg12 : memref<!tpu.dma_semaphore, #tpu.memory_space<semaphore_mem>>)
    %scan3A = arith.constant 0 : i32
    %scan3A_773 = arith.constant 32 : i32
    %scan3A_774 = arith.addi %scan3A, %scan3A_773 : i32
    %scan3A_775 = arith.constant 1 : i32
    scf.for %scan3A_777 = %scan3A to %scan3A_774 step %scan3A_775  : i32 {
      %jit3A = arith.constant 3 : i32
      %eq3A = arith.constant 0 : i32
      %eq3A_778 = arith.cmpi eq, %jit3A, %eq3A : i32
      %jit3A_779 = arith.constant 1 : i32
      %select_n3A = arith.select %eq3A_778, %jit3A_779, %jit3A : i32
      %rem3A = arith.remsi %scan3A_777, %select_n3A : i32
      %ne3A = arith.constant 0 : i32
      %ne3A_780 = arith.cmpi ne, %rem3A, %ne3A : i32
      %lt3A = arith.constant 0 : i32
      %lt3A_781 = arith.cmpi slt, %rem3A, %lt3A : i32
      %lt3A_782 = arith.constant 0 : i32
      %lt3A_783 = arith.cmpi slt, %select_n3A, %lt3A_782 : i32
      %ne3A_784 = arith.xori %lt3A_781, %lt3A_783 : i1
      %and3A = arith.andi %ne3A_784, %ne3A_780 : i1
      %add3A_785 = arith.addi %rem3A, %select_n3A : i32
      %select_n3A_786 = arith.select %and3A, %add3A_785, %rem3A : i32
      %mul3A_787 = arith.constant 16 : i32
      %mul3A_788 = arith.muli %select_n3A_786, %mul3A_787 : i32
      %add3A_789 = arith.constant 0 : i32
      %add3A_790 = arith.addi %mul3A_788, %add3A_789 : i32
      %dma_wait3A = arith.constant 0 : i32
      %dma_wait3A_791 = arith.constant 0 : i32
      %dma_wait3A_792 = tpu.memref_slice %arg9[%add3A_790, %dma_wait3A, %dma_wait3A_791] : memref<48x16x128xf32, #tpu.memory_space<vmem>> -> memref<1x16x128xf32, #tpu.memory_space<vmem>>
      %dma_wait3A_793 = tpu.memref_squeeze %dma_wait3A_792 : memref<1x16x128xf32, #tpu.memory_space<vmem>> -> memref<16x128xf32, #tpu.memory_space<vmem>>
      %dma_wait3A_794 = arith.constant 0 : i32
      %dma_wait3A_795 = arith.constant 0 : i32
      %dma_wait3A_796 = tpu.memref_slice %arg2[%dma_wait3A_794, %dma_wait3A_795] : memref<16x1000000xf32, #tpu.memory_space<hbm>> -> memref<16x128xf32, #tpu.memory_space<hbm>>
      %dma_wait3A_797 = arith.constant 0 : i32
      %dma_wait3A_798 = arith.constant 0 : i32
      %dma_wait3A_799 = tpu.memref_slice %arg9[%add3A_790, %dma_wait3A_797, %dma_wait3A_798] : memref<48x16x128xf32, #tpu.memory_space<vmem>> -> memref<1x16x128xf32, #tpu.memory_space<vmem>>
      %dma_wait3A_800 = tpu.memref_squeeze %dma_wait3A_799 : memref<1x16x128xf32, #tpu.memory_space<vmem>> -> memref<16x128xf32, #tpu.memory_space<vmem>>
      %dma_wait3A_801 = arith.constant 0 : i32
      %dma_wait3A_802 = arith.constant 0 : i32
      %dma_wait3A_803 = tpu.memref_slice %arg2[%dma_wait3A_801, %dma_wait3A_802] : memref<16x1000000xf32, #tpu.memory_space<hbm>> -> memref<16x128xf32, #tpu.memory_space<hbm>>
      tpu.wait_dma2 semaphore(%arg12 : memref<!tpu.dma_semaphore, #tpu.memory_space<semaphore_mem>>) src(%dma_wait3A_803 : memref<16x128xf32, #tpu.memory_space<hbm>>) dst(%dma_wait3A_800 : memref<16x128xf32, #tpu.memory_space<vmem>>)
      %add3A_804 = arith.constant 1 : i32
      %add3A_805 = arith.addi %mul3A_788, %add3A_804 : i32
      %dma_wait3A_806 = arith.constant 0 : i32
      %dma_wait3A_807 = arith.constant 0 : i32
      %dma_wait3A_808 = tpu.memref_slice %arg9[%add3A_805, %dma_wait3A_806, %dma_wait3A_807] : memref<48x16x128xf32, #tpu.memory_space<vmem>> -> memref<1x16x128xf32, #tpu.memory_space<vmem>>
      %dma_wait3A_809 = tpu.memref_squeeze %dma_wait3A_808 : memref<1x16x128xf32, #tpu.memory_space<vmem>> -> memref<16x128xf32, #tpu.memory_space<vmem>>
      %dma_wait3A_810 = arith.constant 0 : i32
      %dma_wait3A_811 = arith.constant 0 : i32
      %dma_wait3A_812 = tpu.memref_slice %arg2[%dma_wait3A_810, %dma_wait3A_811] : memref<16x1000000xf32, #tpu.memory_space<hbm>> -> memref<16x128xf32, #tpu.memory_space<hbm>>
      %dma_wait3A_813 = arith.constant 0 : i32
      %dma_wait3A_814 = arith.constant 0 : i32
      %dma_wait3A_815 = tpu.memref_slice %arg9[%add3A_805, %dma_wait3A_813, %dma_wait3A_814] : memref<48x16x128xf32, #tpu.memory_space<vmem>> -> memref<1x16x128xf32, #tpu.memory_space<vmem>>
      %dma_wait3A_816 = tpu.memref_squeeze %dma_wait3A_815 : memref<1x16x128xf32, #tpu.memory_space<vmem>> -> memref<16x128xf32, #tpu.memory_space<vmem>>
      %dma_wait3A_817 = arith.constant 0 : i32
      %dma_wait3A_818 = arith.constant 0 : i32
      %dma_wait3A_819 = tpu.memref_slice %arg2[%dma_wait3A_817, %dma_wait3A_818] : memref<16x1000000xf32, #tpu.memory_space<hbm>> -> memref<16x128xf32, #tpu.memory_space<hbm>>
      tpu.wait_dma2 semaphore(%arg12 : memref<!tpu.dma_semaphore, #tpu.memory_space<semaphore_mem>>) src(%dma_wait3A_819 : memref<16x128xf32, #tpu.memory_space<hbm>>) dst(%dma_wait3A_816 : memref<16x128xf32, #tpu.memory_space<vmem>>)
      %add3A_820 = arith.constant 2 : i32
      %add3A_821 = arith.addi %mul3A_788, %add3A_820 : i32
      %dma_wait3A_822 = arith.constant 0 : i32
      %dma_wait3A_823 = arith.constant 0 : i32
      %dma_wait3A_824 = tpu.memref_slice %arg9[%add3A_821, %dma_wait3A_822, %dma_wait3A_823] : memref<48x16x128xf32, #tpu.memory_space<vmem>> -> memref<1x16x128xf32, #tpu.memory_space<vmem>>
      %dma_wait3A_825 = tpu.memref_squeeze %dma_wait3A_824 : memref<1x16x128xf32, #tpu.memory_space<vmem>> -> memref<16x128xf32, #tpu.memory_space<vmem>>
      %dma_wait3A_826 = arith.constant 0 : i32
      %dma_wait3A_827 = arith.constant 0 : i32
      %dma_wait3A_828 = tpu.memref_slice %arg2[%dma_wait3A_826, %dma_wait3A_827] : memref<16x1000000xf32, #tpu.memory_space<hbm>> -> memref<16x128xf32, #tpu.memory_space<hbm>>
      %dma_wait3A_829 = arith.constant 0 : i32
      %dma_wait3A_830 = arith.constant 0 : i32
      %dma_wait3A_831 = tpu.memref_slice %arg9[%add3A_821, %dma_wait3A_829, %dma_wait3A_830] : memref<48x16x128xf32, #tpu.memory_space<vmem>> -> memref<1x16x128xf32, #tpu.memory_space<vmem>>
      %dma_wait3A_832 = tpu.memref_squeeze %dma_wait3A_831 : memref<1x16x128xf32, #tpu.memory_space<vmem>> -> memref<16x128xf32, #tpu.memory_space<vmem>>
      %dma_wait3A_833 = arith.constant 0 : i32
      %dma_wait3A_834 = arith.constant 0 : i32
      %dma_wait3A_835 = tpu.memref_slice %arg2[%dma_wait3A_833, %dma_wait3A_834] : memref<16x1000000xf32, #tpu.memory_space<hbm>> -> memref<16x128xf32, #tpu.memory_space<hbm>>
      tpu.wait_dma2 semaphore(%arg12 : memref<!tpu.dma_semaphore, #tpu.memory_space<semaphore_mem>>) src(%dma_wait3A_835 : memref<16x128xf32, #tpu.memory_space<hbm>>) dst(%dma_wait3A_832 : memref<16x128xf32, #tpu.memory_space<vmem>>)
      %add3A_836 = arith.constant 3 : i32
      %add3A_837 = arith.addi %mul3A_788, %add3A_836 : i32
      %dma_wait3A_838 = arith.constant 0 : i32
      %dma_wait3A_839 = arith.constant 0 : i32
      %dma_wait3A_840 = tpu.memref_slice %arg9[%add3A_837, %dma_wait3A_838, %dma_wait3A_839] : memref<48x16x128xf32, #tpu.memory_space<vmem>> -> memref<1x16x128xf32, #tpu.memory_space<vmem>>
      %dma_wait3A_841 = tpu.memref_squeeze %dma_wait3A_840 : memref<1x16x128xf32, #tpu.memory_space<vmem>> -> memref<16x128xf32, #tpu.memory_space<vmem>>
      %dma_wait3A_842 = arith.constant 0 : i32
      %dma_wait3A_843 = arith.constant 0 : i32
      %dma_wait3A_844 = tpu.memref_slice %arg2[%dma_wait3A_842, %dma_wait3A_843] : memref<16x1000000xf32, #tpu.memory_space<hbm>> -> memref<16x128xf32, #tpu.memory_space<hbm>>
      %dma_wait3A_845 = arith.constant 0 : i32
      %dma_wait3A_846 = arith.constant 0 : i32
      %dma_wait3A_847 = tpu.memref_slice %arg9[%add3A_837, %dma_wait3A_845, %dma_wait3A_846] : memref<48x16x128xf32, #tpu.memory_space<vmem>> -> memref<1x16x128xf32, #tpu.memory_space<vmem>>
      %dma_wait3A_848 = tpu.memref_squeeze %dma_wait3A_847 : memref<1x16x128xf32, #tpu.memory_space<vmem>> -> memref<16x128xf32, #tpu.memory_space<vmem>>
      %dma_wait3A_849 = arith.constant 0 : i32
      %dma_wait3A_850 = arith.constant 0 : i32
      %dma_wait3A_851 = tpu.memref_slice %arg2[%dma_wait3A_849, %dma_wait3A_850] : memref<16x1000000xf32, #tpu.memory_space<hbm>> -> memref<16x128xf32, #tpu.memory_space<hbm>>
      tpu.wait_dma2 semaphore(%arg12 : memref<!tpu.dma_semaphore, #tpu.memory_space<semaphore_mem>>) src(%dma_wait3A_851 : memref<16x128xf32, #tpu.memory_space<hbm>>) dst(%dma_wait3A_848 : memref<16x128xf32, #tpu.memory_space<vmem>>)
      %add3A_852 = arith.constant 4 : i32
      %add3A_853 = arith.addi %mul3A_788, %add3A_852 : i32
      %dma_wait3A_854 = arith.constant 0 : i32
      %dma_wait3A_855 = arith.constant 0 : i32
      %dma_wait3A_856 = tpu.memref_slice %arg9[%add3A_853, %dma_wait3A_854, %dma_wait3A_855] : memref<48x16x128xf32, #tpu.memory_space<vmem>> -> memref<1x16x128xf32, #tpu.memory_space<vmem>>
      %dma_wait3A_857 = tpu.memref_squeeze %dma_wait3A_856 : memref<1x16x128xf32, #tpu.memory_space<vmem>> -> memref<16x128xf32, #tpu.memory_space<vmem>>
      %dma_wait3A_858 = arith.constant 0 : i32
      %dma_wait3A_859 = arith.constant 0 : i32
      %dma_wait3A_860 = tpu.memref_slice %arg2[%dma_wait3A_858, %dma_wait3A_859] : memref<16x1000000xf32, #tpu.memory_space<hbm>> -> memref<16x128xf32, #tpu.memory_space<hbm>>
      %dma_wait3A_861 = arith.constant 0 : i32
      %dma_wait3A_862 = arith.constant 0 : i32
      %dma_wait3A_863 = tpu.memref_slice %arg9[%add3A_853, %dma_wait3A_861, %dma_wait3A_862] : memref<48x16x128xf32, #tpu.memory_space<vmem>> -> memref<1x16x128xf32, #tpu.memory_space<vmem>>
      %dma_wait3A_864 = tpu.memref_squeeze %dma_wait3A_863 : memref<1x16x128xf32, #tpu.memory_space<vmem>> -> memref<16x128xf32, #tpu.memory_space<vmem>>
      %dma_wait3A_865 = arith.constant 0 : i32
      %dma_wait3A_866 = arith.constant 0 : i32
      %dma_wait3A_867 = tpu.memref_slice %arg2[%dma_wait3A_865, %dma_wait3A_866] : memref<16x1000000xf32, #tpu.memory_space<hbm>> -> memref<16x128xf32, #tpu.memory_space<hbm>>
      tpu.wait_dma2 semaphore(%arg12 : memref<!tpu.dma_semaphore, #tpu.memory_space<semaphore_mem>>) src(%dma_wait3A_867 : memref<16x128xf32, #tpu.memory_space<hbm>>) dst(%dma_wait3A_864 : memref<16x128xf32, #tpu.memory_space<vmem>>)
      %add3A_868 = arith.constant 5 : i32
      %add3A_869 = arith.addi %mul3A_788, %add3A_868 : i32
      %dma_wait3A_870 = arith.constant 0 : i32
      %dma_wait3A_871 = arith.constant 0 : i32
      %dma_wait3A_872 = tpu.memref_slice %arg9[%add3A_869, %dma_wait3A_870, %dma_wait3A_871] : memref<48x16x128xf32, #tpu.memory_space<vmem>> -> memref<1x16x128xf32, #tpu.memory_space<vmem>>
      %dma_wait3A_873 = tpu.memref_squeeze %dma_wait3A_872 : memref<1x16x128xf32, #tpu.memory_space<vmem>> -> memref<16x128xf32, #tpu.memory_space<vmem>>
      %dma_wait3A_874 = arith.constant 0 : i32
      %dma_wait3A_875 = arith.constant 0 : i32
      %dma_wait3A_876 = tpu.memref_slice %arg2[%dma_wait3A_874, %dma_wait3A_875] : memref<16x1000000xf32, #tpu.memory_space<hbm>> -> memref<16x128xf32, #tpu.memory_space<hbm>>
      %dma_wait3A_877 = arith.constant 0 : i32
      %dma_wait3A_878 = arith.constant 0 : i32
      %dma_wait3A_879 = tpu.memref_slice %arg9[%add3A_869, %dma_wait3A_877, %dma_wait3A_878] : memref<48x16x128xf32, #tpu.memory_space<vmem>> -> memref<1x16x128xf32, #tpu.memory_space<vmem>>
      %dma_wait3A_880 = tpu.memref_squeeze %dma_wait3A_879 : memref<1x16x128xf32, #tpu.memory_space<vmem>> -> memref<16x128xf32, #tpu.memory_space<vmem>>
      %dma_wait3A_881 = arith.constant 0 : i32
      %dma_wait3A_882 = arith.constant 0 : i32
      %dma_wait3A_883 = tpu.memref_slice %arg2[%dma_wait3A_881, %dma_wait3A_882] : memref<16x1000000xf32, #tpu.memory_space<hbm>> -> memref<16x128xf32, #tpu.memory_space<hbm>>
      tpu.wait_dma2 semaphore(%arg12 : memref<!tpu.dma_semaphore, #tpu.memory_space<semaphore_mem>>) src(%dma_wait3A_883 : memref<16x128xf32, #tpu.memory_space<hbm>>) dst(%dma_wait3A_880 : memref<16x128xf32, #tpu.memory_space<vmem>>)
      %add3A_884 = arith.constant 6 : i32
      %add3A_885 = arith.addi %mul3A_788, %add3A_884 : i32
      %dma_wait3A_886 = arith.constant 0 : i32
      %dma_wait3A_887 = arith.constant 0 : i32
      %dma_wait3A_888 = tpu.memref_slice %arg9[%add3A_885, %dma_wait3A_886, %dma_wait3A_887] : memref<48x16x128xf32, #tpu.memory_space<vmem>> -> memref<1x16x128xf32, #tpu.memory_space<vmem>>
      %dma_wait3A_889 = tpu.memref_squeeze %dma_wait3A_888 : memref<1x16x128xf32, #tpu.memory_space<vmem>> -> memref<16x128xf32, #tpu.memory_space<vmem>>
      %dma_wait3A_890 = arith.constant 0 : i32
      %dma_wait3A_891 = arith.constant 0 : i32
      %dma_wait3A_892 = tpu.memref_slice %arg2[%dma_wait3A_890, %dma_wait3A_891] : memref<16x1000000xf32, #tpu.memory_space<hbm>> -> memref<16x128xf32, #tpu.memory_space<hbm>>
      %dma_wait3A_893 = arith.constant 0 : i32
      %dma_wait3A_894 = arith.constant 0 : i32
      %dma_wait3A_895 = tpu.memref_slice %arg9[%add3A_885, %dma_wait3A_893, %dma_wait3A_894] : memref<48x16x128xf32, #tpu.memory_space<vmem>> -> memref<1x16x128xf32, #tpu.memory_space<vmem>>
      %dma_wait3A_896 = tpu.memref_squeeze %dma_wait3A_895 : memref<1x16x128xf32, #tpu.memory_space<vmem>> -> memref<16x128xf32, #tpu.memory_space<vmem>>
      %dma_wait3A_897 = arith.constant 0 : i32
      %dma_wait3A_898 = arith.constant 0 : i32
      %dma_wait3A_899 = tpu.memref_slice %arg2[%dma_wait3A_897, %dma_wait3A_898] : memref<16x1000000xf32, #tpu.memory_space<hbm>> -> memref<16x128xf32, #tpu.memory_space<hbm>>
      tpu.wait_dma2 semaphore(%arg12 : memref<!tpu.dma_semaphore, #tpu.memory_space<semaphore_mem>>) src(%dma_wait3A_899 : memref<16x128xf32, #tpu.memory_space<hbm>>) dst(%dma_wait3A_896 : memref<16x128xf32, #tpu.memory_space<vmem>>)
      %add3A_900 = arith.constant 7 : i32
      %add3A_901 = arith.addi %mul3A_788, %add3A_900 : i32
      %dma_wait3A_902 = arith.constant 0 : i32
      %dma_wait3A_903 = arith.constant 0 : i32
      %dma_wait3A_904 = tpu.memref_slice %arg9[%add3A_901, %dma_wait3A_902, %dma_wait3A_903] : memref<48x16x128xf32, #tpu.memory_space<vmem>> -> memref<1x16x128xf32, #tpu.memory_space<vmem>>
      %dma_wait3A_905 = tpu.memref_squeeze %dma_wait3A_904 : memref<1x16x128xf32, #tpu.memory_space<vmem>> -> memref<16x128xf32, #tpu.memory_space<vmem>>
      %dma_wait3A_906 = arith.constant 0 : i32
      %dma_wait3A_907 = arith.constant 0 : i32
      %dma_wait3A_908 = tpu.memref_slice %arg2[%dma_wait3A_906, %dma_wait3A_907] : memref<16x1000000xf32, #tpu.memory_space<hbm>> -> memref<16x128xf32, #tpu.memory_space<hbm>>
      %dma_wait3A_909 = arith.constant 0 : i32
      %dma_wait3A_910 = arith.constant 0 : i32
      %dma_wait3A_911 = tpu.memref_slice %arg9[%add3A_901, %dma_wait3A_909, %dma_wait3A_910] : memref<48x16x128xf32, #tpu.memory_space<vmem>> -> memref<1x16x128xf32, #tpu.memory_space<vmem>>
      %dma_wait3A_912 = tpu.memref_squeeze %dma_wait3A_911 : memref<1x16x128xf32, #tpu.memory_space<vmem>> -> memref<16x128xf32, #tpu.memory_space<vmem>>
      %dma_wait3A_913 = arith.constant 0 : i32
      %dma_wait3A_914 = arith.constant 0 : i32
      %dma_wait3A_915 = tpu.memref_slice %arg2[%dma_wait3A_913, %dma_wait3A_914] : memref<16x1000000xf32, #tpu.memory_space<hbm>> -> memref<16x128xf32, #tpu.memory_space<hbm>>
      tpu.wait_dma2 semaphore(%arg12 : memref<!tpu.dma_semaphore, #tpu.memory_space<semaphore_mem>>) src(%dma_wait3A_915 : memref<16x128xf32, #tpu.memory_space<hbm>>) dst(%dma_wait3A_912 : memref<16x128xf32, #tpu.memory_space<vmem>>)
      %add3A_916 = arith.constant 8 : i32
      %add3A_917 = arith.addi %mul3A_788, %add3A_916 : i32
      %dma_wait3A_918 = arith.constant 0 : i32
      %dma_wait3A_919 = arith.constant 0 : i32
      %dma_wait3A_920 = tpu.memref_slice %arg9[%add3A_917, %dma_wait3A_918, %dma_wait3A_919] : memref<48x16x128xf32, #tpu.memory_space<vmem>> -> memref<1x16x128xf32, #tpu.memory_space<vmem>>
      %dma_wait3A_921 = tpu.memref_squeeze %dma_wait3A_920 : memref<1x16x128xf32, #tpu.memory_space<vmem>> -> memref<16x128xf32, #tpu.memory_space<vmem>>
      %dma_wait3A_922 = arith.constant 0 : i32
      %dma_wait3A_923 = arith.constant 0 : i32
      %dma_wait3A_924 = tpu.memref_slice %arg2[%dma_wait3A_922, %dma_wait3A_923] : memref<16x1000000xf32, #tpu.memory_space<hbm>> -> memref<16x128xf32, #tpu.memory_space<hbm>>
      %dma_wait3A_925 = arith.constant 0 : i32
      %dma_wait3A_926 = arith.constant 0 : i32
      %dma_wait3A_927 = tpu.memref_slice %arg9[%add3A_917, %dma_wait3A_925, %dma_wait3A_926] : memref<48x16x128xf32, #tpu.memory_space<vmem>> -> memref<1x16x128xf32, #tpu.memory_space<vmem>>
      %dma_wait3A_928 = tpu.memref_squeeze %dma_wait3A_927 : memref<1x16x128xf32, #tpu.memory_space<vmem>> -> memref<16x128xf32, #tpu.memory_space<vmem>>
      %dma_wait3A_929 = arith.constant 0 : i32
      %dma_wait3A_930 = arith.constant 0 : i32
      %dma_wait3A_931 = tpu.memref_slice %arg2[%dma_wait3A_929, %dma_wait3A_930] : memref<16x1000000xf32, #tpu.memory_space<hbm>> -> memref<16x128xf32, #tpu.memory_space<hbm>>
      tpu.wait_dma2 semaphore(%arg12 : memref<!tpu.dma_semaphore, #tpu.memory_space<semaphore_mem>>) src(%dma_wait3A_931 : memref<16x128xf32, #tpu.memory_space<hbm>>) dst(%dma_wait3A_928 : memref<16x128xf32, #tpu.memory_space<vmem>>)
      %add3A_932 = arith.constant 9 : i32
      %add3A_933 = arith.addi %mul3A_788, %add3A_932 : i32
      %dma_wait3A_934 = arith.constant 0 : i32
      %dma_wait3A_935 = arith.constant 0 : i32
      %dma_wait3A_936 = tpu.memref_slice %arg9[%add3A_933, %dma_wait3A_934, %dma_wait3A_935] : memref<48x16x128xf32, #tpu.memory_space<vmem>> -> memref<1x16x128xf32, #tpu.memory_space<vmem>>
      %dma_wait3A_937 = tpu.memref_squeeze %dma_wait3A_936 : memref<1x16x128xf32, #tpu.memory_space<vmem>> -> memref<16x128xf32, #tpu.memory_space<vmem>>
      %dma_wait3A_938 = arith.constant 0 : i32
      %dma_wait3A_939 = arith.constant 0 : i32
      %dma_wait3A_940 = tpu.memref_slice %arg2[%dma_wait3A_938, %dma_wait3A_939] : memref<16x1000000xf32, #tpu.memory_space<hbm>> -> memref<16x128xf32, #tpu.memory_space<hbm>>
      %dma_wait3A_941 = arith.constant 0 : i32
      %dma_wait3A_942 = arith.constant 0 : i32
      %dma_wait3A_943 = tpu.memref_slice %arg9[%add3A_933, %dma_wait3A_941, %dma_wait3A_942] : memref<48x16x128xf32, #tpu.memory_space<vmem>> -> memref<1x16x128xf32, #tpu.memory_space<vmem>>
      %dma_wait3A_944 = tpu.memref_squeeze %dma_wait3A_943 : memref<1x16x128xf32, #tpu.memory_space<vmem>> -> memref<16x128xf32, #tpu.memory_space<vmem>>
      %dma_wait3A_945 = arith.constant 0 : i32
      %dma_wait3A_946 = arith.constant 0 : i32
      %dma_wait3A_947 = tpu.memref_slice %arg2[%dma_wait3A_945, %dma_wait3A_946] : memref<16x1000000xf32, #tpu.memory_space<hbm>> -> memref<16x128xf32, #tpu.memory_space<hbm>>
      tpu.wait_dma2 semaphore(%arg12 : memref<!tpu.dma_semaphore, #tpu.memory_space<semaphore_mem>>) src(%dma_wait3A_947 : memref<16x128xf32, #tpu.memory_space<hbm>>) dst(%dma_wait3A_944 : memref<16x128xf32, #tpu.memory_space<vmem>>)
      %add3A_948 = arith.constant 10 : i32
      %add3A_949 = arith.addi %mul3A_788, %add3A_948 : i32
      %dma_wait3A_950 = arith.constant 0 : i32
      %dma_wait3A_951 = arith.constant 0 : i32
      %dma_wait3A_952 = tpu.memref_slice %arg9[%add3A_949, %dma_wait3A_950, %dma_wait3A_951] : memref<48x16x128xf32, #tpu.memory_space<vmem>> -> memref<1x16x128xf32, #tpu.memory_space<vmem>>
      %dma_wait3A_953 = tpu.memref_squeeze %dma_wait3A_952 : memref<1x16x128xf32, #tpu.memory_space<vmem>> -> memref<16x128xf32, #tpu.memory_space<vmem>>
      %dma_wait3A_954 = arith.constant 0 : i32
      %dma_wait3A_955 = arith.constant 0 : i32
      %dma_wait3A_956 = tpu.memref_slice %arg2[%dma_wait3A_954, %dma_wait3A_955] : memref<16x1000000xf32, #tpu.memory_space<hbm>> -> memref<16x128xf32, #tpu.memory_space<hbm>>
      %dma_wait3A_957 = arith.constant 0 : i32
      %dma_wait3A_958 = arith.constant 0 : i32
      %dma_wait3A_959 = tpu.memref_slice %arg9[%add3A_949, %dma_wait3A_957, %dma_wait3A_958] : memref<48x16x128xf32, #tpu.memory_space<vmem>> -> memref<1x16x128xf32, #tpu.memory_space<vmem>>
      %dma_wait3A_960 = tpu.memref_squeeze %dma_wait3A_959 : memref<1x16x128xf32, #tpu.memory_space<vmem>> -> memref<16x128xf32, #tpu.memory_space<vmem>>
      %dma_wait3A_961 = arith.constant 0 : i32
      %dma_wait3A_962 = arith.constant 0 : i32
      %dma_wait3A_963 = tpu.memref_slice %arg2[%dma_wait3A_961, %dma_wait3A_962] : memref<16x1000000xf32, #tpu.memory_space<hbm>> -> memref<16x128xf32, #tpu.memory_space<hbm>>
      tpu.wait_dma2 semaphore(%arg12 : memref<!tpu.dma_semaphore, #tpu.memory_space<semaphore_mem>>) src(%dma_wait3A_963 : memref<16x128xf32, #tpu.memory_space<hbm>>) dst(%dma_wait3A_960 : memref<16x128xf32, #tpu.memory_space<vmem>>)
      %add3A_964 = arith.constant 11 : i32
      %add3A_965 = arith.addi %mul3A_788, %add3A_964 : i32
      %dma_wait3A_966 = arith.constant 0 : i32
      %dma_wait3A_967 = arith.constant 0 : i32
      %dma_wait3A_968 = tpu.memref_slice %arg9[%add3A_965, %dma_wait3A_966, %dma_wait3A_967] : memref<48x16x128xf32, #tpu.memory_space<vmem>> -> memref<1x16x128xf32, #tpu.memory_space<vmem>>
      %dma_wait3A_969 = tpu.memref_squeeze %dma_wait3A_968 : memref<1x16x128xf32, #tpu.memory_space<vmem>> -> memref<16x128xf32, #tpu.memory_space<vmem>>
      %dma_wait3A_970 = arith.constant 0 : i32
      %dma_wait3A_971 = arith.constant 0 : i32
      %dma_wait3A_972 = tpu.memref_slice %arg2[%dma_wait3A_970, %dma_wait3A_971] : memref<16x1000000xf32, #tpu.memory_space<hbm>> -> memref<16x128xf32, #tpu.memory_space<hbm>>
      %dma_wait3A_973 = arith.constant 0 : i32
      %dma_wait3A_974 = arith.constant 0 : i32
      %dma_wait3A_975 = tpu.memref_slice %arg9[%add3A_965, %dma_wait3A_973, %dma_wait3A_974] : memref<48x16x128xf32, #tpu.memory_space<vmem>> -> memref<1x16x128xf32, #tpu.memory_space<vmem>>
      %dma_wait3A_976 = tpu.memref_squeeze %dma_wait3A_975 : memref<1x16x128xf32, #tpu.memory_space<vmem>> -> memref<16x128xf32, #tpu.memory_space<vmem>>
      %dma_wait3A_977 = arith.constant 0 : i32
      %dma_wait3A_978 = arith.constant 0 : i32
      %dma_wait3A_979 = tpu.memref_slice %arg2[%dma_wait3A_977, %dma_wait3A_978] : memref<16x1000000xf32, #tpu.memory_space<hbm>> -> memref<16x128xf32, #tpu.memory_space<hbm>>
      tpu.wait_dma2 semaphore(%arg12 : memref<!tpu.dma_semaphore, #tpu.memory_space<semaphore_mem>>) src(%dma_wait3A_979 : memref<16x128xf32, #tpu.memory_space<hbm>>) dst(%dma_wait3A_976 : memref<16x128xf32, #tpu.memory_space<vmem>>)
      %add3A_980 = arith.constant 12 : i32
      %add3A_981 = arith.addi %mul3A_788, %add3A_980 : i32
      %dma_wait3A_982 = arith.constant 0 : i32
      %dma_wait3A_983 = arith.constant 0 : i32
      %dma_wait3A_984 = tpu.memref_slice %arg9[%add3A_981, %dma_wait3A_982, %dma_wait3A_983] : memref<48x16x128xf32, #tpu.memory_space<vmem>> -> memref<1x16x128xf32, #tpu.memory_space<vmem>>
      %dma_wait3A_985 = tpu.memref_squeeze %dma_wait3A_984 : memref<1x16x128xf32, #tpu.memory_space<vmem>> -> memref<16x128xf32, #tpu.memory_space<vmem>>
      %dma_wait3A_986 = arith.constant 0 : i32
      %dma_wait3A_987 = arith.constant 0 : i32
      %dma_wait3A_988 = tpu.memref_slice %arg2[%dma_wait3A_986, %dma_wait3A_987] : memref<16x1000000xf32, #tpu.memory_space<hbm>> -> memref<16x128xf32, #tpu.memory_space<hbm>>
      %dma_wait3A_989 = arith.constant 0 : i32
      %dma_wait3A_990 = arith.constant 0 : i32
      %dma_wait3A_991 = tpu.memref_slice %arg9[%add3A_981, %dma_wait3A_989, %dma_wait3A_990] : memref<48x16x128xf32, #tpu.memory_space<vmem>> -> memref<1x16x128xf32, #tpu.memory_space<vmem>>
      %dma_wait3A_992 = tpu.memref_squeeze %dma_wait3A_991 : memref<1x16x128xf32, #tpu.memory_space<vmem>> -> memref<16x128xf32, #tpu.memory_space<vmem>>
      %dma_wait3A_993 = arith.constant 0 : i32
      %dma_wait3A_994 = arith.constant 0 : i32
      %dma_wait3A_995 = tpu.memref_slice %arg2[%dma_wait3A_993, %dma_wait3A_994] : memref<16x1000000xf32, #tpu.memory_space<hbm>> -> memref<16x128xf32, #tpu.memory_space<hbm>>
      tpu.wait_dma2 semaphore(%arg12 : memref<!tpu.dma_semaphore, #tpu.memory_space<semaphore_mem>>) src(%dma_wait3A_995 : memref<16x128xf32, #tpu.memory_space<hbm>>) dst(%dma_wait3A_992 : memref<16x128xf32, #tpu.memory_space<vmem>>)
      %add3A_996 = arith.constant 13 : i32
      %add3A_997 = arith.addi %mul3A_788, %add3A_996 : i32
      %dma_wait3A_998 = arith.constant 0 : i32
      %dma_wait3A_999 = arith.constant 0 : i32
      %dma_wait3A_1000 = tpu.memref_slice %arg9[%add3A_997, %dma_wait3A_998, %dma_wait3A_999] : memref<48x16x128xf32, #tpu.memory_space<vmem>> -> memref<1x16x128xf32, #tpu.memory_space<vmem>>
      %dma_wait3A_1001 = tpu.memref_squeeze %dma_wait3A_1000 : memref<1x16x128xf32, #tpu.memory_space<vmem>> -> memref<16x128xf32, #tpu.memory_space<vmem>>
      %dma_wait3A_1002 = arith.constant 0 : i32
      %dma_wait3A_1003 = arith.constant 0 : i32
      %dma_wait3A_1004 = tpu.memref_slice %arg2[%dma_wait3A_1002, %dma_wait3A_1003] : memref<16x1000000xf32, #tpu.memory_space<hbm>> -> memref<16x128xf32, #tpu.memory_space<hbm>>
      %dma_wait3A_1005 = arith.constant 0 : i32
      %dma_wait3A_1006 = arith.constant 0 : i32
      %dma_wait3A_1007 = tpu.memref_slice %arg9[%add3A_997, %dma_wait3A_1005, %dma_wait3A_1006] : memref<48x16x128xf32, #tpu.memory_space<vmem>> -> memref<1x16x128xf32, #tpu.memory_space<vmem>>
      %dma_wait3A_1008 = tpu.memref_squeeze %dma_wait3A_1007 : memref<1x16x128xf32, #tpu.memory_space<vmem>> -> memref<16x128xf32, #tpu.memory_space<vmem>>
      %dma_wait3A_1009 = arith.constant 0 : i32
      %dma_wait3A_1010 = arith.constant 0 : i32
      %dma_wait3A_1011 = tpu.memref_slice %arg2[%dma_wait3A_1009, %dma_wait3A_1010] : memref<16x1000000xf32, #tpu.memory_space<hbm>> -> memref<16x128xf32, #tpu.memory_space<hbm>>
      tpu.wait_dma2 semaphore(%arg12 : memref<!tpu.dma_semaphore, #tpu.memory_space<semaphore_mem>>) src(%dma_wait3A_1011 : memref<16x128xf32, #tpu.memory_space<hbm>>) dst(%dma_wait3A_1008 : memref<16x128xf32, #tpu.memory_space<vmem>>)
      %add3A_1012 = arith.constant 14 : i32
      %add3A_1013 = arith.addi %mul3A_788, %add3A_1012 : i32
      %dma_wait3A_1014 = arith.constant 0 : i32
      %dma_wait3A_1015 = arith.constant 0 : i32
      %dma_wait3A_1016 = tpu.memref_slice %arg9[%add3A_1013, %dma_wait3A_1014, %dma_wait3A_1015] : memref<48x16x128xf32, #tpu.memory_space<vmem>> -> memref<1x16x128xf32, #tpu.memory_space<vmem>>
      %dma_wait3A_1017 = tpu.memref_squeeze %dma_wait3A_1016 : memref<1x16x128xf32, #tpu.memory_space<vmem>> -> memref<16x128xf32, #tpu.memory_space<vmem>>
      %dma_wait3A_1018 = arith.constant 0 : i32
      %dma_wait3A_1019 = arith.constant 0 : i32
      %dma_wait3A_1020 = tpu.memref_slice %arg2[%dma_wait3A_1018, %dma_wait3A_1019] : memref<16x1000000xf32, #tpu.memory_space<hbm>> -> memref<16x128xf32, #tpu.memory_space<hbm>>
      %dma_wait3A_1021 = arith.constant 0 : i32
      %dma_wait3A_1022 = arith.constant 0 : i32
      %dma_wait3A_1023 = tpu.memref_slice %arg9[%add3A_1013, %dma_wait3A_1021, %dma_wait3A_1022] : memref<48x16x128xf32, #tpu.memory_space<vmem>> -> memref<1x16x128xf32, #tpu.memory_space<vmem>>
      %dma_wait3A_1024 = tpu.memref_squeeze %dma_wait3A_1023 : memref<1x16x128xf32, #tpu.memory_space<vmem>> -> memref<16x128xf32, #tpu.memory_space<vmem>>
      %dma_wait3A_1025 = arith.constant 0 : i32
      %dma_wait3A_1026 = arith.constant 0 : i32
      %dma_wait3A_1027 = tpu.memref_slice %arg2[%dma_wait3A_1025, %dma_wait3A_1026] : memref<16x1000000xf32, #tpu.memory_space<hbm>> -> memref<16x128xf32, #tpu.memory_space<hbm>>
      tpu.wait_dma2 semaphore(%arg12 : memref<!tpu.dma_semaphore, #tpu.memory_space<semaphore_mem>>) src(%dma_wait3A_1027 : memref<16x128xf32, #tpu.memory_space<hbm>>) dst(%dma_wait3A_1024 : memref<16x128xf32, #tpu.memory_space<vmem>>)
      %add3A_1028 = arith.constant 15 : i32
      %add3A_1029 = arith.addi %mul3A_788, %add3A_1028 : i32
      %dma_wait3A_1030 = arith.constant 0 : i32
      %dma_wait3A_1031 = arith.constant 0 : i32
      %dma_wait3A_1032 = tpu.memref_slice %arg9[%add3A_1029, %dma_wait3A_1030, %dma_wait3A_1031] : memref<48x16x128xf32, #tpu.memory_space<vmem>> -> memref<1x16x128xf32, #tpu.memory_space<vmem>>
      %dma_wait3A_1033 = tpu.memref_squeeze %dma_wait3A_1032 : memref<1x16x128xf32, #tpu.memory_space<vmem>> -> memref<16x128xf32, #tpu.memory_space<vmem>>
      %dma_wait3A_1034 = arith.constant 0 : i32
      %dma_wait3A_1035 = arith.constant 0 : i32
      %dma_wait3A_1036 = tpu.memref_slice %arg2[%dma_wait3A_1034, %dma_wait3A_1035] : memref<16x1000000xf32, #tpu.memory_space<hbm>> -> memref<16x128xf32, #tpu.memory_space<hbm>>
      %dma_wait3A_1037 = arith.constant 0 : i32
      %dma_wait3A_1038 = arith.constant 0 : i32
      %dma_wait3A_1039 = tpu.memref_slice %arg9[%add3A_1029, %dma_wait3A_1037, %dma_wait3A_1038] : memref<48x16x128xf32, #tpu.memory_space<vmem>> -> memref<1x16x128xf32, #tpu.memory_space<vmem>>
      %dma_wait3A_1040 = tpu.memref_squeeze %dma_wait3A_1039 : memref<1x16x128xf32, #tpu.memory_space<vmem>> -> memref<16x128xf32, #tpu.memory_space<vmem>>
      %dma_wait3A_1041 = arith.constant 0 : i32
      %dma_wait3A_1042 = arith.constant 0 : i32
      %dma_wait3A_1043 = tpu.memref_slice %arg2[%dma_wait3A_1041, %dma_wait3A_1042] : memref<16x1000000xf32, #tpu.memory_space<hbm>> -> memref<16x128xf32, #tpu.memory_space<hbm>>
      tpu.wait_dma2 semaphore(%arg12 : memref<!tpu.dma_semaphore, #tpu.memory_space<semaphore_mem>>) src(%dma_wait3A_1043 : memref<16x128xf32, #tpu.memory_space<hbm>>) dst(%dma_wait3A_1040 : memref<16x128xf32, #tpu.memory_space<vmem>>)
      %add3A_1044 = arith.constant 2 : i32
      %add3A_1045 = arith.addi %scan3A_777, %add3A_1044 : i32
      %lt3A_1046 = arith.constant 32 : i32
      %lt3A_1047 = arith.cmpi slt, %add3A_1045, %lt3A_1046 : i32
      %convert_element_type3A = arith.extui %lt3A_1047 : i1 to i32
      %cond3A = arith.constant 0 : i32
      %cond3A_1048 = arith.cmpi ne, %convert_element_type3A, %cond3A : i32
      scf.if %cond3A_1048 {
        %add3A_1253 = arith.constant 2 : i32
        %add3A_1254 = arith.addi %scan3A_777, %add3A_1253 : i32
        %add3A_1255 = arith.constant 2 : i32
        %add3A_1256 = arith.addi %scan3A_777, %add3A_1255 : i32
        %jit3A_1257 = arith.constant 3 : i32
        %eq3A_1258 = arith.constant 0 : i32
        %eq3A_1259 = arith.cmpi eq, %jit3A_1257, %eq3A_1258 : i32
        %jit3A_1260 = arith.constant 1 : i32
        %select_n3A_1261 = arith.select %eq3A_1259, %jit3A_1260, %jit3A_1257 : i32
        %rem3A_1262 = arith.remsi %add3A_1256, %select_n3A_1261 : i32
        %ne3A_1263 = arith.constant 0 : i32
        %ne3A_1264 = arith.cmpi ne, %rem3A_1262, %ne3A_1263 : i32
        %lt3A_1265 = arith.constant 0 : i32
        %lt3A_1266 = arith.cmpi slt, %rem3A_1262, %lt3A_1265 : i32
        %lt3A_1267 = arith.constant 0 : i32
        %lt3A_1268 = arith.cmpi slt, %select_n3A_1261, %lt3A_1267 : i32
        %ne3A_1269 = arith.xori %lt3A_1266, %lt3A_1268 : i1
        %and3A_1270 = arith.andi %ne3A_1269, %ne3A_1264 : i1
        %add3A_1271 = arith.addi %rem3A_1262, %select_n3A_1261 : i32
        %select_n3A_1272 = arith.select %and3A_1270, %add3A_1271, %rem3A_1262 : i32
        %mul3A_1273 = arith.constant 16 : i32
        %mul3A_1274 = arith.muli %select_n3A_1272, %mul3A_1273 : i32
        %mul3A_1275 = arith.constant 16 : i32
        %mul3A_1276 = arith.muli %add3A_1254, %mul3A_1275 : i32
        %get3A_1277 = arith.index_cast %mul3A_1276 : i32 to index
        %get3A_1278 = tpu.vector_load %arg7[%get3A_1277] {strides = array<i32>} : memref<512xi32, #tpu.memory_space<vmem>>, vector<16xi32>,
        %slice3A_1279 = vector.extract_strided_slice %get3A_1278 {offsets = [0], sizes = [1], strides = [1]} : vector<16xi32> to vector<1xi32>
        %squeeze3A_1280 = vector.extract %slice3A_1279[0] : i32 from vector<1xi32>
        %shift_right_arithmetic3A_1281 = arith.constant 7 : i32
        %shift_right_arithmetic3A_1282 = arith.shrsi %squeeze3A_1280, %shift_right_arithmetic3A_1281 : i32
        %shift_left3A_1283 = arith.constant 7 : i32
        %shift_left3A_1284 = arith.shli %shift_right_arithmetic3A_1282, %shift_left3A_1283 : i32
        %min3A_1285 = arith.constant 999808 : i32
        %min3A_1286 = arith.minsi %shift_left3A_1284, %min3A_1285 : i32
        %multiple_of3A_1287 = tpu.assume_multiple %min3A_1286, 128 : i32
        %add3A_1288 = arith.constant 0 : i32
        %add3A_1289 = arith.addi %mul3A_1274, %add3A_1288 : i32
        %dma_start3A_1290 = arith.constant 0 : i32
        %dma_start3A_1291 = arith.constant 0 : i32
        %dma_start3A_1292 = tpu.memref_slice %arg9[%add3A_1289, %dma_start3A_1290, %dma_start3A_1291] : memref<48x16x128xf32, #tpu.memory_space<vmem>> -> memref<1x16x128xf32, #tpu.memory_space<vmem>>
        %dma_start3A_1293 = tpu.memref_squeeze %dma_start3A_1292 : memref<1x16x128xf32, #tpu.memory_space<vmem>> -> memref<16x128xf32, #tpu.memory_space<vmem>>
        %dma_start3A_1294 = arith.constant 0 : i32
        %dma_start3A_1295 = tpu.memref_slice %arg2[%dma_start3A_1294, %multiple_of3A_1287] : memref<16x1000000xf32, #tpu.memory_space<hbm>> -> memref<16x128xf32, #tpu.memory_space<hbm>>
        %dma_start3A_1296 = arith.constant 0 : i32
        %dma_start3A_1297 = arith.constant 0 : i32
        %dma_start3A_1298 = tpu.memref_slice %arg9[%add3A_1289, %dma_start3A_1296, %dma_start3A_1297] : memref<48x16x128xf32, #tpu.memory_space<vmem>> -> memref<1x16x128xf32, #tpu.memory_space<vmem>>
        %dma_start3A_1299 = tpu.memref_squeeze %dma_start3A_1298 : memref<1x16x128xf32, #tpu.memory_space<vmem>> -> memref<16x128xf32, #tpu.memory_space<vmem>>
        %dma_start3A_1300 = arith.constant 0 : i32
        %dma_start3A_1301 = tpu.memref_slice %arg2[%dma_start3A_1300, %multiple_of3A_1287] : memref<16x1000000xf32, #tpu.memory_space<hbm>> -> memref<16x128xf32, #tpu.memory_space<hbm>>
        tpu.enqueue_dma source(%dma_start3A_1301 : memref<16x128xf32, #tpu.memory_space<hbm>>) target(%dma_start3A_1299 : memref<16x128xf32, #tpu.memory_space<vmem>>) target_semaphore(%arg12 : memref<!tpu.dma_semaphore, #tpu.memory_space<semaphore_mem>>)
        %slice3A_1302 = vector.extract_strided_slice %get3A_1278 {offsets = [1], sizes = [1], strides = [1]} : vector<16xi32> to vector<1xi32>
        %squeeze3A_1303 = vector.extract %slice3A_1302[0] : i32 from vector<1xi32>
        %shift_right_arithmetic3A_1304 = arith.constant 7 : i32
        %shift_right_arithmetic3A_1305 = arith.shrsi %squeeze3A_1303, %shift_right_arithmetic3A_1304 : i32
        %shift_left3A_1306 = arith.constant 7 : i32
        %shift_left3A_1307 = arith.shli %shift_right_arithmetic3A_1305, %shift_left3A_1306 : i32
        %min3A_1308 = arith.constant 999808 : i32
        %min3A_1309 = arith.minsi %shift_left3A_1307, %min3A_1308 : i32
        %multiple_of3A_1310 = tpu.assume_multiple %min3A_1309, 128 : i32
        %add3A_1311 = arith.constant 1 : i32
        %add3A_1312 = arith.addi %mul3A_1274, %add3A_1311 : i32
        %dma_start3A_1313 = arith.constant 0 : i32
        %dma_start3A_1314 = arith.constant 0 : i32
        %dma_start3A_1315 = tpu.memref_slice %arg9[%add3A_1312, %dma_start3A_1313, %dma_start3A_1314] : memref<48x16x128xf32, #tpu.memory_space<vmem>> -> memref<1x16x128xf32, #tpu.memory_space<vmem>>
        %dma_start3A_1316 = tpu.memref_squeeze %dma_start3A_1315 : memref<1x16x128xf32, #tpu.memory_space<vmem>> -> memref<16x128xf32, #tpu.memory_space<vmem>>
        %dma_start3A_1317 = arith.constant 0 : i32
        %dma_start3A_1318 = tpu.memref_slice %arg2[%dma_start3A_1317, %multiple_of3A_1310] : memref<16x1000000xf32, #tpu.memory_space<hbm>> -> memref<16x128xf32, #tpu.memory_space<hbm>>
        %dma_start3A_1319 = arith.constant 0 : i32
        %dma_start3A_1320 = arith.constant 0 : i32
        %dma_start3A_1321 = tpu.memref_slice %arg9[%add3A_1312, %dma_start3A_1319, %dma_start3A_1320] : memref<48x16x128xf32, #tpu.memory_space<vmem>> -> memref<1x16x128xf32, #tpu.memory_space<vmem>>
        %dma_start3A_1322 = tpu.memref_squeeze %dma_start3A_1321 : memref<1x16x128xf32, #tpu.memory_space<vmem>> -> memref<16x128xf32, #tpu.memory_space<vmem>>
        %dma_start3A_1323 = arith.constant 0 : i32
        %dma_start3A_1324 = tpu.memref_slice %arg2[%dma_start3A_1323, %multiple_of3A_1310] : memref<16x1000000xf32, #tpu.memory_space<hbm>> -> memref<16x128xf32, #tpu.memory_space<hbm>>
        tpu.enqueue_dma source(%dma_start3A_1324 : memref<16x128xf32, #tpu.memory_space<hbm>>) target(%dma_start3A_1322 : memref<16x128xf32, #tpu.memory_space<vmem>>) target_semaphore(%arg12 : memref<!tpu.dma_semaphore, #tpu.memory_space<semaphore_mem>>)
        %slice3A_1325 = vector.extract_strided_slice %get3A_1278 {offsets = [2], sizes = [1], strides = [1]} : vector<16xi32> to vector<1xi32>
        %squeeze3A_1326 = vector.extract %slice3A_1325[0] : i32 from vector<1xi32>
        %shift_right_arithmetic3A_1327 = arith.constant 7 : i32
        %shift_right_arithmetic3A_1328 = arith.shrsi %squeeze3A_1326, %shift_right_arithmetic3A_1327 : i32
        %shift_left3A_1329 = arith.constant 7 : i32
        %shift_left3A_1330 = arith.shli %shift_right_arithmetic3A_1328, %shift_left3A_1329 : i32
        %min3A_1331 = arith.constant 999808 : i32
        %min3A_1332 = arith.minsi %shift_left3A_1330, %min3A_1331 : i32
        %multiple_of3A_1333 = tpu.assume_multiple %min3A_1332, 128 : i32
        %add3A_1334 = arith.constant 2 : i32
        %add3A_1335 = arith.addi %mul3A_1274, %add3A_1334 : i32
        %dma_start3A_1336 = arith.constant 0 : i32
        %dma_start3A_1337 = arith.constant 0 : i32
        %dma_start3A_1338 = tpu.memref_slice %arg9[%add3A_1335, %dma_start3A_1336, %dma_start3A_1337] : memref<48x16x128xf32, #tpu.memory_space<vmem>> -> memref<1x16x128xf32, #tpu.memory_space<vmem>>
        %dma_start3A_1339 = tpu.memref_squeeze %dma_start3A_1338 : memref<1x16x128xf32, #tpu.memory_space<vmem>> -> memref<16x128xf32, #tpu.memory_space<vmem>>
        %dma_start3A_1340 = arith.constant 0 : i32
        %dma_start3A_1341 = tpu.memref_slice %arg2[%dma_start3A_1340, %multiple_of3A_1333] : memref<16x1000000xf32, #tpu.memory_space<hbm>> -> memref<16x128xf32, #tpu.memory_space<hbm>>
        %dma_start3A_1342 = arith.constant 0 : i32
        %dma_start3A_1343 = arith.constant 0 : i32
        %dma_start3A_1344 = tpu.memref_slice %arg9[%add3A_1335, %dma_start3A_1342, %dma_start3A_1343] : memref<48x16x128xf32, #tpu.memory_space<vmem>> -> memref<1x16x128xf32, #tpu.memory_space<vmem>>
        %dma_start3A_1345 = tpu.memref_squeeze %dma_start3A_1344 : memref<1x16x128xf32, #tpu.memory_space<vmem>> -> memref<16x128xf32, #tpu.memory_space<vmem>>
        %dma_start3A_1346 = arith.constant 0 : i32
        %dma_start3A_1347 = tpu.memref_slice %arg2[%dma_start3A_1346, %multiple_of3A_1333] : memref<16x1000000xf32, #tpu.memory_space<hbm>> -> memref<16x128xf32, #tpu.memory_space<hbm>>
        tpu.enqueue_dma source(%dma_start3A_1347 : memref<16x128xf32, #tpu.memory_space<hbm>>) target(%dma_start3A_1345 : memref<16x128xf32, #tpu.memory_space<vmem>>) target_semaphore(%arg12 : memref<!tpu.dma_semaphore, #tpu.memory_space<semaphore_mem>>)
        %slice3A_1348 = vector.extract_strided_slice %get3A_1278 {offsets = [3], sizes = [1], strides = [1]} : vector<16xi32> to vector<1xi32>
        %squeeze3A_1349 = vector.extract %slice3A_1348[0] : i32 from vector<1xi32>
        %shift_right_arithmetic3A_1350 = arith.constant 7 : i32
        %shift_right_arithmetic3A_1351 = arith.shrsi %squeeze3A_1349, %shift_right_arithmetic3A_1350 : i32
        %shift_left3A_1352 = arith.constant 7 : i32
        %shift_left3A_1353 = arith.shli %shift_right_arithmetic3A_1351, %shift_left3A_1352 : i32
        %min3A_1354 = arith.constant 999808 : i32
        %min3A_1355 = arith.minsi %shift_left3A_1353, %min3A_1354 : i32
        %multiple_of3A_1356 = tpu.assume_multiple %min3A_1355, 128 : i32
        %add3A_1357 = arith.constant 3 : i32
        %add3A_1358 = arith.addi %mul3A_1274, %add3A_1357 : i32
        %dma_start3A_1359 = arith.constant 0 : i32
        %dma_start3A_1360 = arith.constant 0 : i32
        %dma_start3A_1361 = tpu.memref_slice %arg9[%add3A_1358, %dma_start3A_1359, %dma_start3A_1360] : memref<48x16x128xf32, #tpu.memory_space<vmem>> -> memref<1x16x128xf32, #tpu.memory_space<vmem>>
        %dma_start3A_1362 = tpu.memref_squeeze %dma_start3A_1361 : memref<1x16x128xf32, #tpu.memory_space<vmem>> -> memref<16x128xf32, #tpu.memory_space<vmem>>
        %dma_start3A_1363 = arith.constant 0 : i32
        %dma_start3A_1364 = tpu.memref_slice %arg2[%dma_start3A_1363, %multiple_of3A_1356] : memref<16x1000000xf32, #tpu.memory_space<hbm>> -> memref<16x128xf32, #tpu.memory_space<hbm>>
        %dma_start3A_1365 = arith.constant 0 : i32
        %dma_start3A_1366 = arith.constant 0 : i32
        %dma_start3A_1367 = tpu.memref_slice %arg9[%add3A_1358, %dma_start3A_1365, %dma_start3A_1366] : memref<48x16x128xf32, #tpu.memory_space<vmem>> -> memref<1x16x128xf32, #tpu.memory_space<vmem>>
        %dma_start3A_1368 = tpu.memref_squeeze %dma_start3A_1367 : memref<1x16x128xf32, #tpu.memory_space<vmem>> -> memref<16x128xf32, #tpu.memory_space<vmem>>
        %dma_start3A_1369 = arith.constant 0 : i32
        %dma_start3A_1370 = tpu.memref_slice %arg2[%dma_start3A_1369, %multiple_of3A_1356] : memref<16x1000000xf32, #tpu.memory_space<hbm>> -> memref<16x128xf32, #tpu.memory_space<hbm>>
        tpu.enqueue_dma source(%dma_start3A_1370 : memref<16x128xf32, #tpu.memory_space<hbm>>) target(%dma_start3A_1368 : memref<16x128xf32, #tpu.memory_space<vmem>>) target_semaphore(%arg12 : memref<!tpu.dma_semaphore, #tpu.memory_space<semaphore_mem>>)
        %slice3A_1371 = vector.extract_strided_slice %get3A_1278 {offsets = [4], sizes = [1], strides = [1]} : vector<16xi32> to vector<1xi32>
        %squeeze3A_1372 = vector.extract %slice3A_1371[0] : i32 from vector<1xi32>
        %shift_right_arithmetic3A_1373 = arith.constant 7 : i32
        %shift_right_arithmetic3A_1374 = arith.shrsi %squeeze3A_1372, %shift_right_arithmetic3A_1373 : i32
        %shift_left3A_1375 = arith.constant 7 : i32
        %shift_left3A_1376 = arith.shli %shift_right_arithmetic3A_1374, %shift_left3A_1375 : i32
        %min3A_1377 = arith.constant 999808 : i32
        %min3A_1378 = arith.minsi %shift_left3A_1376, %min3A_1377 : i32
        %multiple_of3A_1379 = tpu.assume_multiple %min3A_1378, 128 : i32
        %add3A_1380 = arith.constant 4 : i32
        %add3A_1381 = arith.addi %mul3A_1274, %add3A_1380 : i32
        %dma_start3A_1382 = arith.constant 0 : i32
        %dma_start3A_1383 = arith.constant 0 : i32
        %dma_start3A_1384 = tpu.memref_slice %arg9[%add3A_1381, %dma_start3A_1382, %dma_start3A_1383] : memref<48x16x128xf32, #tpu.memory_space<vmem>> -> memref<1x16x128xf32, #tpu.memory_space<vmem>>
        %dma_start3A_1385 = tpu.memref_squeeze %dma_start3A_1384 : memref<1x16x128xf32, #tpu.memory_space<vmem>> -> memref<16x128xf32, #tpu.memory_space<vmem>>
        %dma_start3A_1386 = arith.constant 0 : i32
        %dma_start3A_1387 = tpu.memref_slice %arg2[%dma_start3A_1386, %multiple_of3A_1379] : memref<16x1000000xf32, #tpu.memory_space<hbm>> -> memref<16x128xf32, #tpu.memory_space<hbm>>
        %dma_start3A_1388 = arith.constant 0 : i32
        %dma_start3A_1389 = arith.constant 0 : i32
        %dma_start3A_1390 = tpu.memref_slice %arg9[%add3A_1381, %dma_start3A_1388, %dma_start3A_1389] : memref<48x16x128xf32, #tpu.memory_space<vmem>> -> memref<1x16x128xf32, #tpu.memory_space<vmem>>
        %dma_start3A_1391 = tpu.memref_squeeze %dma_start3A_1390 : memref<1x16x128xf32, #tpu.memory_space<vmem>> -> memref<16x128xf32, #tpu.memory_space<vmem>>
        %dma_start3A_1392 = arith.constant 0 : i32
        %dma_start3A_1393 = tpu.memref_slice %arg2[%dma_start3A_1392, %multiple_of3A_1379] : memref<16x1000000xf32, #tpu.memory_space<hbm>> -> memref<16x128xf32, #tpu.memory_space<hbm>>
        tpu.enqueue_dma source(%dma_start3A_1393 : memref<16x128xf32, #tpu.memory_space<hbm>>) target(%dma_start3A_1391 : memref<16x128xf32, #tpu.memory_space<vmem>>) target_semaphore(%arg12 : memref<!tpu.dma_semaphore, #tpu.memory_space<semaphore_mem>>)
        %slice3A_1394 = vector.extract_strided_slice %get3A_1278 {offsets = [5], sizes = [1], strides = [1]} : vector<16xi32> to vector<1xi32>
        %squeeze3A_1395 = vector.extract %slice3A_1394[0] : i32 from vector<1xi32>
        %shift_right_arithmetic3A_1396 = arith.constant 7 : i32
        %shift_right_arithmetic3A_1397 = arith.shrsi %squeeze3A_1395, %shift_right_arithmetic3A_1396 : i32
        %shift_left3A_1398 = arith.constant 7 : i32
        %shift_left3A_1399 = arith.shli %shift_right_arithmetic3A_1397, %shift_left3A_1398 : i32
        %min3A_1400 = arith.constant 999808 : i32
        %min3A_1401 = arith.minsi %shift_left3A_1399, %min3A_1400 : i32
        %multiple_of3A_1402 = tpu.assume_multiple %min3A_1401, 128 : i32
        %add3A_1403 = arith.constant 5 : i32
        %add3A_1404 = arith.addi %mul3A_1274, %add3A_1403 : i32
        %dma_start3A_1405 = arith.constant 0 : i32
        %dma_start3A_1406 = arith.constant 0 : i32
        %dma_start3A_1407 = tpu.memref_slice %arg9[%add3A_1404, %dma_start3A_1405, %dma_start3A_1406] : memref<48x16x128xf32, #tpu.memory_space<vmem>> -> memref<1x16x128xf32, #tpu.memory_space<vmem>>
        %dma_start3A_1408 = tpu.memref_squeeze %dma_start3A_1407 : memref<1x16x128xf32, #tpu.memory_space<vmem>> -> memref<16x128xf32, #tpu.memory_space<vmem>>
        %dma_start3A_1409 = arith.constant 0 : i32
        %dma_start3A_1410 = tpu.memref_slice %arg2[%dma_start3A_1409, %multiple_of3A_1402] : memref<16x1000000xf32, #tpu.memory_space<hbm>> -> memref<16x128xf32, #tpu.memory_space<hbm>>
        %dma_start3A_1411 = arith.constant 0 : i32
        %dma_start3A_1412 = arith.constant 0 : i32
        %dma_start3A_1413 = tpu.memref_slice %arg9[%add3A_1404, %dma_start3A_1411, %dma_start3A_1412] : memref<48x16x128xf32, #tpu.memory_space<vmem>> -> memref<1x16x128xf32, #tpu.memory_space<vmem>>
        %dma_start3A_1414 = tpu.memref_squeeze %dma_start3A_1413 : memref<1x16x128xf32, #tpu.memory_space<vmem>> -> memref<16x128xf32, #tpu.memory_space<vmem>>
        %dma_start3A_1415 = arith.constant 0 : i32
        %dma_start3A_1416 = tpu.memref_slice %arg2[%dma_start3A_1415, %multiple_of3A_1402] : memref<16x1000000xf32, #tpu.memory_space<hbm>> -> memref<16x128xf32, #tpu.memory_space<hbm>>
        tpu.enqueue_dma source(%dma_start3A_1416 : memref<16x128xf32, #tpu.memory_space<hbm>>) target(%dma_start3A_1414 : memref<16x128xf32, #tpu.memory_space<vmem>>) target_semaphore(%arg12 : memref<!tpu.dma_semaphore, #tpu.memory_space<semaphore_mem>>)
        %slice3A_1417 = vector.extract_strided_slice %get3A_1278 {offsets = [6], sizes = [1], strides = [1]} : vector<16xi32> to vector<1xi32>
        %squeeze3A_1418 = vector.extract %slice3A_1417[0] : i32 from vector<1xi32>
        %shift_right_arithmetic3A_1419 = arith.constant 7 : i32
        %shift_right_arithmetic3A_1420 = arith.shrsi %squeeze3A_1418, %shift_right_arithmetic3A_1419 : i32
        %shift_left3A_1421 = arith.constant 7 : i32
        %shift_left3A_1422 = arith.shli %shift_right_arithmetic3A_1420, %shift_left3A_1421 : i32
        %min3A_1423 = arith.constant 999808 : i32
        %min3A_1424 = arith.minsi %shift_left3A_1422, %min3A_1423 : i32
        %multiple_of3A_1425 = tpu.assume_multiple %min3A_1424, 128 : i32
        %add3A_1426 = arith.constant 6 : i32
        %add3A_1427 = arith.addi %mul3A_1274, %add3A_1426 : i32
        %dma_start3A_1428 = arith.constant 0 : i32
        %dma_start3A_1429 = arith.constant 0 : i32
        %dma_start3A_1430 = tpu.memref_slice %arg9[%add3A_1427, %dma_start3A_1428, %dma_start3A_1429] : memref<48x16x128xf32, #tpu.memory_space<vmem>> -> memref<1x16x128xf32, #tpu.memory_space<vmem>>
        %dma_start3A_1431 = tpu.memref_squeeze %dma_start3A_1430 : memref<1x16x128xf32, #tpu.memory_space<vmem>> -> memref<16x128xf32, #tpu.memory_space<vmem>>
        %dma_start3A_1432 = arith.constant 0 : i32
        %dma_start3A_1433 = tpu.memref_slice %arg2[%dma_start3A_1432, %multiple_of3A_1425] : memref<16x1000000xf32, #tpu.memory_space<hbm>> -> memref<16x128xf32, #tpu.memory_space<hbm>>
        %dma_start3A_1434 = arith.constant 0 : i32
        %dma_start3A_1435 = arith.constant 0 : i32
        %dma_start3A_1436 = tpu.memref_slice %arg9[%add3A_1427, %dma_start3A_1434, %dma_start3A_1435] : memref<48x16x128xf32, #tpu.memory_space<vmem>> -> memref<1x16x128xf32, #tpu.memory_space<vmem>>
        %dma_start3A_1437 = tpu.memref_squeeze %dma_start3A_1436 : memref<1x16x128xf32, #tpu.memory_space<vmem>> -> memref<16x128xf32, #tpu.memory_space<vmem>>
        %dma_start3A_1438 = arith.constant 0 : i32
        %dma_start3A_1439 = tpu.memref_slice %arg2[%dma_start3A_1438, %multiple_of3A_1425] : memref<16x1000000xf32, #tpu.memory_space<hbm>> -> memref<16x128xf32, #tpu.memory_space<hbm>>
        tpu.enqueue_dma source(%dma_start3A_1439 : memref<16x128xf32, #tpu.memory_space<hbm>>) target(%dma_start3A_1437 : memref<16x128xf32, #tpu.memory_space<vmem>>) target_semaphore(%arg12 : memref<!tpu.dma_semaphore, #tpu.memory_space<semaphore_mem>>)
        %slice3A_1440 = vector.extract_strided_slice %get3A_1278 {offsets = [7], sizes = [1], strides = [1]} : vector<16xi32> to vector<1xi32>
        %squeeze3A_1441 = vector.extract %slice3A_1440[0] : i32 from vector<1xi32>
        %shift_right_arithmetic3A_1442 = arith.constant 7 : i32
        %shift_right_arithmetic3A_1443 = arith.shrsi %squeeze3A_1441, %shift_right_arithmetic3A_1442 : i32
        %shift_left3A_1444 = arith.constant 7 : i32
        %shift_left3A_1445 = arith.shli %shift_right_arithmetic3A_1443, %shift_left3A_1444 : i32
        %min3A_1446 = arith.constant 999808 : i32
        %min3A_1447 = arith.minsi %shift_left3A_1445, %min3A_1446 : i32
        %multiple_of3A_1448 = tpu.assume_multiple %min3A_1447, 128 : i32
        %add3A_1449 = arith.constant 7 : i32
        %add3A_1450 = arith.addi %mul3A_1274, %add3A_1449 : i32
        %dma_start3A_1451 = arith.constant 0 : i32
        %dma_start3A_1452 = arith.constant 0 : i32
        %dma_start3A_1453 = tpu.memref_slice %arg9[%add3A_1450, %dma_start3A_1451, %dma_start3A_1452] : memref<48x16x128xf32, #tpu.memory_space<vmem>> -> memref<1x16x128xf32, #tpu.memory_space<vmem>>
        %dma_start3A_1454 = tpu.memref_squeeze %dma_start3A_1453 : memref<1x16x128xf32, #tpu.memory_space<vmem>> -> memref<16x128xf32, #tpu.memory_space<vmem>>
        %dma_start3A_1455 = arith.constant 0 : i32
        %dma_start3A_1456 = tpu.memref_slice %arg2[%dma_start3A_1455, %multiple_of3A_1448] : memref<16x1000000xf32, #tpu.memory_space<hbm>> -> memref<16x128xf32, #tpu.memory_space<hbm>>
        %dma_start3A_1457 = arith.constant 0 : i32
        %dma_start3A_1458 = arith.constant 0 : i32
        %dma_start3A_1459 = tpu.memref_slice %arg9[%add3A_1450, %dma_start3A_1457, %dma_start3A_1458] : memref<48x16x128xf32, #tpu.memory_space<vmem>> -> memref<1x16x128xf32, #tpu.memory_space<vmem>>
        %dma_start3A_1460 = tpu.memref_squeeze %dma_start3A_1459 : memref<1x16x128xf32, #tpu.memory_space<vmem>> -> memref<16x128xf32, #tpu.memory_space<vmem>>
        %dma_start3A_1461 = arith.constant 0 : i32
        %dma_start3A_1462 = tpu.memref_slice %arg2[%dma_start3A_1461, %multiple_of3A_1448] : memref<16x1000000xf32, #tpu.memory_space<hbm>> -> memref<16x128xf32, #tpu.memory_space<hbm>>
        tpu.enqueue_dma source(%dma_start3A_1462 : memref<16x128xf32, #tpu.memory_space<hbm>>) target(%dma_start3A_1460 : memref<16x128xf32, #tpu.memory_space<vmem>>) target_semaphore(%arg12 : memref<!tpu.dma_semaphore, #tpu.memory_space<semaphore_mem>>)
        %slice3A_1463 = vector.extract_strided_slice %get3A_1278 {offsets = [8], sizes = [1], strides = [1]} : vector<16xi32> to vector<1xi32>
        %squeeze3A_1464 = vector.extract %slice3A_1463[0] : i32 from vector<1xi32>
        %shift_right_arithmetic3A_1465 = arith.constant 7 : i32
        %shift_right_arithmetic3A_1466 = arith.shrsi %squeeze3A_1464, %shift_right_arithmetic3A_1465 : i32
        %shift_left3A_1467 = arith.constant 7 : i32
        %shift_left3A_1468 = arith.shli %shift_right_arithmetic3A_1466, %shift_left3A_1467 : i32
        %min3A_1469 = arith.constant 999808 : i32
        %min3A_1470 = arith.minsi %shift_left3A_1468, %min3A_1469 : i32
        %multiple_of3A_1471 = tpu.assume_multiple %min3A_1470, 128 : i32
        %add3A_1472 = arith.constant 8 : i32
        %add3A_1473 = arith.addi %mul3A_1274, %add3A_1472 : i32
        %dma_start3A_1474 = arith.constant 0 : i32
        %dma_start3A_1475 = arith.constant 0 : i32
        %dma_start3A_1476 = tpu.memref_slice %arg9[%add3A_1473, %dma_start3A_1474, %dma_start3A_1475] : memref<48x16x128xf32, #tpu.memory_space<vmem>> -> memref<1x16x128xf32, #tpu.memory_space<vmem>>
        %dma_start3A_1477 = tpu.memref_squeeze %dma_start3A_1476 : memref<1x16x128xf32, #tpu.memory_space<vmem>> -> memref<16x128xf32, #tpu.memory_space<vmem>>
        %dma_start3A_1478 = arith.constant 0 : i32
        %dma_start3A_1479 = tpu.memref_slice %arg2[%dma_start3A_1478, %multiple_of3A_1471] : memref<16x1000000xf32, #tpu.memory_space<hbm>> -> memref<16x128xf32, #tpu.memory_space<hbm>>
        %dma_start3A_1480 = arith.constant 0 : i32
        %dma_start3A_1481 = arith.constant 0 : i32
        %dma_start3A_1482 = tpu.memref_slice %arg9[%add3A_1473, %dma_start3A_1480, %dma_start3A_1481] : memref<48x16x128xf32, #tpu.memory_space<vmem>> -> memref<1x16x128xf32, #tpu.memory_space<vmem>>
        %dma_start3A_1483 = tpu.memref_squeeze %dma_start3A_1482 : memref<1x16x128xf32, #tpu.memory_space<vmem>> -> memref<16x128xf32, #tpu.memory_space<vmem>>
        %dma_start3A_1484 = arith.constant 0 : i32
        %dma_start3A_1485 = tpu.memref_slice %arg2[%dma_start3A_1484, %multiple_of3A_1471] : memref<16x1000000xf32, #tpu.memory_space<hbm>> -> memref<16x128xf32, #tpu.memory_space<hbm>>
        tpu.enqueue_dma source(%dma_start3A_1485 : memref<16x128xf32, #tpu.memory_space<hbm>>) target(%dma_start3A_1483 : memref<16x128xf32, #tpu.memory_space<vmem>>) target_semaphore(%arg12 : memref<!tpu.dma_semaphore, #tpu.memory_space<semaphore_mem>>)
        %slice3A_1486 = vector.extract_strided_slice %get3A_1278 {offsets = [9], sizes = [1], strides = [1]} : vector<16xi32> to vector<1xi32>
        %squeeze3A_1487 = vector.extract %slice3A_1486[0] : i32 from vector<1xi32>
        %shift_right_arithmetic3A_1488 = arith.constant 7 : i32
        %shift_right_arithmetic3A_1489 = arith.shrsi %squeeze3A_1487, %shift_right_arithmetic3A_1488 : i32
        %shift_left3A_1490 = arith.constant 7 : i32
        %shift_left3A_1491 = arith.shli %shift_right_arithmetic3A_1489, %shift_left3A_1490 : i32
        %min3A_1492 = arith.constant 999808 : i32
        %min3A_1493 = arith.minsi %shift_left3A_1491, %min3A_1492 : i32
        %multiple_of3A_1494 = tpu.assume_multiple %min3A_1493, 128 : i32
        %add3A_1495 = arith.constant 9 : i32
        %add3A_1496 = arith.addi %mul3A_1274, %add3A_1495 : i32
        %dma_start3A_1497 = arith.constant 0 : i32
        %dma_start3A_1498 = arith.constant 0 : i32
        %dma_start3A_1499 = tpu.memref_slice %arg9[%add3A_1496, %dma_start3A_1497, %dma_start3A_1498] : memref<48x16x128xf32, #tpu.memory_space<vmem>> -> memref<1x16x128xf32, #tpu.memory_space<vmem>>
        %dma_start3A_1500 = tpu.memref_squeeze %dma_start3A_1499 : memref<1x16x128xf32, #tpu.memory_space<vmem>> -> memref<16x128xf32, #tpu.memory_space<vmem>>
        %dma_start3A_1501 = arith.constant 0 : i32
        %dma_start3A_1502 = tpu.memref_slice %arg2[%dma_start3A_1501, %multiple_of3A_1494] : memref<16x1000000xf32, #tpu.memory_space<hbm>> -> memref<16x128xf32, #tpu.memory_space<hbm>>
        %dma_start3A_1503 = arith.constant 0 : i32
        %dma_start3A_1504 = arith.constant 0 : i32
        %dma_start3A_1505 = tpu.memref_slice %arg9[%add3A_1496, %dma_start3A_1503, %dma_start3A_1504] : memref<48x16x128xf32, #tpu.memory_space<vmem>> -> memref<1x16x128xf32, #tpu.memory_space<vmem>>
        %dma_start3A_1506 = tpu.memref_squeeze %dma_start3A_1505 : memref<1x16x128xf32, #tpu.memory_space<vmem>> -> memref<16x128xf32, #tpu.memory_space<vmem>>
        %dma_start3A_1507 = arith.constant 0 : i32
        %dma_start3A_1508 = tpu.memref_slice %arg2[%dma_start3A_1507, %multiple_of3A_1494] : memref<16x1000000xf32, #tpu.memory_space<hbm>> -> memref<16x128xf32, #tpu.memory_space<hbm>>
        tpu.enqueue_dma source(%dma_start3A_1508 : memref<16x128xf32, #tpu.memory_space<hbm>>) target(%dma_start3A_1506 : memref<16x128xf32, #tpu.memory_space<vmem>>) target_semaphore(%arg12 : memref<!tpu.dma_semaphore, #tpu.memory_space<semaphore_mem>>)
        %slice3A_1509 = vector.extract_strided_slice %get3A_1278 {offsets = [10], sizes = [1], strides = [1]} : vector<16xi32> to vector<1xi32>
        %squeeze3A_1510 = vector.extract %slice3A_1509[0] : i32 from vector<1xi32>
        %shift_right_arithmetic3A_1511 = arith.constant 7 : i32
        %shift_right_arithmetic3A_1512 = arith.shrsi %squeeze3A_1510, %shift_right_arithmetic3A_1511 : i32
        %shift_left3A_1513 = arith.constant 7 : i32
        %shift_left3A_1514 = arith.shli %shift_right_arithmetic3A_1512, %shift_left3A_1513 : i32
        %min3A_1515 = arith.constant 999808 : i32
        %min3A_1516 = arith.minsi %shift_left3A_1514, %min3A_1515 : i32
        %multiple_of3A_1517 = tpu.assume_multiple %min3A_1516, 128 : i32
        %add3A_1518 = arith.constant 10 : i32
        %add3A_1519 = arith.addi %mul3A_1274, %add3A_1518 : i32
        %dma_start3A_1520 = arith.constant 0 : i32
        %dma_start3A_1521 = arith.constant 0 : i32
        %dma_start3A_1522 = tpu.memref_slice %arg9[%add3A_1519, %dma_start3A_1520, %dma_start3A_1521] : memref<48x16x128xf32, #tpu.memory_space<vmem>> -> memref<1x16x128xf32, #tpu.memory_space<vmem>>
        %dma_start3A_1523 = tpu.memref_squeeze %dma_start3A_1522 : memref<1x16x128xf32, #tpu.memory_space<vmem>> -> memref<16x128xf32, #tpu.memory_space<vmem>>
        %dma_start3A_1524 = arith.constant 0 : i32
        %dma_start3A_1525 = tpu.memref_slice %arg2[%dma_start3A_1524, %multiple_of3A_1517] : memref<16x1000000xf32, #tpu.memory_space<hbm>> -> memref<16x128xf32, #tpu.memory_space<hbm>>
        %dma_start3A_1526 = arith.constant 0 : i32
        %dma_start3A_1527 = arith.constant 0 : i32
        %dma_start3A_1528 = tpu.memref_slice %arg9[%add3A_1519, %dma_start3A_1526, %dma_start3A_1527] : memref<48x16x128xf32, #tpu.memory_space<vmem>> -> memref<1x16x128xf32, #tpu.memory_space<vmem>>
        %dma_start3A_1529 = tpu.memref_squeeze %dma_start3A_1528 : memref<1x16x128xf32, #tpu.memory_space<vmem>> -> memref<16x128xf32, #tpu.memory_space<vmem>>
        %dma_start3A_1530 = arith.constant 0 : i32
        %dma_start3A_1531 = tpu.memref_slice %arg2[%dma_start3A_1530, %multiple_of3A_1517] : memref<16x1000000xf32, #tpu.memory_space<hbm>> -> memref<16x128xf32, #tpu.memory_space<hbm>>
        tpu.enqueue_dma source(%dma_start3A_1531 : memref<16x128xf32, #tpu.memory_space<hbm>>) target(%dma_start3A_1529 : memref<16x128xf32, #tpu.memory_space<vmem>>) target_semaphore(%arg12 : memref<!tpu.dma_semaphore, #tpu.memory_space<semaphore_mem>>)
        %slice3A_1532 = vector.extract_strided_slice %get3A_1278 {offsets = [11], sizes = [1], strides = [1]} : vector<16xi32> to vector<1xi32>
        %squeeze3A_1533 = vector.extract %slice3A_1532[0] : i32 from vector<1xi32>
        %shift_right_arithmetic3A_1534 = arith.constant 7 : i32
        %shift_right_arithmetic3A_1535 = arith.shrsi %squeeze3A_1533, %shift_right_arithmetic3A_1534 : i32
        %shift_left3A_1536 = arith.constant 7 : i32
        %shift_left3A_1537 = arith.shli %shift_right_arithmetic3A_1535, %shift_left3A_1536 : i32
        %min3A_1538 = arith.constant 999808 : i32
        %min3A_1539 = arith.minsi %shift_left3A_1537, %min3A_1538 : i32
        %multiple_of3A_1540 = tpu.assume_multiple %min3A_1539, 128 : i32
        %add3A_1541 = arith.constant 11 : i32
        %add3A_1542 = arith.addi %mul3A_1274, %add3A_1541 : i32
        %dma_start3A_1543 = arith.constant 0 : i32
        %dma_start3A_1544 = arith.constant 0 : i32
        %dma_start3A_1545 = tpu.memref_slice %arg9[%add3A_1542, %dma_start3A_1543, %dma_start3A_1544] : memref<48x16x128xf32, #tpu.memory_space<vmem>> -> memref<1x16x128xf32, #tpu.memory_space<vmem>>
        %dma_start3A_1546 = tpu.memref_squeeze %dma_start3A_1545 : memref<1x16x128xf32, #tpu.memory_space<vmem>> -> memref<16x128xf32, #tpu.memory_space<vmem>>
        %dma_start3A_1547 = arith.constant 0 : i32
        %dma_start3A_1548 = tpu.memref_slice %arg2[%dma_start3A_1547, %multiple_of3A_1540] : memref<16x1000000xf32, #tpu.memory_space<hbm>> -> memref<16x128xf32, #tpu.memory_space<hbm>>
        %dma_start3A_1549 = arith.constant 0 : i32
        %dma_start3A_1550 = arith.constant 0 : i32
        %dma_start3A_1551 = tpu.memref_slice %arg9[%add3A_1542, %dma_start3A_1549, %dma_start3A_1550] : memref<48x16x128xf32, #tpu.memory_space<vmem>> -> memref<1x16x128xf32, #tpu.memory_space<vmem>>
        %dma_start3A_1552 = tpu.memref_squeeze %dma_start3A_1551 : memref<1x16x128xf32, #tpu.memory_space<vmem>> -> memref<16x128xf32, #tpu.memory_space<vmem>>
        %dma_start3A_1553 = arith.constant 0 : i32
        %dma_start3A_1554 = tpu.memref_slice %arg2[%dma_start3A_1553, %multiple_of3A_1540] : memref<16x1000000xf32, #tpu.memory_space<hbm>> -> memref<16x128xf32, #tpu.memory_space<hbm>>
        tpu.enqueue_dma source(%dma_start3A_1554 : memref<16x128xf32, #tpu.memory_space<hbm>>) target(%dma_start3A_1552 : memref<16x128xf32, #tpu.memory_space<vmem>>) target_semaphore(%arg12 : memref<!tpu.dma_semaphore, #tpu.memory_space<semaphore_mem>>)
        %slice3A_1555 = vector.extract_strided_slice %get3A_1278 {offsets = [12], sizes = [1], strides = [1]} : vector<16xi32> to vector<1xi32>
        %squeeze3A_1556 = vector.extract %slice3A_1555[0] : i32 from vector<1xi32>
        %shift_right_arithmetic3A_1557 = arith.constant 7 : i32
        %shift_right_arithmetic3A_1558 = arith.shrsi %squeeze3A_1556, %shift_right_arithmetic3A_1557 : i32
        %shift_left3A_1559 = arith.constant 7 : i32
        %shift_left3A_1560 = arith.shli %shift_right_arithmetic3A_1558, %shift_left3A_1559 : i32
        %min3A_1561 = arith.constant 999808 : i32
        %min3A_1562 = arith.minsi %shift_left3A_1560, %min3A_1561 : i32
        %multiple_of3A_1563 = tpu.assume_multiple %min3A_1562, 128 : i32
        %add3A_1564 = arith.constant 12 : i32
        %add3A_1565 = arith.addi %mul3A_1274, %add3A_1564 : i32
        %dma_start3A_1566 = arith.constant 0 : i32
        %dma_start3A_1567 = arith.constant 0 : i32
        %dma_start3A_1568 = tpu.memref_slice %arg9[%add3A_1565, %dma_start3A_1566, %dma_start3A_1567] : memref<48x16x128xf32, #tpu.memory_space<vmem>> -> memref<1x16x128xf32, #tpu.memory_space<vmem>>
        %dma_start3A_1569 = tpu.memref_squeeze %dma_start3A_1568 : memref<1x16x128xf32, #tpu.memory_space<vmem>> -> memref<16x128xf32, #tpu.memory_space<vmem>>
        %dma_start3A_1570 = arith.constant 0 : i32
        %dma_start3A_1571 = tpu.memref_slice %arg2[%dma_start3A_1570, %multiple_of3A_1563] : memref<16x1000000xf32, #tpu.memory_space<hbm>> -> memref<16x128xf32, #tpu.memory_space<hbm>>
        %dma_start3A_1572 = arith.constant 0 : i32
        %dma_start3A_1573 = arith.constant 0 : i32
        %dma_start3A_1574 = tpu.memref_slice %arg9[%add3A_1565, %dma_start3A_1572, %dma_start3A_1573] : memref<48x16x128xf32, #tpu.memory_space<vmem>> -> memref<1x16x128xf32, #tpu.memory_space<vmem>>
        %dma_start3A_1575 = tpu.memref_squeeze %dma_start3A_1574 : memref<1x16x128xf32, #tpu.memory_space<vmem>> -> memref<16x128xf32, #tpu.memory_space<vmem>>
        %dma_start3A_1576 = arith.constant 0 : i32
        %dma_start3A_1577 = tpu.memref_slice %arg2[%dma_start3A_1576, %multiple_of3A_1563] : memref<16x1000000xf32, #tpu.memory_space<hbm>> -> memref<16x128xf32, #tpu.memory_space<hbm>>
        tpu.enqueue_dma source(%dma_start3A_1577 : memref<16x128xf32, #tpu.memory_space<hbm>>) target(%dma_start3A_1575 : memref<16x128xf32, #tpu.memory_space<vmem>>) target_semaphore(%arg12 : memref<!tpu.dma_semaphore, #tpu.memory_space<semaphore_mem>>)
        %slice3A_1578 = vector.extract_strided_slice %get3A_1278 {offsets = [13], sizes = [1], strides = [1]} : vector<16xi32> to vector<1xi32>
        %squeeze3A_1579 = vector.extract %slice3A_1578[0] : i32 from vector<1xi32>
        %shift_right_arithmetic3A_1580 = arith.constant 7 : i32
        %shift_right_arithmetic3A_1581 = arith.shrsi %squeeze3A_1579, %shift_right_arithmetic3A_1580 : i32
        %shift_left3A_1582 = arith.constant 7 : i32
        %shift_left3A_1583 = arith.shli %shift_right_arithmetic3A_1581, %shift_left3A_1582 : i32
        %min3A_1584 = arith.constant 999808 : i32
        %min3A_1585 = arith.minsi %shift_left3A_1583, %min3A_1584 : i32
        %multiple_of3A_1586 = tpu.assume_multiple %min3A_1585, 128 : i32
        %add3A_1587 = arith.constant 13 : i32
        %add3A_1588 = arith.addi %mul3A_1274, %add3A_1587 : i32
        %dma_start3A_1589 = arith.constant 0 : i32
        %dma_start3A_1590 = arith.constant 0 : i32
        %dma_start3A_1591 = tpu.memref_slice %arg9[%add3A_1588, %dma_start3A_1589, %dma_start3A_1590] : memref<48x16x128xf32, #tpu.memory_space<vmem>> -> memref<1x16x128xf32, #tpu.memory_space<vmem>>
        %dma_start3A_1592 = tpu.memref_squeeze %dma_start3A_1591 : memref<1x16x128xf32, #tpu.memory_space<vmem>> -> memref<16x128xf32, #tpu.memory_space<vmem>>
        %dma_start3A_1593 = arith.constant 0 : i32
        %dma_start3A_1594 = tpu.memref_slice %arg2[%dma_start3A_1593, %multiple_of3A_1586] : memref<16x1000000xf32, #tpu.memory_space<hbm>> -> memref<16x128xf32, #tpu.memory_space<hbm>>
        %dma_start3A_1595 = arith.constant 0 : i32
        %dma_start3A_1596 = arith.constant 0 : i32
        %dma_start3A_1597 = tpu.memref_slice %arg9[%add3A_1588, %dma_start3A_1595, %dma_start3A_1596] : memref<48x16x128xf32, #tpu.memory_space<vmem>> -> memref<1x16x128xf32, #tpu.memory_space<vmem>>
        %dma_start3A_1598 = tpu.memref_squeeze %dma_start3A_1597 : memref<1x16x128xf32, #tpu.memory_space<vmem>> -> memref<16x128xf32, #tpu.memory_space<vmem>>
        %dma_start3A_1599 = arith.constant 0 : i32
        %dma_start3A_1600 = tpu.memref_slice %arg2[%dma_start3A_1599, %multiple_of3A_1586] : memref<16x1000000xf32, #tpu.memory_space<hbm>> -> memref<16x128xf32, #tpu.memory_space<hbm>>
        tpu.enqueue_dma source(%dma_start3A_1600 : memref<16x128xf32, #tpu.memory_space<hbm>>) target(%dma_start3A_1598 : memref<16x128xf32, #tpu.memory_space<vmem>>) target_semaphore(%arg12 : memref<!tpu.dma_semaphore, #tpu.memory_space<semaphore_mem>>)
        %slice3A_1601 = vector.extract_strided_slice %get3A_1278 {offsets = [14], sizes = [1], strides = [1]} : vector<16xi32> to vector<1xi32>
        %squeeze3A_1602 = vector.extract %slice3A_1601[0] : i32 from vector<1xi32>
        %shift_right_arithmetic3A_1603 = arith.constant 7 : i32
        %shift_right_arithmetic3A_1604 = arith.shrsi %squeeze3A_1602, %shift_right_arithmetic3A_1603 : i32
        %shift_left3A_1605 = arith.constant 7 : i32
        %shift_left3A_1606 = arith.shli %shift_right_arithmetic3A_1604, %shift_left3A_1605 : i32
        %min3A_1607 = arith.constant 999808 : i32
        %min3A_1608 = arith.minsi %shift_left3A_1606, %min3A_1607 : i32
        %multiple_of3A_1609 = tpu.assume_multiple %min3A_1608, 128 : i32
        %add3A_1610 = arith.constant 14 : i32
        %add3A_1611 = arith.addi %mul3A_1274, %add3A_1610 : i32
        %dma_start3A_1612 = arith.constant 0 : i32
        %dma_start3A_1613 = arith.constant 0 : i32
        %dma_start3A_1614 = tpu.memref_slice %arg9[%add3A_1611, %dma_start3A_1612, %dma_start3A_1613] : memref<48x16x128xf32, #tpu.memory_space<vmem>> -> memref<1x16x128xf32, #tpu.memory_space<vmem>>
        %dma_start3A_1615 = tpu.memref_squeeze %dma_start3A_1614 : memref<1x16x128xf32, #tpu.memory_space<vmem>> -> memref<16x128xf32, #tpu.memory_space<vmem>>
        %dma_start3A_1616 = arith.constant 0 : i32
        %dma_start3A_1617 = tpu.memref_slice %arg2[%dma_start3A_1616, %multiple_of3A_1609] : memref<16x1000000xf32, #tpu.memory_space<hbm>> -> memref<16x128xf32, #tpu.memory_space<hbm>>
        %dma_start3A_1618 = arith.constant 0 : i32
        %dma_start3A_1619 = arith.constant 0 : i32
        %dma_start3A_1620 = tpu.memref_slice %arg9[%add3A_1611, %dma_start3A_1618, %dma_start3A_1619] : memref<48x16x128xf32, #tpu.memory_space<vmem>> -> memref<1x16x128xf32, #tpu.memory_space<vmem>>
        %dma_start3A_1621 = tpu.memref_squeeze %dma_start3A_1620 : memref<1x16x128xf32, #tpu.memory_space<vmem>> -> memref<16x128xf32, #tpu.memory_space<vmem>>
        %dma_start3A_1622 = arith.constant 0 : i32
        %dma_start3A_1623 = tpu.memref_slice %arg2[%dma_start3A_1622, %multiple_of3A_1609] : memref<16x1000000xf32, #tpu.memory_space<hbm>> -> memref<16x128xf32, #tpu.memory_space<hbm>>
        tpu.enqueue_dma source(%dma_start3A_1623 : memref<16x128xf32, #tpu.memory_space<hbm>>) target(%dma_start3A_1621 : memref<16x128xf32, #tpu.memory_space<vmem>>) target_semaphore(%arg12 : memref<!tpu.dma_semaphore, #tpu.memory_space<semaphore_mem>>)
        %slice3A_1624 = vector.extract_strided_slice %get3A_1278 {offsets = [15], sizes = [1], strides = [1]} : vector<16xi32> to vector<1xi32>
        %squeeze3A_1625 = vector.extract %slice3A_1624[0] : i32 from vector<1xi32>
        %shift_right_arithmetic3A_1626 = arith.constant 7 : i32
        %shift_right_arithmetic3A_1627 = arith.shrsi %squeeze3A_1625, %shift_right_arithmetic3A_1626 : i32
        %shift_left3A_1628 = arith.constant 7 : i32
        %shift_left3A_1629 = arith.shli %shift_right_arithmetic3A_1627, %shift_left3A_1628 : i32
        %min3A_1630 = arith.constant 999808 : i32
        %min3A_1631 = arith.minsi %shift_left3A_1629, %min3A_1630 : i32
        %multiple_of3A_1632 = tpu.assume_multiple %min3A_1631, 128 : i32
        %add3A_1633 = arith.constant 15 : i32
        %add3A_1634 = arith.addi %mul3A_1274, %add3A_1633 : i32
        %dma_start3A_1635 = arith.constant 0 : i32
        %dma_start3A_1636 = arith.constant 0 : i32
        %dma_start3A_1637 = tpu.memref_slice %arg9[%add3A_1634, %dma_start3A_1635, %dma_start3A_1636] : memref<48x16x128xf32, #tpu.memory_space<vmem>> -> memref<1x16x128xf32, #tpu.memory_space<vmem>>
        %dma_start3A_1638 = tpu.memref_squeeze %dma_start3A_1637 : memref<1x16x128xf32, #tpu.memory_space<vmem>> -> memref<16x128xf32, #tpu.memory_space<vmem>>
        %dma_start3A_1639 = arith.constant 0 : i32
        %dma_start3A_1640 = tpu.memref_slice %arg2[%dma_start3A_1639, %multiple_of3A_1632] : memref<16x1000000xf32, #tpu.memory_space<hbm>> -> memref<16x128xf32, #tpu.memory_space<hbm>>
        %dma_start3A_1641 = arith.constant 0 : i32
        %dma_start3A_1642 = arith.constant 0 : i32
        %dma_start3A_1643 = tpu.memref_slice %arg9[%add3A_1634, %dma_start3A_1641, %dma_start3A_1642] : memref<48x16x128xf32, #tpu.memory_space<vmem>> -> memref<1x16x128xf32, #tpu.memory_space<vmem>>
        %dma_start3A_1644 = tpu.memref_squeeze %dma_start3A_1643 : memref<1x16x128xf32, #tpu.memory_space<vmem>> -> memref<16x128xf32, #tpu.memory_space<vmem>>
        %dma_start3A_1645 = arith.constant 0 : i32
        %dma_start3A_1646 = tpu.memref_slice %arg2[%dma_start3A_1645, %multiple_of3A_1632] : memref<16x1000000xf32, #tpu.memory_space<hbm>> -> memref<16x128xf32, #tpu.memory_space<hbm>>
        tpu.enqueue_dma source(%dma_start3A_1646 : memref<16x128xf32, #tpu.memory_space<hbm>>) target(%dma_start3A_1644 : memref<16x128xf32, #tpu.memory_space<vmem>>) target_semaphore(%arg12 : memref<!tpu.dma_semaphore, #tpu.memory_space<semaphore_mem>>)
      } else {
      }
      %mul3A_1049 = arith.constant 16 : i32
      %mul3A_1050 = arith.muli %scan3A_777, %mul3A_1049 : i32
      %get3A_1051 = arith.index_cast %mul3A_1050 : i32 to index
      %get3A_1052 = tpu.vector_load %arg7[%get3A_1051] {strides = array<i32>} : memref<512xi32, #tpu.memory_space<vmem>>, vector<16xi32>,
      %and3A_1053 = arith.constant 127 : i32
      %and3A_1054 = vector.broadcast %and3A_1053 : i32 to vector<16xi32>
      %and3A_1055 = arith.andi %get3A_1052, %and3A_1054 : vector<16xi32>
      %ge3A = arith.constant 999936 : i32
      %ge3A_1056 = vector.broadcast %ge3A : i32 to vector<16xi32>
      %ge3A_1057 = arith.cmpi sge, %get3A_1052, %ge3A_1056 : vector<16xi32>
      %sub3A = arith.constant 999936 : i32
      %sub3A_1058 = vector.broadcast %sub3A : i32 to vector<16xi32>
      %sub3A_1059 = arith.subi %get3A_1052, %sub3A_1058 : vector<16xi32>
      %jit3A_1060 = arith.constant 0 : i32
      %broadcast_in_dim3A = vector.broadcast %jit3A_1060 : i32 to vector<16xi32>
      %select_n3A_1061 = arith.select %ge3A_1057, %sub3A_1059, %broadcast_in_dim3A : vector<16xi1>, vector<16xi32>
      %add3A_1062 = vector.broadcast %mul3A_788 : i32 to vector<16xi32>
      %add3A_1063 = arith.addi %add3A_1062, %iota3A : vector<16xi32>
      %broadcast_in_dim3A_1064 = arith.constant 0 : i32
      %broadcast_in_dim3A_1065 = vector.broadcast %broadcast_in_dim3A_1064 : i32 to vector<16xi32>
      %gather3A = tpu.vector_load_idx %arg9[%add3A_1063, %broadcast_in_dim3A_1065, %and3A_1055] : memref<48x16x128xf32, #tpu.memory_space<vmem>>[vector<16xi32>, vector<16xi32>, vector<16xi32>], vector<16xf32>,
      %gather3A_1066 = tpu.vector_load_idx %arg10[%select_n3A_1061, %broadcast_in_dim3A_1065] : memref<64x16xf32, #tpu.memory_space<vmem>>[vector<16xi32>, vector<16xi32>], vector<16xf32>,
      %select_n3A_1067 = arith.select %ge3A_1057, %gather3A_1066, %gather3A : vector<16xi1>, vector<16xf32>
      %broadcast_in_dim3A_1068 = arith.constant 1 : i32
      %broadcast_in_dim3A_1069 = vector.broadcast %broadcast_in_dim3A_1068 : i32 to vector<16xi32>
      %gather3A_1070 = tpu.vector_load_idx %arg9[%add3A_1063, %broadcast_in_dim3A_1069, %and3A_1055] : memref<48x16x128xf32, #tpu.memory_space<vmem>>[vector<16xi32>, vector<16xi32>, vector<16xi32>], vector<16xf32>,
      %gather3A_1071 = tpu.vector_load_idx %arg10[%select_n3A_1061, %broadcast_in_dim3A_1069] : memref<64x16xf32, #tpu.memory_space<vmem>>[vector<16xi32>, vector<16xi32>], vector<16xf32>,
      %select_n3A_1072 = arith.select %ge3A_1057, %gather3A_1071, %gather3A_1070 : vector<16xi1>, vector<16xf32>
      %broadcast_in_dim3A_1073 = arith.constant 2 : i32
      %broadcast_in_dim3A_1074 = vector.broadcast %broadcast_in_dim3A_1073 : i32 to vector<16xi32>
      %gather3A_1075 = tpu.vector_load_idx %arg9[%add3A_1063, %broadcast_in_dim3A_1074, %and3A_1055] : memref<48x16x128xf32, #tpu.memory_space<vmem>>[vector<16xi32>, vector<16xi32>, vector<16xi32>], vector<16xf32>,
      %gather3A_1076 = tpu.vector_load_idx %arg10[%select_n3A_1061, %broadcast_in_dim3A_1074] : memref<64x16xf32, #tpu.memory_space<vmem>>[vector<16xi32>, vector<16xi32>], vector<16xf32>,
      %select_n3A_1077 = arith.select %ge3A_1057, %gather3A_1076, %gather3A_1075 : vector<16xi1>, vector<16xf32>
      %broadcast_in_dim3A_1078 = arith.constant 3 : i32
      %broadcast_in_dim3A_1079 = vector.broadcast %broadcast_in_dim3A_1078 : i32 to vector<16xi32>
      %gather3A_1080 = tpu.vector_load_idx %arg9[%add3A_1063, %broadcast_in_dim3A_1079, %and3A_1055] : memref<48x16x128xf32, #tpu.memory_space<vmem>>[vector<16xi32>, vector<16xi32>, vector<16xi32>], vector<16xf32>,
      %gather3A_1081 = tpu.vector_load_idx %arg10[%select_n3A_1061, %broadcast_in_dim3A_1079] : memref<64x16xf32, #tpu.memory_space<vmem>>[vector<16xi32>, vector<16xi32>], vector<16xf32>,
      %select_n3A_1082 = arith.select %ge3A_1057, %gather3A_1081, %gather3A_1080 : vector<16xi1>, vector<16xf32>
      %broadcast_in_dim3A_1083 = arith.constant 4 : i32
      %broadcast_in_dim3A_1084 = vector.broadcast %broadcast_in_dim3A_1083 : i32 to vector<16xi32>
      %gather3A_1085 = tpu.vector_load_idx %arg9[%add3A_1063, %broadcast_in_dim3A_1084, %and3A_1055] : memref<48x16x128xf32, #tpu.memory_space<vmem>>[vector<16xi32>, vector<16xi32>, vector<16xi32>], vector<16xf32>,
      %gather3A_1086 = tpu.vector_load_idx %arg10[%select_n3A_1061, %broadcast_in_dim3A_1084] : memref<64x16xf32, #tpu.memory_space<vmem>>[vector<16xi32>, vector<16xi32>], vector<16xf32>,
      %select_n3A_1087 = arith.select %ge3A_1057, %gather3A_1086, %gather3A_1085 : vector<16xi1>, vector<16xf32>
      %broadcast_in_dim3A_1088 = arith.constant 5 : i32
      %broadcast_in_dim3A_1089 = vector.broadcast %broadcast_in_dim3A_1088 : i32 to vector<16xi32>
      %gather3A_1090 = tpu.vector_load_idx %arg9[%add3A_1063, %broadcast_in_dim3A_1089, %and3A_1055] : memref<48x16x128xf32, #tpu.memory_space<vmem>>[vector<16xi32>, vector<16xi32>, vector<16xi32>], vector<16xf32>,
      %gather3A_1091 = tpu.vector_load_idx %arg10[%select_n3A_1061, %broadcast_in_dim3A_1089] : memref<64x16xf32, #tpu.memory_space<vmem>>[vector<16xi32>, vector<16xi32>], vector<16xf32>,
      %select_n3A_1092 = arith.select %ge3A_1057, %gather3A_1091, %gather3A_1090 : vector<16xi1>, vector<16xf32>
      %broadcast_in_dim3A_1093 = arith.constant 6 : i32
      %broadcast_in_dim3A_1094 = vector.broadcast %broadcast_in_dim3A_1093 : i32 to vector<16xi32>
      %gather3A_1095 = tpu.vector_load_idx %arg9[%add3A_1063, %broadcast_in_dim3A_1094, %and3A_1055] : memref<48x16x128xf32, #tpu.memory_space<vmem>>[vector<16xi32>, vector<16xi32>, vector<16xi32>], vector<16xf32>,
      %gather3A_1096 = tpu.vector_load_idx %arg10[%select_n3A_1061, %broadcast_in_dim3A_1094] : memref<64x16xf32, #tpu.memory_space<vmem>>[vector<16xi32>, vector<16xi32>], vector<16xf32>,
      %select_n3A_1097 = arith.select %ge3A_1057, %gather3A_1096, %gather3A_1095 : vector<16xi1>, vector<16xf32>
      %broadcast_in_dim3A_1098 = arith.constant 7 : i32
      %broadcast_in_dim3A_1099 = vector.broadcast %broadcast_in_dim3A_1098 : i32 to vector<16xi32>
      %gather3A_1100 = tpu.vector_load_idx %arg9[%add3A_1063, %broadcast_in_dim3A_1099, %and3A_1055] : memref<48x16x128xf32, #tpu.memory_space<vmem>>[vector<16xi32>, vector<16xi32>, vector<16xi32>], vector<16xf32>,
      %gather3A_1101 = tpu.vector_load_idx %arg10[%select_n3A_1061, %broadcast_in_dim3A_1099] : memref<64x16xf32, #tpu.memory_space<vmem>>[vector<16xi32>, vector<16xi32>], vector<16xf32>,
      %select_n3A_1102 = arith.select %ge3A_1057, %gather3A_1101, %gather3A_1100 : vector<16xi1>, vector<16xf32>
      %broadcast_in_dim3A_1103 = arith.constant 8 : i32
      %broadcast_in_dim3A_1104 = vector.broadcast %broadcast_in_dim3A_1103 : i32 to vector<16xi32>
      %gather3A_1105 = tpu.vector_load_idx %arg9[%add3A_1063, %broadcast_in_dim3A_1104, %and3A_1055] : memref<48x16x128xf32, #tpu.memory_space<vmem>>[vector<16xi32>, vector<16xi32>, vector<16xi32>], vector<16xf32>,
      %gather3A_1106 = tpu.vector_load_idx %arg10[%select_n3A_1061, %broadcast_in_dim3A_1104] : memref<64x16xf32, #tpu.memory_space<vmem>>[vector<16xi32>, vector<16xi32>], vector<16xf32>,
      %select_n3A_1107 = arith.select %ge3A_1057, %gather3A_1106, %gather3A_1105 : vector<16xi1>, vector<16xf32>
      %broadcast_in_dim3A_1108 = arith.constant 9 : i32
      %broadcast_in_dim3A_1109 = vector.broadcast %broadcast_in_dim3A_1108 : i32 to vector<16xi32>
      %gather3A_1110 = tpu.vector_load_idx %arg9[%add3A_1063, %broadcast_in_dim3A_1109, %and3A_1055] : memref<48x16x128xf32, #tpu.memory_space<vmem>>[vector<16xi32>, vector<16xi32>, vector<16xi32>], vector<16xf32>,
      %gather3A_1111 = tpu.vector_load_idx %arg10[%select_n3A_1061, %broadcast_in_dim3A_1109] : memref<64x16xf32, #tpu.memory_space<vmem>>[vector<16xi32>, vector<16xi32>], vector<16xf32>,
      %select_n3A_1112 = arith.select %ge3A_1057, %gather3A_1111, %gather3A_1110 : vector<16xi1>, vector<16xf32>
      %broadcast_in_dim3A_1113 = arith.constant 10 : i32
      %broadcast_in_dim3A_1114 = vector.broadcast %broadcast_in_dim3A_1113 : i32 to vector<16xi32>
      %gather3A_1115 = tpu.vector_load_idx %arg9[%add3A_1063, %broadcast_in_dim3A_1114, %and3A_1055] : memref<48x16x128xf32, #tpu.memory_space<vmem>>[vector<16xi32>, vector<16xi32>, vector<16xi32>], vector<16xf32>,
      %gather3A_1116 = tpu.vector_load_idx %arg10[%select_n3A_1061, %broadcast_in_dim3A_1114] : memref<64x16xf32, #tpu.memory_space<vmem>>[vector<16xi32>, vector<16xi32>], vector<16xf32>,
      %select_n3A_1117 = arith.select %ge3A_1057, %gather3A_1116, %gather3A_1115 : vector<16xi1>, vector<16xf32>
      %broadcast_in_dim3A_1118 = arith.constant 11 : i32
      %broadcast_in_dim3A_1119 = vector.broadcast %broadcast_in_dim3A_1118 : i32 to vector<16xi32>
      %gather3A_1120 = tpu.vector_load_idx %arg9[%add3A_1063, %broadcast_in_dim3A_1119, %and3A_1055] : memref<48x16x128xf32, #tpu.memory_space<vmem>>[vector<16xi32>, vector<16xi32>, vector<16xi32>], vector<16xf32>,
      %gather3A_1121 = tpu.vector_load_idx %arg10[%select_n3A_1061, %broadcast_in_dim3A_1119] : memref<64x16xf32, #tpu.memory_space<vmem>>[vector<16xi32>, vector<16xi32>], vector<16xf32>,
      %select_n3A_1122 = arith.select %ge3A_1057, %gather3A_1121, %gather3A_1120 : vector<16xi1>, vector<16xf32>
      %broadcast_in_dim3A_1123 = arith.constant 12 : i32
      %broadcast_in_dim3A_1124 = vector.broadcast %broadcast_in_dim3A_1123 : i32 to vector<16xi32>
      %gather3A_1125 = tpu.vector_load_idx %arg9[%add3A_1063, %broadcast_in_dim3A_1124, %and3A_1055] : memref<48x16x128xf32, #tpu.memory_space<vmem>>[vector<16xi32>, vector<16xi32>, vector<16xi32>], vector<16xf32>,
      %gather3A_1126 = tpu.vector_load_idx %arg10[%select_n3A_1061, %broadcast_in_dim3A_1124] : memref<64x16xf32, #tpu.memory_space<vmem>>[vector<16xi32>, vector<16xi32>], vector<16xf32>,
      %select_n3A_1127 = arith.select %ge3A_1057, %gather3A_1126, %gather3A_1125 : vector<16xi1>, vector<16xf32>
      %broadcast_in_dim3A_1128 = arith.constant 13 : i32
      %broadcast_in_dim3A_1129 = vector.broadcast %broadcast_in_dim3A_1128 : i32 to vector<16xi32>
      %gather3A_1130 = tpu.vector_load_idx %arg9[%add3A_1063, %broadcast_in_dim3A_1129, %and3A_1055] : memref<48x16x128xf32, #tpu.memory_space<vmem>>[vector<16xi32>, vector<16xi32>, vector<16xi32>], vector<16xf32>,
      %gather3A_1131 = tpu.vector_load_idx %arg10[%select_n3A_1061, %broadcast_in_dim3A_1129] : memref<64x16xf32, #tpu.memory_space<vmem>>[vector<16xi32>, vector<16xi32>], vector<16xf32>,
      %select_n3A_1132 = arith.select %ge3A_1057, %gather3A_1131, %gather3A_1130 : vector<16xi1>, vector<16xf32>
      %broadcast_in_dim3A_1133 = arith.constant 14 : i32
      %broadcast_in_dim3A_1134 = vector.broadcast %broadcast_in_dim3A_1133 : i32 to vector<16xi32>
      %gather3A_1135 = tpu.vector_load_idx %arg9[%add3A_1063, %broadcast_in_dim3A_1134, %and3A_1055] : memref<48x16x128xf32, #tpu.memory_space<vmem>>[vector<16xi32>, vector<16xi32>, vector<16xi32>], vector<16xf32>,
      %gather3A_1136 = tpu.vector_load_idx %arg10[%select_n3A_1061, %broadcast_in_dim3A_1134] : memref<64x16xf32, #tpu.memory_space<vmem>>[vector<16xi32>, vector<16xi32>], vector<16xf32>,
      %select_n3A_1137 = arith.select %ge3A_1057, %gather3A_1136, %gather3A_1135 : vector<16xi1>, vector<16xf32>
      %broadcast_in_dim3A_1138 = arith.constant 15 : i32
      %broadcast_in_dim3A_1139 = vector.broadcast %broadcast_in_dim3A_1138 : i32 to vector<16xi32>
      %gather3A_1140 = tpu.vector_load_idx %arg9[%add3A_1063, %broadcast_in_dim3A_1139, %and3A_1055] : memref<48x16x128xf32, #tpu.memory_space<vmem>>[vector<16xi32>, vector<16xi32>, vector<16xi32>], vector<16xf32>,
      %gather3A_1141 = tpu.vector_load_idx %arg10[%select_n3A_1061, %broadcast_in_dim3A_1139] : memref<64x16xf32, #tpu.memory_space<vmem>>[vector<16xi32>, vector<16xi32>], vector<16xf32>,
      %select_n3A_1142 = arith.select %ge3A_1057, %gather3A_1141, %gather3A_1140 : vector<16xi1>, vector<16xf32>
      %max3A = arith.maximumf %select_n3A_1067, %select_n3A_1072 : vector<16xf32>
      %max3A_1143 = arith.maximumf %max3A, %select_n3A_1077 : vector<16xf32>
      %max3A_1144 = arith.maximumf %max3A_1143, %select_n3A_1082 : vector<16xf32>
      %max3A_1145 = arith.maximumf %max3A_1144, %select_n3A_1087 : vector<16xf32>
      %max3A_1146 = arith.maximumf %max3A_1145, %select_n3A_1092 : vector<16xf32>
      %max3A_1147 = arith.maximumf %max3A_1146, %select_n3A_1097 : vector<16xf32>
      %max3A_1148 = arith.maximumf %max3A_1147, %select_n3A_1102 : vector<16xf32>
      %max3A_1149 = arith.maximumf %max3A_1148, %select_n3A_1107 : vector<16xf32>
      %max3A_1150 = arith.maximumf %max3A_1149, %select_n3A_1112 : vector<16xf32>
      %max3A_1151 = arith.maximumf %max3A_1150, %select_n3A_1117 : vector<16xf32>
      %max3A_1152 = arith.maximumf %max3A_1151, %select_n3A_1122 : vector<16xf32>
      %max3A_1153 = arith.maximumf %max3A_1152, %select_n3A_1127 : vector<16xf32>
      %max3A_1154 = arith.maximumf %max3A_1153, %select_n3A_1132 : vector<16xf32>
      %max3A_1155 = arith.maximumf %max3A_1154, %select_n3A_1137 : vector<16xf32>
      %max3A_1156 = arith.maximumf %max3A_1155, %select_n3A_1142 : vector<16xf32>
      %sub3A_1157 = arith.subf %select_n3A_1067, %max3A_1156 : vector<16xf32>
      %exp3A = math.exp %sub3A_1157 : vector<16xf32>
      %sub3A_1158 = arith.subf %select_n3A_1072, %max3A_1156 : vector<16xf32>
      %exp3A_1159 = math.exp %sub3A_1158 : vector<16xf32>
      %add3A_1160 = arith.addf %exp3A, %exp3A_1159 : vector<16xf32>
      %sub3A_1161 = arith.subf %select_n3A_1077, %max3A_1156 : vector<16xf32>
      %exp3A_1162 = math.exp %sub3A_1161 : vector<16xf32>
      %add3A_1163 = arith.addf %add3A_1160, %exp3A_1162 : vector<16xf32>
      %sub3A_1164 = arith.subf %select_n3A_1082, %max3A_1156 : vector<16xf32>
      %exp3A_1165 = math.exp %sub3A_1164 : vector<16xf32>
      %add3A_1166 = arith.addf %add3A_1163, %exp3A_1165 : vector<16xf32>
      %sub3A_1167 = arith.subf %select_n3A_1087, %max3A_1156 : vector<16xf32>
      %exp3A_1168 = math.exp %sub3A_1167 : vector<16xf32>
      %add3A_1169 = arith.addf %add3A_1166, %exp3A_1168 : vector<16xf32>
      %sub3A_1170 = arith.subf %select_n3A_1092, %max3A_1156 : vector<16xf32>
      %exp3A_1171 = math.exp %sub3A_1170 : vector<16xf32>
      %add3A_1172 = arith.addf %add3A_1169, %exp3A_1171 : vector<16xf32>
      %sub3A_1173 = arith.subf %select_n3A_1097, %max3A_1156 : vector<16xf32>
      %exp3A_1174 = math.exp %sub3A_1173 : vector<16xf32>
      %add3A_1175 = arith.addf %add3A_1172, %exp3A_1174 : vector<16xf32>
      %sub3A_1176 = arith.subf %select_n3A_1102, %max3A_1156 : vector<16xf32>
      %exp3A_1177 = math.exp %sub3A_1176 : vector<16xf32>
      %add3A_1178 = arith.addf %add3A_1175, %exp3A_1177 : vector<16xf32>
      %sub3A_1179 = arith.subf %select_n3A_1107, %max3A_1156 : vector<16xf32>
      %exp3A_1180 = math.exp %sub3A_1179 : vector<16xf32>
      %add3A_1181 = arith.addf %add3A_1178, %exp3A_1180 : vector<16xf32>
      %sub3A_1182 = arith.subf %select_n3A_1112, %max3A_1156 : vector<16xf32>
      %exp3A_1183 = math.exp %sub3A_1182 : vector<16xf32>
      %add3A_1184 = arith.addf %add3A_1181, %exp3A_1183 : vector<16xf32>
      %sub3A_1185 = arith.subf %select_n3A_1117, %max3A_1156 : vector<16xf32>
      %exp3A_1186 = math.exp %sub3A_1185 : vector<16xf32>
      %add3A_1187 = arith.addf %add3A_1184, %exp3A_1186 : vector<16xf32>
      %sub3A_1188 = arith.subf %select_n3A_1122, %max3A_1156 : vector<16xf32>
      %exp3A_1189 = math.exp %sub3A_1188 : vector<16xf32>
      %add3A_1190 = arith.addf %add3A_1187, %exp3A_1189 : vector<16xf32>
      %sub3A_1191 = arith.subf %select_n3A_1127, %max3A_1156 : vector<16xf32>
      %exp3A_1192 = math.exp %sub3A_1191 : vector<16xf32>
      %add3A_1193 = arith.addf %add3A_1190, %exp3A_1192 : vector<16xf32>
      %sub3A_1194 = arith.subf %select_n3A_1132, %max3A_1156 : vector<16xf32>
      %exp3A_1195 = math.exp %sub3A_1194 : vector<16xf32>
      %add3A_1196 = arith.addf %add3A_1193, %exp3A_1195 : vector<16xf32>
      %sub3A_1197 = arith.subf %select_n3A_1137, %max3A_1156 : vector<16xf32>
      %exp3A_1198 = math.exp %sub3A_1197 : vector<16xf32>
      %add3A_1199 = arith.addf %add3A_1196, %exp3A_1198 : vector<16xf32>
      %sub3A_1200 = arith.subf %select_n3A_1142, %max3A_1156 : vector<16xf32>
      %exp3A_1201 = math.exp %sub3A_1200 : vector<16xf32>
      %add3A_1202 = arith.addf %add3A_1199, %exp3A_1201 : vector<16xf32>
      %get3A_1203 = arith.index_cast %mul3A_1050 : i32 to index
      %get3A_1204 = tpu.vector_load %arg8[%get3A_1203] {strides = array<i32>} : memref<512xi32, #tpu.memory_space<vmem>>, vector<16xi32>,
      %gather3A_1205 = tpu.vector_load_idx %arg9[%add3A_1063, %get3A_1204, %and3A_1055] : memref<48x16x128xf32, #tpu.memory_space<vmem>>[vector<16xi32>, vector<16xi32>, vector<16xi32>], vector<16xf32>,
      %gather3A_1206 = tpu.vector_load_idx %arg10[%select_n3A_1061, %get3A_1204] : memref<64x16xf32, #tpu.memory_space<vmem>>[vector<16xi32>, vector<16xi32>], vector<16xf32>,
      %select_n3A_1207 = arith.select %ge3A_1057, %gather3A_1206, %gather3A_1205 : vector<16xi1>, vector<16xf32>
      %sub3A_1208 = arith.subf %select_n3A_1207, %max3A_1156 : vector<16xf32>
      %bitcast3A = vector.bitcast %add3A_1202 : vector<16xf32> to vector<16xi32>
      %shift_right_arithmetic3A_1209 = arith.constant 23 : i32
      %shift_right_arithmetic3A_1210 = vector.broadcast %shift_right_arithmetic3A_1209 : i32 to vector<16xi32>
      %shift_right_arithmetic3A_1211 = arith.shrsi %bitcast3A, %shift_right_arithmetic3A_1210 : vector<16xi32>
      %sub3A_1212 = arith.constant 127 : i32
      %sub3A_1213 = vector.broadcast %sub3A_1212 : i32 to vector<16xi32>
      %sub3A_1214 = arith.subi %shift_right_arithmetic3A_1211, %sub3A_1213 : vector<16xi32>
      %and3A_1215 = arith.constant 8388607 : i32
      %and3A_1216 = vector.broadcast %and3A_1215 : i32 to vector<16xi32>
      %and3A_1217 = arith.andi %bitcast3A, %and3A_1216 : vector<16xi32>
      %or3A = arith.constant 1065353216 : i32
      %or3A_1218 = vector.broadcast %or3A : i32 to vector<16xi32>
      %or3A_1219 = arith.ori %and3A_1217, %or3A_1218 : vector<16xi32>
      %bitcast3A_1220 = vector.bitcast %or3A_1219 : vector<16xi32> to vector<16xf32>
      %sub3A_1221 = arith.constant 1.000000e+00 : f32
      %sub3A_1222 = vector.broadcast %sub3A_1221 : f32 to vector<16xf32>
      %sub3A_1223 = arith.subf %bitcast3A_1220, %sub3A_1222 : vector<16xf32>
      %add3A_1224 = arith.constant 1.000000e+00 : f32
      %add3A_1225 = vector.broadcast %add3A_1224 : f32 to vector<16xf32>
      %add3A_1226 = arith.addf %bitcast3A_1220, %add3A_1225 : vector<16xf32>
      %div3A = arith.divf %sub3A_1223, %add3A_1226 : vector<16xf32>
      %mul3A_1227 = arith.mulf %div3A, %div3A : vector<16xf32>
      %mul3A_1228 = arith.constant 2.000000e+00 : f32
      %mul3A_1229 = vector.broadcast %mul3A_1228 : f32 to vector<16xf32>
      %mul3A_1230 = arith.mulf %mul3A_1229, %div3A : vector<16xf32>
      %mul3A_1231 = arith.constant 0.142857149 : f32
      %mul3A_1232 = vector.broadcast %mul3A_1231 : f32 to vector<16xf32>
      %mul3A_1233 = arith.mulf %mul3A_1227, %mul3A_1232 : vector<16xf32>
      %add3A_1234 = arith.constant 2.000000e-01 : f32
      %add3A_1235 = vector.broadcast %add3A_1234 : f32 to vector<16xf32>
      %add3A_1236 = arith.addf %add3A_1235, %mul3A_1233 : vector<16xf32>
      %mul3A_1237 = arith.mulf %mul3A_1227, %add3A_1236 : vector<16xf32>
      %add3A_1238 = arith.constant 0.333333343 : f32
      %add3A_1239 = vector.broadcast %add3A_1238 : f32 to vector<16xf32>
      %add3A_1240 = arith.addf %add3A_1239, %mul3A_1237 : vector<16xf32>
      %mul3A_1241 = arith.mulf %mul3A_1227, %add3A_1240 : vector<16xf32>
      %add3A_1242 = arith.constant 1.000000e+00 : f32
      %add3A_1243 = vector.broadcast %add3A_1242 : f32 to vector<16xf32>
      %add3A_1244 = arith.addf %add3A_1243, %mul3A_1241 : vector<16xf32>
      %mul3A_1245 = arith.mulf %mul3A_1230, %add3A_1244 : vector<16xf32>
      %convert_element_type3A_1246 = arith.sitofp %sub3A_1214 : vector<16xi32> to vector<16xf32>
      %mul3A_1247 = arith.constant 0.693147182 : f32
      %mul3A_1248 = vector.broadcast %mul3A_1247 : f32 to vector<16xf32>
      %mul3A_1249 = arith.mulf %convert_element_type3A_1246, %mul3A_1248 : vector<16xf32>
      %add3A_1250 = arith.addf %mul3A_1249, %mul3A_1245 : vector<16xf32>
      %sub3A_1251 = arith.subf %sub3A_1208, %add3A_1250 : vector<16xf32>
      %swap3A = arith.index_cast %mul3A_1050 : i32 to index
      %swap3A_1252 = tpu.vector_load %arg11[%swap3A] {strides = array<i32>} : memref<512xf32, #tpu.memory_space<vmem>>, vector<16xf32>,
      tpu.vector_store %arg11[%swap3A], %sub3A_1251 {strides = array<i32>} : memref<512xf32, #tpu.memory_space<vmem>>, vector<16xf32>,
    }
    %scan3A_776 = arith.constant 32 : i32
    "tpu.region"() ({
      %run_scoped3A = tpu.sem_alloc : memref<!tpu.dma_semaphore, #tpu.memory_space<semaphore_mem>>
      %dma_start3A_777 = tpu.memref_slice %arg6[%mul3A_2] : memref<16384xf32, #tpu.memory_space<hbm>> -> memref<512xf32, #tpu.memory_space<hbm>>
      %dma_start3A_778 = tpu.memref_slice %arg6[%mul3A_2] : memref<16384xf32, #tpu.memory_space<hbm>> -> memref<512xf32, #tpu.memory_space<hbm>>
      tpu.enqueue_dma source(%arg11 : memref<512xf32, #tpu.memory_space<vmem>>) target(%dma_start3A_778 : memref<512xf32, #tpu.memory_space<hbm>>) target_semaphore(%run_scoped3A : memref<!tpu.dma_semaphore, #tpu.memory_space<semaphore_mem>>)
      %dma_wait3A = tpu.memref_slice %arg6[%mul3A_2] : memref<16384xf32, #tpu.memory_space<hbm>> -> memref<512xf32, #tpu.memory_space<hbm>>
      %dma_wait3A_779 = tpu.memref_slice %arg6[%mul3A_2] : memref<16384xf32, #tpu.memory_space<hbm>> -> memref<512xf32, #tpu.memory_space<hbm>>
      tpu.wait_dma2 semaphore(%run_scoped3A : memref<!tpu.dma_semaphore, #tpu.memory_space<semaphore_mem>>) src(%arg11 : memref<512xf32, #tpu.memory_space<vmem>>) dst(%dma_wait3A_779 : memref<512xf32, #tpu.memory_space<hbm>>)
      tpu.yield
    }) : () -> ()
    return
  }
}

</mosaic_0001>

<sc_bundles>
// kernel: kernel.3.cloned.1.call-start
scs
__scs_entry_jumppad:
0x0: {  	(pc) =	sbr.rel $0x88, $3  }
0x1: {  	(tag) =	ssettag $0x0;
	lr =	simm.s32 $0x1  }
0x2: {  	[smem:$0x3F9E] =	sst lr;
	_ =	strace $0xD0000000  }
0x3: {  	_ = 	snop  }
0x4: {  	_ = 	snop  }
0x5: {  	_ = 	snop  }
0x6: {  	_ = 	snop  }
0x7: {  	_ = 	snop  }
__scs_overlays_trampoline_lowered:
0x8: {  	[smem:$0x3FAD] =	sst s0  }
0x9: {  	[smem:$0x3FAE] =	sst s1  }
0xa: {  	[smem:$0x3FAF] =	sst s2  }
0xb: {  	[smem:$0x3FB0] =	sst s3  }
0xc: {  	[smem:$0x3FB1] =	sst s4  }
0xd: {  	[smem:$0x3FB2] =	sst s5  }
0xe: {  	[smem:$0x3FB3] =	sst s6  }
0xf: {  	[smem:$0x3FB4] =	sst s7  }
0x10: {  	[smem:$0x3FB5] =	sst s8  }
0x11: {  	[smem:$0x3FB6] =	sst s9;
	s0 =	simm.s32 @!p0 $0x0  }
0x12: {  	s1 =	sld [smem:$0x3F9C];
	s0 =	simm.s32 @p0 $0x1  }
0x13: {  	[smem:$0x3FB7] =	sst s0;
	s0 =	simm.s32 @!p1 $0x0  }
0x14: {  	s2 =	sld [smem:$0x3F9B];
	s0 =	simm.s32 @p1 $0x1  }
0x15: {  	[smem:$0x3FB8] =	sst s0;
	s0 =	simm.s32 @!p2 $0x0  }
0x16: {  	s3 =	sld [smem:$0x3FDB];
	s0 =	simm.s32 @p2 $0x1  }
0x17: {  	s4 =	simm.s32 $0x1BF5;
	[smem:$0x3FBA] =	sst s0  }
0x18: {  	s0 =	sld [smem:$0x3F9D];
	_ =	swait.ge [sflag:s4], $0x0  }
0x19: {  	s7 =	sld [smem:$0x3F9E]  }
0x1a: {  	s8 =	sadd.s32 $0xFFFFE003, lr  }
0x1b: {  	s9 =	sadd.s32 $0xFFFFFEF7, lr;
	s5 =	simm.s32 $0xFFFFFFFF;
	p2 =	slt.u32 s8, $0xFFFFF086  }
0x1c: {  	p1 =	slt.u32 s9, $0xF7A;
	s5 =	simm.s32 @!p2 $0x0  }
0x1d: {  	s5 =	simm.s32 @p1 $0x1;
	p0 =	seq.s32 s7, s2  }
0x1e: {  	s7 =	smul.u32 @!p0 $0xF7A, s2;
	p2 =	seq.s32 @!p0 s5, $0x0  }
0x1f: {  	s9 =	smul.u32 $0xF7A, s1;
	s8 =	simm.s32 @!p0 $0x1BF5;
	p2 =	por !p2, p0  }
0x20: {  	[sflag:s8] =	ssyncset.s32 @!p0 $0xFFFFF086;
	s6 =	sadd.s32 @!p0 s3, s7;
	s7 =	simm.s32 @!p0 $0x108  }
0x21: {  	s3 =	sadd.s32 s3, s9;
	s6 =	sadd.s32 @!p0 $0x88, s6;
	s7 =	simm.s32 @p2 $0x1082  }
0x22: {  	[simem:s7], [sflag:s8] =	dma.local @!p0 [hbm:s6], $0xF7A  }
0x23: {  	s9 =	sor.u32 $0xD0000000, s2;
	s6 =	simm.s32 $0x108;
	_ =	swait.ge @!p0 [sflag:s8], $0x0  }
0x24: {  	s3 =	sadd.s32 $0x88, s3;
	s6 =	simm.s32 @!p1 $0x1082;
	[sflag:s4] =	ssyncset.s32 $0xFFFFF086  }
0x25: {  	[simem:s6], [sflag:s4] =	dma.local [hbm:s3], $0xF7A  }
0x26: {  	[smem:$0x3F9E] =	sst s1;
	(tag) =	ssettag s2;
	_ =	strace s9  }
0x27: {  	s1 =	sld [smem:$0x3FAE]  }
0x28: {  	s2 =	sld [smem:$0x3FAF]  }
0x29: {  	s4 =	sld [smem:$0x3FB1]  }
0x2a: {  	p0 =	seq.s32 s5, $0x0;
	s5 =	sld [smem:$0x3FB2]  }
0x2b: {  	s6 =	sld [smem:$0x3FB3]  }
0x2c: {  	s7 =	sld [smem:$0x3FB4]  }
0x2d: {  	s3 =	simm.s32 $0x108;
	s8 =	sld [smem:$0x3FB5]  }
0x2e: {  	s3 =	simm.s32 @!p0 $0x1082;
	s9 =	sld [smem:$0x3FB6]  }
0x2f: {  	lr =	sadd.s32 s0, s3;
	s0 =	sld [smem:$0x3FAD]  }
0x30: {  	s3 =	sld [smem:$0x3FB0]  }
0x31: {  	[smem:$0x3FB9] =	sst s10  }
0x32: {  	s10 =	sld [smem:$0x3FB7];
	_ =	sdelay $0x3  }
0x33: {  	p0 =	seq.s32 s10, $0x1;
	s10 =	sld [smem:$0x3FB9];
	_ =	sdelay $0x3  }
0x34: {  	[smem:$0x3FB9] =	sst s10  }
0x35: {  	s10 =	sld [smem:$0x3FB8];
	_ =	sdelay $0x3  }
0x36: {  	p1 =	seq.s32 s10, $0x1;
	s10 =	sld [smem:$0x3FB9];
	_ =	sdelay $0x3  }
0x37: {  	[smem:$0x3FB9] =	sst s10  }
0x38: {  	s10 =	sld [smem:$0x3FBA]  }
0x39: {  	_ = 	snop;
	(pc) =	sbr.ind lr, $3  }
0x3a: {  	_ = 	snop  }
0x3b: {  	_ = 	snop  }
0x3c: {  	p2 =	seq.s32 s10, $0x1;
	s10 =	sld [smem:$0x3FB9]  }
0x3d: {  	_ =	shalt  }
0x3e: {  	_ =	shalt  }
0x3f: {  	_ =	shalt  }
0x40: {  	_ =	shalt  }
0x41: {  	_ =	shalt  }
0x42: {  	_ =	shalt  }
0x43: {  	_ =	shalt  }
0x44: {  	_ =	shalt  }
0x45: {  	_ =	shalt  }
0x46: {  	_ =	shalt  }
0x47: {  	_ =	shalt  }
0x48: {  	_ =	shalt  }
0x49: {  	_ =	shalt  }
0x4a: {  	_ =	shalt  }
0x4b: {  	_ =	shalt  }
0x4c: {  	_ =	shalt  }
0x4d: {  	_ =	shalt  }
0x4e: {  	_ =	shalt  }
0x4f: {  	_ =	shalt  }
0x50: {  	_ =	shalt  }
0x51: {  	_ =	shalt  }
0x52: {  	_ =	shalt  }
0x53: {  	_ =	shalt  }
0x54: {  	_ =	shalt  }
0x55: {  	_ =	shalt  }
0x56: {  	_ =	shalt  }
0x57: {  	_ =	shalt  }
0x58: {  	_ =	shalt  }
0x59: {  	_ =	shalt  }
0x5a: {  	_ =	shalt  }
0x5b: {  	_ =	shalt  }
0x5c: {  	_ =	shalt  }
0x5d: {  	_ =	shalt  }
0x5e: {  	_ =	shalt  }
0x5f: {  	_ =	shalt  }
0x60: {  	_ =	shalt  }
0x61: {  	_ =	shalt  }
0x62: {  	_ =	shalt  }
0x63: {  	_ =	shalt  }
0x64: {  	_ =	shalt  }
0x65: {  	_ =	shalt  }
0x66: {  	_ =	shalt  }
0x67: {  	_ =	shalt  }
0x68: {  	_ =	shalt  }
0x69: {  	_ =	shalt  }
0x6a: {  	_ =	shalt  }
0x6b: {  	_ =	shalt  }
0x6c: {  	_ =	shalt  }
0x6d: {  	_ =	shalt  }
0x6e: {  	_ =	shalt  }
0x6f: {  	_ =	shalt  }
0x70: {  	_ =	shalt  }
0x71: {  	_ =	shalt  }
0x72: {  	_ =	shalt  }
0x73: {  	_ =	shalt  }
0x74: {  	_ =	shalt  }
0x75: {  	_ =	shalt  }
0x76: {  	_ =	shalt  }
0x77: {  	_ =	shalt  }
0x78: {  	_ =	shalt  }
0x79: {  	_ =	shalt  }
0x7a: {  	_ =	shalt  }
0x7b: {  	_ =	shalt  }
0x7c: {  	_ =	shalt  }
0x7d: {  	_ =	shalt  }
0x7e: {  	_ =	shalt  }
0x7f: {  	_ =	shalt  }
0x80: {  	_ =	shalt  }
0x81: {  	_ =	shalt  }
0x82: {  	_ =	shalt  }
0x83: {  	_ =	shalt  }
0x84: {  	_ =	shalt  }
0x85: {  	_ =	shalt  }
0x86: {  	_ =	shalt  }
0x87: {  	_ =	shalt  }
.Lfunc_end0:
.L_simem_size_0:
called_computation_lowered:
.L_overlay_start_0:
0x88: {  	s2 =	sld [smem:$0x3FD9]  }
0x89: {  	s3 =	sld [smem:$0x3FFE];
	_ =	sdelay $0x1  }
0x8a: {  	s1 =	srdreg.scid  }
0x8b: {  	s0 =	sand.u32 $0x1, s1  }
0x8c: {  	s17 =	sshll.u32 s0, $0xA;
	s2 =	sadd.s32 s3, s2  }
0x8d: {  	s2 =	sadd.s32 s2, s17  }
0x8e: {  	[smem:$0x3FC5] =	sst s2  }
0x8f: {  	_ = 	snop  }
0x90: {  	s2 =	sld [smem:$0x3FC9]  }
0x91: {  	s18 =	sld [smem:$0x3FC8]  }
0x92: {  	s4 =	sld [smem:$0x3FC7]  }
0x93: {  	s5 =	sld [smem:$0x3FD0];
	(tm) =	ssettm $0x1  }
0x94: {  	s6 =	sld [smem:$0x3FFB];
	_ =	sdelay $0x3  }
0x95: {  	_ =	strace s6  }
0x96: {  	s6 =	sld [smem:$0x3FFC];
	_ =	sdelay $0x3  }
0x97: {  	_ =	strace s6  }
0x98: {  	s6 =	sld [smem:$0x3FFD];
	_ =	sdelay $0x3  }
0x99: {  	_ =	strace s6  }
0x9a: {  	_ =	strace $0x8FFFFFFF  }
0x9b: {  	s19 =	sld [smem:$0x3FDB];
	_ =	sdelay $0x1  }
0x9c: {  	s7 =	simm.s32 $_scs_section_size  }
0x9d: {  	s8 =	simm.s32 $_size__tile_overlayer_lowered;
	s9 =	simm.s32 $_tile_overlayer_lowered  }
0x9e: {  	s22 =	simm.s32 $0x1BFF;
	s21 =	sshll.u32 s9, $0x1;
	s6 =	sadd.s32 s7, s19  }
0x9f: {  	s10 =	simm.s32 $0x0;
	s20 =	sshll.u32 s8, $0x1;
	s8 =	sadd.s32 s21, s6  }
0xa0: {  	[timem:s10], [sflag:s22] =	dma.local [hbm:s8], s20  }
0xa1: {  	_ =	swait.ge [sflag:s22], s20  }
0xa2: {  	s7 =	ssub.s32 $0x0, s20;
	[sflag:s22] =	ssyncset.done $0x0  }
0xa3: {  	[sflag:s22] =	ssyncadd.s32 s7;
	_ =	sdelay $0x1  }
0xa4: {  	s23 =	simm.s32 $0x1B8B  }
0xa5: {  	_ =	swait.ge [sflag:s23], $0x1  }
0xa6: {  	[sflag:s23] =	ssyncset.done $0x0  }
0xa7: {  	s25 =	simm.s32 $0x1B8E;
	s24 =	sld [smem:$0x3FFE];
	[sflag:s23] =	ssyncadd.s32 $0xFFFFFFFF  }
0xa8: {  	s26 =	simm.s32 $execute0_lowered;
	[smem:$0x3FD2] =	sst s25  }
0xa9: {  	s8 =	sshll.u32 s26, $0x1;
	_ =	strace $0x80000046;
	[dreg:$0x1] =	wrdreg $0xFFFFFFFF  }
0xaa: {  	s28 =	simm.s32 $_size_execute0_lowered;
	s6 =	sadd.s32 s6, s8;
	[dreg:$0x0] =	wrdreg $0x0  }
0xab: {  	s8 =	sshll.u32 s28, $0x1;
	[dreg:$0x2] =	wrdreg s6  }
0xac: {  	[dreg:$0x3] =	wrdreg s8  }
0xad: {  	[dreg:$0x4] =	wrdreg $0xC0  }
0xae: {  	_ =	task [dreg:s10], $0x5FFFF  }
0xaf: {  	[dreg:$0x1] =	wrdreg $0xFFFFFFFF  }
0xb0: {  	[dreg:$0x0] =	wrdreg $0x60  }
0xb1: {  	[dreg:$0x2] =	wrdreg s2  }
0xb2: {  	[dreg:$0x3] =	wrdreg s24  }
0xb3: {  	[dreg:$0x4] =	wrdreg s18  }
0xb4: {  	[dreg:$0x5] =	wrdreg s4  }
0xb5: {  	[dreg:$0x6] =	wrdreg s5  }
0xb6: {  	[dreg:$0x7] =	wrdreg $0x9  }
0xb7: {  	_ =	task.clear_ibuf [dreg:s10], $0x8FFFF;
	_ =	strace $0x90000046  }
0xb8: {  	s29 =	simm.s32 $0x9;
	_ =	strace $0x80000048  }
0xb9: {  	_ =	swait.ge [sflag:s29], $0x1  }
0xba: {  	[sflag:s29] =	ssyncadd.s32 $0xFFFFFFFF  }
0xbb: {  	_ =	strace $0x90000048  }
0xbc: {  	_ =	sfence  }
0xbd: {  	s30 =	sld [smem:$0x0];
	_ =	sdelay $0x2  }
0xbe: {  	s31 =	sshll.u32 s1, $0xD;
	s1 =	sshrl.u32 s1, $0x2  }
0xbf: {  	s3 =	sand.u32 $0x4000, s31;
	s1 =	sadd.s32 s1, s30  }
0xc0: {  	s0 =	sor.u32 s3, s0;
	s1 =	sshll.u32 s1, $0x11  }
0xc1: {  	s0 =	sor.u32 s1, s0  }
0xc2: {  	s0 =	sadd.s32 $0x8F2B, s0  }
0xc3: {  	[sflag:s0] =	ssyncadd.remote.s32 $0x1  }
0xc4: {  	_ =	sfence.sel $0xFFFF  }
0xc5: {  	[dreg:$0x0] =	wrdreg $0xFFFFFFFF;
	(pc) =	sbr.abs _section_cstart, $3  }
0xc6: {  	[dreg:$0x1] =	wrdreg $0xFFFFFFFF  }
0xc7: {  	_ =	task.clear_ibuf [dreg:s10], $0x2FFFF;
	_ =	strace $0x9FFFFFFF  }
0xc8: {  	(tm) =	ssettm $0x7FFFFFFF  }
0xc9: {  	_ =	shalt  }
tec
execute0_lowered:
.L_overlay_start_1:
0x0: {  	(tag) =	ssettag $0x1  }
0x1: {  	s1 =	rddreg [dreg:$0x0]  }
0x2: {  	s0 =	rddreg [dreg:$0x1]  }
0x3: {  	s3 =	rddreg [dreg:$0x2]  }
0x4: {  	s6 =	rddreg [dreg:$0x3]  }
0x5: {  	s7 =	rddreg [dreg:$0x4];
	s2 =	simm.s32 $0x0;
	s4 =	srdreg.scid  }
0x6: {  	s9 =	stileid.u32;
	s11 =	simm.s32 $0x7A1400;
	s12 =	simm.s32 $0x400  }
0x7: {  	s14 =	simm.s32 $0xB400;
	s15 =	simm.s32 $0xBC00;
	s16 =	simm.s32 $0xC400  }
0x8: {  	s17 =	simm.s32 $0xCC00;
	s18 =	simm.s32 $0xD400;
	s19 =	simm.s32 $0xDC00  }
0x9: {  	s20 =	simm.s32 $0xE400;
	s21 =	simm.s32 $0xEC00;
	s22 =	simm.s32 $0xF400  }
0xa: {  	s23 =	simm.s32 $0xFC00;
	s24 =	simm.s32 $0x1;
	s25 =	simm.s32 $0x1A400  }
0xb: {  	s26 =	simm.s32 $0x0;
	[smem:$0x7FF] =	sst s2;
	s4 =	sand.u32 $0x1, s4  }
.Ltmp0:
0xc: {  	s9 =	sshll.u32 s9, $0x7;
	_ =	strace $0x80000047;
	(pc) =	sbr.rel .LBB2_1-.Ltmp0, $4  }
0xd: {  	s5 =	ssub.s32 $0x2, s4;
	s10 =	sshll.u32 s4, $0x6;
	s4 =	sadd.s32 $0x400, s0  }
0xe: {  	s8 =	sshrl.u32 s5, $0x1;
	s31 =	sor.u32 s10, s9;
	s9 =	simm.s32 $0x2  }
0xf: {  	v0 =	vlaneseq.u32;
	s10 =	simm.s32 $0x18400;
	s30 =	ssub.s32 s5, s8;
	s5 =	sadd.s32 s3, s31  }
0x10: {  	v0 =	vmul.u32 $0x800, v0;
	s6 =	sadd.s32 s6, s31;
	s7 =	sadd.s32 s7, s31;
	s8 =	smax.u32 s30, $0x1  }
.LBB2_5:
0x11: {  	s26 =	sadd.s32 $0x1, s26  }
0x12: {  	p0 =	sne.s32 s26, s8  }
.Ltmp1:
0x13: {  	_ = 	snop;
	(pc) =	sbr.rel @!p0 .LBB2_6-.Ltmp1, $4  }
0x14: {  	[hbm4b:s7+s2] =	stream.linear.scatter [tilespmem:s25], [sflag:$0x2], $0x200, $0x38;
	[tilespmem:$0x1A600] =	vst v63  }
0x15: {  	_ =	swait.ge [sflag:s9], $0x200  }
0x16: {  	[sflag:s9] =	ssyncset.done $0x0  }
0x17: {  	[sflag:s9] =	ssyncadd.s32 $0xFFFFFE00  }
.LBB2_1:
0x18: {  	[tilespmem:s2], [sflag:$0x2] =	stream.linear.gather [hbm4b:s5+s2], $0x200, $0x38;
	[tilespmem:$0x1A600] =	vst v63  }
0x19: {  	_ =	swait.ge [sflag:s9], $0x200  }
0x1a: {  	[sflag:s9] =	ssyncset.done $0x0  }
0x1b: {  	s28 =	simm.s32 $0x200;
	[sflag:s9] =	ssyncadd.s32 $0xFFFFFE00  }
0x1c: {  	[tilespmem:s28], [sflag:$0x2] =	stream.linear.gather [hbm4b:s6+s2], $0x200, $0x38;
	[tilespmem:$0x1A600] =	vst v63  }
0x1d: {  	_ =	swait.ge [sflag:s9], $0x200  }
0x1e: {  	[sflag:s9] =	ssyncset.done $0x0  }
0x1f: {  	[sflag:s9] =	ssyncadd.s32 $0xFFFFFE00  }
0x20: {  	[tilespmem:s10], [sflag:$0x2] =	stream.linear.gather [hbm4b:s4+s2], $0x2000, $0x38;
	[tilespmem:$0x1A600] =	vst v63  }
0x21: {  	_ =	swait.ge [sflag:s9], $0x2000  }
0x22: {  	[sflag:s9] =	ssyncset.done $0x0  }
0x23: {  	[sflag:s9] =	ssyncadd.s32 $0xFFFFE000  }
0x24: {  	v1 =	vld [tilespmem:$0x0];
	_ =	sdelay $0x4  }
0x25: {  	(v2sf) =	vpush v1, $0x0;
	_ =	sdelay $0x3  }
0x26: {  	(v2sf) =	vpush v1, $0x1;
	_ =	sdelay $0x6  }
0x27: {  	(v2sf) =	vpush v1, $0x2;
	_ =	sdelay $0x3  }
0x28: {  	s0 =	spop (v2sf)  }
0x29: {  	s0 =	sand.u32 $0xFFFFFF80, s0  }
0x2a: {  	(v2sf) =	vpush v1, $0x3;
	p0 =	slt.s32 s0, $0xF4180  }
0x2b: {  	s0 =	simm.s32 @!p0 $0xF4180  }
0x2c: {  	s13 =	spop (v2sf);
	s0 =	sadd.s32 s1, s0  }
0x2d: {  	[tilespmem:s12], [sflag:$0x1] =	stream.strided.gather [hbm4b:s0+s12], $0x800, s11, s12, $0x38;
	[tilespmem:$0x1A600] =	vst v63  }
0x2e: {  	(v2sf) =	vpush v1, $0x4;
	s0 =	sand.u32 $0xFFFFFF80, s13  }
0x2f: {  	p0 =	slt.s32 s0, $0xF4180  }
0x30: {  	s0 =	simm.s32 @!p0 $0xF4180  }
0x31: {  	s3 =	simm.s32 $0xC00;
	s0 =	sadd.s32 s1, s0  }
0x32: {  	[tilespmem:s3], [sflag:$0x1] =	stream.strided.gather [hbm4b:s0+s12], $0x800, s11, s12, $0x38;
	[tilespmem:$0x1A600] =	vst v63  }
0x33: {  	s3 =	spop (v2sf)  }
0x34: {  	s0 =	sand.u32 $0xFFFFFF80, s3  }
0x35: {  	(v2sf) =	vpush v1, $0x5;
	p0 =	slt.s32 s0, $0xF4180  }
0x36: {  	s0 =	simm.s32 @!p0 $0xF4180  }
0x37: {  	s13 =	simm.s32 $0x1400;
	s0 =	sadd.s32 s1, s0  }
0x38: {  	[tilespmem:s13], [sflag:$0x1] =	stream.strided.gather [hbm4b:s0+s12], $0x800, s11, s12, $0x38;
	[tilespmem:$0x1A600] =	vst v63  }
0x39: {  	s3 =	spop (v2sf)  }
0x3a: {  	s0 =	sand.u32 $0xFFFFFF80, s3  }
0x3b: {  	(v2sf) =	vpush v1, $0x6;
	p0 =	slt.s32 s0, $0xF4180  }
0x3c: {  	s0 =	simm.s32 @!p0 $0xF4180  }
0x3d: {  	s13 =	simm.s32 $0x1C00;
	s3 =	spop (v2sf);
	s0 =	sadd.s32 s1, s0  }
0x3e: {  	[tilespmem:s13], [sflag:$0x1] =	stream.strided.gather [hbm4b:s0+s12], $0x800, s11, s12, $0x38;
	[tilespmem:$0x1A600] =	vst v63  }
0x3f: {  	(v2sf) =	vpush v1, $0x7;
	s0 =	sand.u32 $0xFFFFFF80, s3  }
0x40: {  	p0 =	slt.s32 s0, $0xF4180  }
0x41: {  	s0 =	simm.s32 @!p0 $0xF4180  }
0x42: {  	s13 =	simm.s32 $0x2400;
	s0 =	sadd.s32 s1, s0  }
0x43: {  	[tilespmem:s13], [sflag:$0x1] =	stream.strided.gather [hbm4b:s0+s12], $0x800, s11, s12, $0x38;
	[tilespmem:$0x1A600] =	vst v63  }
0x44: {  	s3 =	spop (v2sf)  }
0x45: {  	s0 =	sand.u32 $0xFFFFFF80, s3  }
0x46: {  	(v2sf) =	vpush v1, $0x8;
	p0 =	slt.s32 s0, $0xF4180  }
0x47: {  	s0 =	simm.s32 @!p0 $0xF4180  }
0x48: {  	s13 =	simm.s32 $0x2C00;
	s0 =	sadd.s32 s1, s0  }
0x49: {  	[tilespmem:s13], [sflag:$0x1] =	stream.strided.gather [hbm4b:s0+s12], $0x800, s11, s12, $0x38;
	[tilespmem:$0x1A600] =	vst v63  }
0x4a: {  	s3 =	spop (v2sf)  }
0x4b: {  	s0 =	sand.u32 $0xFFFFFF80, s3  }
0x4c: {  	(v2sf) =	vpush v1, $0x9;
	p0 =	slt.s32 s0, $0xF4180  }
0x4d: {  	s0 =	simm.s32 @!p0 $0xF4180  }
0x4e: {  	s13 =	simm.s32 $0x3400;
	s3 =	spop (v2sf);
	s0 =	sadd.s32 s1, s0  }
0x4f: {  	[tilespmem:s13], [sflag:$0x1] =	stream.strided.gather [hbm4b:s0+s12], $0x800, s11, s12, $0x38;
	[tilespmem:$0x1A600] =	vst v63  }
0x50: {  	(v2sf) =	vpush v1, $0xA;
	s0 =	sand.u32 $0xFFFFFF80, s3  }
0x51: {  	p0 =	slt.s32 s0, $0xF4180  }
0x52: {  	s0 =	simm.s32 @!p0 $0xF4180  }
0x53: {  	s13 =	simm.s32 $0x3C00;
	s0 =	sadd.s32 s1, s0  }
0x54: {  	[tilespmem:s13], [sflag:$0x1] =	stream.strided.gather [hbm4b:s0+s12], $0x800, s11, s12, $0x38;
	[tilespmem:$0x1A600] =	vst v63  }
0x55: {  	s3 =	spop (v2sf)  }
0x56: {  	s0 =	sand.u32 $0xFFFFFF80, s3  }
0x57: {  	(v2sf) =	vpush v1, $0xB;
	p0 =	slt.s32 s0, $0xF4180  }
0x58: {  	s0 =	simm.s32 @!p0 $0xF4180  }
0x59: {  	s13 =	simm.s32 $0x4400;
	s0 =	sadd.s32 s1, s0  }
0x5a: {  	[tilespmem:s13], [sflag:$0x1] =	stream.strided.gather [hbm4b:s0+s12], $0x800, s11, s12, $0x38;
	[tilespmem:$0x1A600] =	vst v63  }
0x5b: {  	s3 =	spop (v2sf)  }
0x5c: {  	s0 =	sand.u32 $0xFFFFFF80, s3  }
0x5d: {  	(v2sf) =	vpush v1, $0xC;
	p0 =	slt.s32 s0, $0xF4180  }
0x5e: {  	s0 =	simm.s32 @!p0 $0xF4180  }
0x5f: {  	s13 =	simm.s32 $0x4C00;
	s3 =	spop (v2sf);
	s0 =	sadd.s32 s1, s0  }
0x60: {  	[tilespmem:s13], [sflag:$0x1] =	stream.strided.gather [hbm4b:s0+s12], $0x800, s11, s12, $0x38;
	[tilespmem:$0x1A600] =	vst v63  }
0x61: {  	(v2sf) =	vpush v1, $0xD;
	s0 =	sand.u32 $0xFFFFFF80, s3  }
0x62: {  	p0 =	slt.s32 s0, $0xF4180  }
0x63: {  	s0 =	simm.s32 @!p0 $0xF4180  }
0x64: {  	s13 =	simm.s32 $0x5400;
	s0 =	sadd.s32 s1, s0  }
0x65: {  	[tilespmem:s13], [sflag:$0x1] =	stream.strided.gather [hbm4b:s0+s12], $0x800, s11, s12, $0x38;
	[tilespmem:$0x1A600] =	vst v63  }
0x66: {  	s3 =	spop (v2sf)  }
0x67: {  	s0 =	sand.u32 $0xFFFFFF80, s3  }
0x68: {  	(v2sf) =	vpush v1, $0xE;
	p0 =	slt.s32 s0, $0xF4180  }
0x69: {  	s0 =	simm.s32 @!p0 $0xF4180  }
0x6a: {  	s13 =	simm.s32 $0x5C00;
	s0 =	sadd.s32 s1, s0  }
0x6b: {  	[tilespmem:s13], [sflag:$0x1] =	stream.strided.gather [hbm4b:s0+s12], $0x800, s11, s12, $0x38;
	[tilespmem:$0x1A600] =	vst v63  }
0x6c: {  	s3 =	spop (v2sf)  }
0x6d: {  	s0 =	sand.u32 $0xFFFFFF80, s3  }
0x6e: {  	(v2sf) =	vpush v1, $0xF;
	p0 =	slt.s32 s0, $0xF4180  }
0x6f: {  	s0 =	simm.s32 @!p0 $0xF4180  }
0x70: {  	s13 =	simm.s32 $0x6400;
	s3 =	spop (v2sf);
	s0 =	sadd.s32 s1, s0  }
0x71: {  	[tilespmem:s13], [sflag:$0x1] =	stream.strided.gather [hbm4b:s0+s12], $0x800, s11, s12, $0x38;
	[tilespmem:$0x1A600] =	vst v63  }
0x72: {  	s0 =	sand.u32 $0xFFFFFF80, s3  }
0x73: {  	p0 =	slt.s32 s0, $0xF4180  }
0x74: {  	s0 =	simm.s32 @!p0 $0xF4180  }
0x75: {  	s13 =	simm.s32 $0x6C00;
	s0 =	sadd.s32 s1, s0  }
0x76: {  	[tilespmem:s13], [sflag:$0x1] =	stream.strided.gather [hbm4b:s0+s12], $0x800, s11, s12, $0x38;
	[tilespmem:$0x1A600] =	vst v63  }
0x77: {  	s3 =	spop (v2sf)  }
0x78: {  	s0 =	sand.u32 $0xFFFFFF80, s3  }
0x79: {  	p0 =	slt.s32 s0, $0xF4180  }
0x7a: {  	s0 =	simm.s32 @!p0 $0xF4180  }
0x7b: {  	s13 =	simm.s32 $0x7400;
	s0 =	sadd.s32 s1, s0  }
0x7c: {  	[tilespmem:s13], [sflag:$0x1] =	stream.strided.gather [hbm4b:s0+s12], $0x800, s11, s12, $0x38;
	[tilespmem:$0x1A600] =	vst v63  }
0x7d: {  	s3 =	spop (v2sf)  }
0x7e: {  	s0 =	sand.u32 $0xFFFFFF80, s3  }
0x7f: {  	p0 =	slt.s32 s0, $0xF4180  }
0x80: {  	s0 =	simm.s32 @!p0 $0xF4180  }
0x81: {  	s13 =	simm.s32 $0x7C00;
	s0 =	sadd.s32 s1, s0  }
0x82: {  	[tilespmem:s13], [sflag:$0x1] =	stream.strided.gather [hbm4b:s0+s12], $0x800, s11, s12, $0x38;
	[tilespmem:$0x1A600] =	vst v63  }
0x83: {  	v1 =	vld [tilespmem:$0x10];
	_ =	sdelay $0x4  }
0x84: {  	(v2sf) =	vpush v1, $0x0;
	_ =	sdelay $0x3  }
0x85: {  	(v2sf) =	vpush v1, $0x1;
	_ =	sdelay $0x4  }
0x86: {  	(v2sf) =	vpush v1, $0x2;
	_ =	sdelay $0x5  }
0x87: {  	s3 =	spop (v2sf)  }
0x88: {  	(v2sf) =	vpush v1, $0x3;
	s0 =	sand.u32 $0xFFFFFF80, s3  }
0x89: {  	p0 =	slt.s32 s0, $0xF4180  }
0x8a: {  	s0 =	simm.s32 @!p0 $0xF4180  }
0x8b: {  	s13 =	simm.s32 $0x8400;
	s3 =	spop (v2sf);
	s0 =	sadd.s32 s1, s0  }
0x8c: {  	(v2sf) =	vpush v1, $0x4;
	[tilespmem:s13], [sflag:$0x1] =	stream.strided.gather [hbm4b:s0+s12], $0x800, s11, s12, $0x38;
	[tilespmem:$0x1A600] =	vst v63  }
0x8d: {  	s0 =	sand.u32 $0xFFFFFF80, s3  }
0x8e: {  	p0 =	slt.s32 s0, $0xF4180  }
0x8f: {  	s0 =	simm.s32 @!p0 $0xF4180  }
0x90: {  	s13 =	simm.s32 $0x8C00;
	s3 =	spop (v2sf);
	s0 =	sadd.s32 s1, s0  }
0x91: {  	(v2sf) =	vpush v1, $0x5;
	[tilespmem:s13], [sflag:$0x1] =	stream.strided.gather [hbm4b:s0+s12], $0x800, s11, s12, $0x38;
	[tilespmem:$0x1A600] =	vst v63  }
0x92: {  	s0 =	sand.u32 $0xFFFFFF80, s3  }
0x93: {  	p0 =	slt.s32 s0, $0xF4180  }
0x94: {  	s0 =	simm.s32 @!p0 $0xF4180  }
0x95: {  	s13 =	simm.s32 $0x9400;
	s0 =	sadd.s32 s1, s0  }
0x96: {  	[tilespmem:s13], [sflag:$0x1] =	stream.strided.gather [hbm4b:s0+s12], $0x800, s11, s12, $0x38;
	[tilespmem:$0x1A600] =	vst v63  }
0x97: {  	s3 =	spop (v2sf)  }
0x98: {  	(v2sf) =	vpush v1, $0x6;
	s0 =	sand.u32 $0xFFFFFF80, s3  }
0x99: {  	p0 =	slt.s32 s0, $0xF4180  }
0x9a: {  	s0 =	simm.s32 @!p0 $0xF4180  }
0x9b: {  	s13 =	simm.s32 $0x9C00;
	s3 =	spop (v2sf);
	s0 =	sadd.s32 s1, s0  }
0x9c: {  	(v2sf) =	vpush v1, $0x7;
	[tilespmem:s13], [sflag:$0x1] =	stream.strided.gather [hbm4b:s0+s12], $0x800, s11, s12, $0x38;
	[tilespmem:$0x1A600] =	vst v63  }
0x9d: {  	s0 =	sand.u32 $0xFFFFFF80, s3  }
0x9e: {  	p0 =	slt.s32 s0, $0xF4180  }
0x9f: {  	s0 =	simm.s32 @!p0 $0xF4180  }
0xa0: {  	s13 =	simm.s32 $0xA400;
	s3 =	spop (v2sf);
	s0 =	sadd.s32 s1, s0  }
0xa1: {  	(v2sf) =	vpush v1, $0x8;
	[tilespmem:s13], [sflag:$0x1] =	stream.strided.gather [hbm4b:s0+s12], $0x800, s11, s12, $0x38;
	[tilespmem:$0x1A600] =	vst v63  }
0xa2: {  	s0 =	sand.u32 $0xFFFFFF80, s3  }
0xa3: {  	p0 =	slt.s32 s0, $0xF4180  }
0xa4: {  	s0 =	simm.s32 @!p0 $0xF4180  }
0xa5: {  	s13 =	simm.s32 $0xAC00;
	s0 =	sadd.s32 s1, s0  }
0xa6: {  	[tilespmem:s13], [sflag:$0x1] =	stream.strided.gather [hbm4b:s0+s12], $0x800, s11, s12, $0x38;
	[tilespmem:$0x1A600] =	vst v63  }
0xa7: {  	s3 =	spop (v2sf)  }
0xa8: {  	(v2sf) =	vpush v1, $0x9;
	s0 =	sand.u32 $0xFFFFFF80, s3  }
0xa9: {  	p0 =	slt.s32 s0, $0xF4180  }
0xaa: {  	s0 =	simm.s32 @!p0 $0xF4180  }
0xab: {  	s13 =	spop (v2sf);
	s0 =	sadd.s32 s1, s0  }
0xac: {  	(v2sf) =	vpush v1, $0xA;
	[tilespmem:s14], [sflag:$0x1] =	stream.strided.gather [hbm4b:s0+s12], $0x800, s11, s12, $0x38;
	[tilespmem:$0x1A600] =	vst v63  }
0xad: {  	s0 =	sand.u32 $0xFFFFFF80, s13  }
0xae: {  	p0 =	slt.s32 s0, $0xF4180  }
0xaf: {  	s0 =	simm.s32 @!p0 $0xF4180  }
0xb0: {  	s3 =	spop (v2sf);
	s0 =	sadd.s32 s1, s0  }
0xb1: {  	(v2sf) =	vpush v1, $0xB;
	[tilespmem:s15], [sflag:$0x1] =	stream.strided.gather [hbm4b:s0+s12], $0x800, s11, s12, $0x38;
	[tilespmem:$0x1A600] =	vst v63  }
0xb2: {  	s0 =	sand.u32 $0xFFFFFF80, s3  }
0xb3: {  	p0 =	slt.s32 s0, $0xF4180  }
0xb4: {  	s0 =	simm.s32 @!p0 $0xF4180  }
0xb5: {  	s0 =	sadd.s32 s1, s0  }
0xb6: {  	[tilespmem:s16], [sflag:$0x1] =	stream.strided.gather [hbm4b:s0+s12], $0x800, s11, s12, $0x38;
	[tilespmem:$0x1A600] =	vst v63  }
0xb7: {  	s13 =	spop (v2sf)  }
0xb8: {  	(v2sf) =	vpush v1, $0xC;
	s0 =	sand.u32 $0xFFFFFF80, s13  }
0xb9: {  	p0 =	slt.s32 s0, $0xF4180  }
0xba: {  	s0 =	simm.s32 @!p0 $0xF4180  }
0xbb: {  	s3 =	spop (v2sf);
	s0 =	sadd.s32 s1, s0  }
0xbc: {  	(v2sf) =	vpush v1, $0xD;
	[tilespmem:s17], [sflag:$0x1] =	stream.strided.gather [hbm4b:s0+s12], $0x800, s11, s12, $0x38;
	[tilespmem:$0x1A600] =	vst v63  }
0xbd: {  	s0 =	sand.u32 $0xFFFFFF80, s3  }
0xbe: {  	p0 =	slt.s32 s0, $0xF4180  }
0xbf: {  	s0 =	simm.s32 @!p0 $0xF4180  }
0xc0: {  	s13 =	spop (v2sf);
	s0 =	sadd.s32 s1, s0  }
0xc1: {  	(v2sf) =	vpush v1, $0xE;
	[tilespmem:s18], [sflag:$0x1] =	stream.strided.gather [hbm4b:s0+s12], $0x800, s11, s12, $0x38;
	[tilespmem:$0x1A600] =	vst v63  }
0xc2: {  	s0 =	sand.u32 $0xFFFFFF80, s13  }
0xc3: {  	p0 =	slt.s32 s0, $0xF4180  }
0xc4: {  	s0 =	simm.s32 @!p0 $0xF4180  }
0xc5: {  	s0 =	sadd.s32 s1, s0  }
0xc6: {  	[tilespmem:s19], [sflag:$0x1] =	stream.strided.gather [hbm4b:s0+s12], $0x800, s11, s12, $0x38;
	[tilespmem:$0x1A600] =	vst v63  }
0xc7: {  	s3 =	spop (v2sf)  }
0xc8: {  	(v2sf) =	vpush v1, $0xF;
	s0 =	sand.u32 $0xFFFFFF80, s3  }
0xc9: {  	p0 =	slt.s32 s0, $0xF4180  }
0xca: {  	s0 =	simm.s32 @!p0 $0xF4180  }
0xcb: {  	s29 =	spop (v2sf);
	s0 =	sadd.s32 s1, s0  }
0xcc: {  	[tilespmem:s20], [sflag:$0x1] =	stream.strided.gather [hbm4b:s0+s12], $0x800, s11, s12, $0x38;
	[tilespmem:$0x1A600] =	vst v63  }
0xcd: {  	s0 =	sand.u32 $0xFFFFFF80, s29  }
0xce: {  	p0 =	slt.s32 s0, $0xF4180  }
0xcf: {  	s0 =	simm.s32 @!p0 $0xF4180  }
0xd0: {  	s29 =	spop (v2sf);
	s0 =	sadd.s32 s1, s0  }
0xd1: {  	[tilespmem:s21], [sflag:$0x1] =	stream.strided.gather [hbm4b:s0+s12], $0x800, s11, s12, $0x38;
	[tilespmem:$0x1A600] =	vst v63  }
0xd2: {  	s0 =	sand.u32 $0xFFFFFF80, s29  }
0xd3: {  	p0 =	slt.s32 s0, $0xF4180  }
0xd4: {  	s0 =	simm.s32 @!p0 $0xF4180  }
0xd5: {  	s0 =	sadd.s32 s1, s0  }
0xd6: {  	[tilespmem:s22], [sflag:$0x1] =	stream.strided.gather [hbm4b:s0+s12], $0x800, s11, s12, $0x38;
	[tilespmem:$0x1A600] =	vst v63  }
0xd7: {  	s13 =	spop (v2sf)  }
.Ltmp2:
0xd8: {  	s0 =	sand.u32 $0xFFFFFF80, s13;
	(pc) =	sbr.rel .LBB2_2-.Ltmp2, $4  }
0xd9: {  	p0 =	slt.s32 s0, $0xF4180  }
0xda: {  	s30 =	simm.s32 $0x1A400;
	s0 =	simm.s32 @!p0 $0xF4180  }
0xdb: {  	s31 =	simm.s32 $0x0;
	s29 =	simm.s32 $0x20;
	s0 =	sadd.s32 s1, s0  }
0xdc: {  	[tilespmem:s23], [sflag:$0x1] =	stream.strided.gather [hbm4b:s0+s12], $0x800, s11, s12, $0x38;
	[tilespmem:$0x1A600] =	vst v63  }
.LBB2_4:
0xdd: {  	v4 =	vld [tilespmem:s29+$0xFFFFFFE0];
	_ =	sdelay $0x4  }
0xde: {  	vm0 =	vgt.s32 v4, $0xF4200  }
0xdf: {  	v5 =	vnsel vm0, $0xF4200, v4  }
0xe0: {  	v5 =	vshll.u32 v5, $0x7  }
0xe1: {  	v8 =	vadd.s32 $0xF85F0001, v5  }
0xe2: {  	v11 =	vadd.s32 $0xF85F0002, v5  }
0xe3: {  	v14 =	vadd.s32 $0xF85F0003, v5  }
0xe4: {  	s0 =	smul.u32 $0xAB, s31;
	v16 =	vadd.s32 $0xF85F0004, v5  }
0xe5: {  	v18 =	vadd.s32 $0xF85F0005, v5  }
0xe6: {  	s0 =	sshrl.u32 s0, $0x9;
	v20 =	vadd.s32 $0xF85F0006, v5;
	v8 =	vld.idx.msk [tilespmem:v8+s10+$0x0], $0xffff  }
0xe7: {  	s0 =	smul.u32 $0x3, s0;
	v22 =	vadd.s32 $0xF85F0007, v5;
	v11 =	vld.idx.msk [tilespmem:v11+s10+$0x0], $0xffff  }
0xe8: {  	v24 =	vadd.s32 $0xF85F0008, v5;
	v14 =	vld.idx.msk [tilespmem:v14+s10+$0x0], $0xffff  }
0xe9: {  	s0 =	ssub.s32 s31, s0;
	v26 =	vadd.s32 $0xF85F0009, v5;
	v16 =	vld.idx.msk [tilespmem:v16+s10+$0x0], $0xffff  }
0xea: {  	s0 =	sshll.u32 s0, $0x4;
	v28 =	vadd.s32 $0xF85F000A, v5;
	v18 =	vld.idx.msk [tilespmem:v18+s10+$0x0], $0xffff  }
0xeb: {  	s0 =	sand.u32 $0xF0, s0;
	v30 =	vadd.s32 $0xF85F000B, v5;
	v20 =	vld.idx.msk [tilespmem:v20+s10+$0x0], $0xffff  }
0xec: {  	v1 =	vmov s0;
	v32 =	vadd.s32 $0xF85F000C, v5;
	v22 =	vld.idx.msk [tilespmem:v22+s10+$0x0], $0xffff  }
0xed: {  	v53 =	vadd.s32 $0xF85F000E, v5;
	v2 =	vshll.u32 v1, $0xB;
	v24 =	vld.idx.msk [tilespmem:v24+s10+$0x0], $0xffff  }
0xee: {  	v3 =	vor.u32 v0, v2;
	v2 =	vadd.s32 $0xF85F0000, v5;
	v26 =	vld.idx.msk [tilespmem:v26+s10+$0x0], $0xffff  }
0xef: {  	v48 =	vadd.s32 $0xF85F000D, v5;
	v1 =	vand.u32 $0x7F, v4;
	v5 =	vadd.s32 $0xF85F000F, v5;
	v45 =	vld.idx.msk [tilespmem:v28+s10+$0x0], $0xffff  }
0xf0: {  	v6 =	vor.u32 v3, v1;
	v49 =	vld.idx.msk [tilespmem:v30+s10+$0x0], $0xffff  }
0xf1: {  	v7 =	vor.u32 $0x80, v6;
	v54 =	vld.idx.msk [tilespmem:v32+s10+$0x0], $0xffff  }
0xf2: {  	v9 =	vor.u32 $0x100, v6;
	v59 =	vld.idx.msk [tilespmem:v53+s10+$0x0], $0xffff  }
0xf3: {  	v13 =	vor.u32 $0x180, v6;
	v12 =	vld.idx.msk [tilespmem:v2+s10+$0x0], $0xffff  }
0xf4: {  	v15 =	vor.u32 $0x200, v6;
	v5 =	vld.idx.msk [tilespmem:v5+s10+$0x0], $0xffff  }
0xf5: {  	v17 =	vor.u32 $0x280, v6;
	v10 =	vld.idx.msk [tilespmem:v6+s12+$0x0], $0xffff  }
0xf6: {  	v19 =	vor.u32 $0x300, v6;
	v7 =	vld.idx.msk [tilespmem:v7+s12+$0x0], $0xffff  }
0xf7: {  	v21 =	vor.u32 $0x380, v6;
	v9 =	vld.idx.msk [tilespmem:v9+s12+$0x0], $0xffff  }
0xf8: {  	v23 =	vor.u32 $0x400, v6;
	v13 =	vld.idx.msk [tilespmem:v13+s12+$0x0], $0xffff  }
0xf9: {  	v25 =	vor.u32 $0x480, v6;
	v15 =	vld.idx.msk [tilespmem:v15+s12+$0x0], $0xffff  }
0xfa: {  	v27 =	vor.u32 $0x500, v6;
	v17 =	vld.idx.msk [tilespmem:v17+s12+$0x0], $0xffff  }
0xfb: {  	vm15 =	vgt.s32 v4, $0xF41FF;
	v29 =	vor.u32 $0x580, v6;
	v19 =	vld.idx.msk [tilespmem:v19+s12+$0x0], $0xffff  }
0xfc: {  	v31 =	vor.u32 $0x600, v6;
	v21 =	vld.idx.msk [tilespmem:v21+s12+$0x0], $0xffff;
	v10 =	vsel vm15, v12, v10;
	v7 =	vsel vm15, v8, v7  }
0xfd: {  	v46 =	vor.u32 $0x680, v6;
	v23 =	vld.idx.msk [tilespmem:v23+s12+$0x0], $0xffff;
	v9 =	vsel vm15, v11, v9;
	v51 =	vmax.f32 v10, v7  }
0xfe: {  	v25 =	vld.idx.msk [tilespmem:v25+s12+$0x0], $0xffff;
	v13 =	vsel vm15, v14, v13;
	v30 =	vmax.f32 v51, v9  }
0xff: {  	v50 =	vor.u32 $0x700, v6;
	v27 =	vld.idx.msk [tilespmem:v27+s12+$0x0], $0xffff;
	v15 =	vsel vm15, v16, v15;
	v30 =	vmax.f32 v30, v13  }
0x100: {  	v6 =	vor.u32 $0x780, v6;
	v47 =	vld.idx.msk [tilespmem:v29+s12+$0x0], $0xffff;
	v17 =	vsel vm15, v18, v17;
	v56 =	vmax.f32 v30, v15  }
0x101: {  	v52 =	vld.idx.msk [tilespmem:v31+s12+$0x0], $0xffff;
	v19 =	vsel vm15, v20, v19;
	v57 =	vmax.f32 v56, v17  }
0x102: {  	v55 =	vld.idx.msk [tilespmem:v46+s12+$0x0], $0xffff;
	v21 =	vsel vm15, v22, v21;
	v20 =	vmax.f32 v57, v19  }
0x103: {  	v12 =	vld.idx.msk [tilespmem:v48+s10+$0x0], $0xffff;
	v23 =	vsel vm15, v24, v23;
	v20 =	vmax.f32 v20, v21  }
0x104: {  	v58 =	vld.idx.msk [tilespmem:v50+s12+$0x0], $0xffff;
	v25 =	vsel vm15, v26, v25;
	v20 =	vmax.f32 v20, v23  }
0x105: {  	v6 =	vld.idx.msk [tilespmem:v6+s12+$0x0], $0xffff;
	v4 =	vsel vm15, v45, v27;
	v20 =	vmax.f32 v20, v25  }
0x106: {  	v8 =	vsel vm15, v49, v47;
	v60 =	vmax.f32 v20, v4  }
0x107: {  	v14 =	vsel vm15, v54, v52;
	v11 =	vmax.f32 v60, v8  }
0x108: {  	v12 =	vsel vm15, v12, v55;
	v11 =	vmax.f32 v11, v14  }
0x109: {  	v61 =	vsel vm15, v59, v58;
	v11 =	vmax.f32 v11, v12  }
0x10a: {  	v5 =	vsel vm15, v5, v6;
	v62 =	vmax.f32 v11, v61  }
0x10b: {  	v6 =	vmax.f32 v62, v5  }
0x10c: {  	v10 =	vsub.f32 v10, v6;
	_ =	sdelay $0x1  }
0x10d: {  	v7 =	vsub.f32 v7, v6;
	v10 =	vmul.f32 $1.442695020e+00, v10;
	_ =	sdelay $0x1  }
0x10e: {  	v9 =	vsub.f32 v9, v6;
	v7 =	vmul.f32 $1.442695020e+00, v7;
	(erf) = vpow2.f32 v10;
	_ =	sdelay $0x1  }
0x10f: {  	v18 =	vsub.f32 v13, v6;
	v63 =	vmul.f32 $1.442695020e+00, v9;
	(erf) = vpow2.f32 v7;
	_ =	sdelay $0x1  }
0x110: {  	v22 =	vsub.f32 v15, v6;
	v20 =	vmul.f32 $1.442695020e+00, v18;
	(erf) = vpow2.f32 v63  }
0x111: {  	v26 =	vsub.f32 v17, v6  }
0x112: {  	v24 =	vmul.f32 $1.442695020e+00, v22;
	(erf) = vpow2.f32 v20  }
0x113: {  	v28 =	vsub.f32 v19, v6;
	v27 =	vmul.f32 $1.442695020e+00, v26  }
0x114: {  	(erf) = vpow2.f32 v24  }
0x115: {  	v31 =	vsub.f32 v21, v6;
	v30 =	vmul.f32 $1.442695020e+00, v28;
	v10 =	vpop (erf);
	(erf) = vpow2.f32 v27;
	_ =	sdelay $0x1  }
0x116: {  	v33 =	vsub.f32 v23, v6;
	v32 =	vmul.f32 $1.442695020e+00, v31;
	v29 =	vpop (erf);
	(erf) = vpow2.f32 v30  }
0x117: {  	v10 =	vadd.f32 v29, v10  }
0x118: {  	v35 =	vmul.f32 $1.442695020e+00, v33;
	v34 =	vpop (erf);
	(erf) = vpow2.f32 v32  }
0x119: {  	v37 =	vsub.f32 v25, v6;
	v10 =	vadd.f32 v10, v34  }
0x11a: {  	v36 =	vpop (erf);
	(erf) = vpow2.f32 v35  }
0x11b: {  	v4 =	vsub.f32 v4, v6;
	v39 =	vmul.f32 $1.442695020e+00, v37;
	v9 =	vadd.f32 v10, v36  }
0x11c: {  	v8 =	vsub.f32 v8, v6;
	v38 =	vpop (erf)  }
0x11d: {  	v4 =	vmul.f32 $1.442695020e+00, v4;
	v7 =	vadd.f32 v9, v38;
	v40 =	vpop (erf);
	(erf) = vpow2.f32 v39  }
0x11e: {  	v43 =	vsub.f32 v14, v6  }
0x11f: {  	v42 =	vmul.f32 $1.442695020e+00, v8;
	v7 =	vadd.f32 v7, v40;
	v41 =	vpop (erf);
	(erf) = vpow2.f32 v4  }
0x120: {  	v46 =	vsub.f32 v12, v6  }
0x121: {  	v45 =	vmul.f32 $1.442695020e+00, v43;
	v44 =	vpop (erf);
	(erf) = vpow2.f32 v42;
	v7 =	vadd.f32 v7, v41  }
0x122: {  	v49 =	vsub.f32 v61, v6  }
0x123: {  	v48 =	vmul.f32 $1.442695020e+00, v46;
	v47 =	vpop (erf);
	(erf) = vpow2.f32 v45;
	v7 =	vadd.f32 v7, v44  }
0x124: {  	v5 =	vsub.f32 v5, v6  }
0x125: {  	v50 =	vmul.f32 $1.442695020e+00, v49;
	(erf) = vpow2.f32 v48;
	v7 =	vadd.f32 v7, v47  }
0x126: {  	v51 =	vpop (erf)  }
0x127: {  	v52 =	vmul.f32 $1.442695020e+00, v5;
	(erf) = vpow2.f32 v50;
	v7 =	vadd.f32 v7, v51  }
0x128: {  	v53 =	vpop (erf)  }
0x129: {  	(erf) = vpow2.f32 v52;
	v5 =	vadd.f32 v7, v53  }
0x12a: {  	v54 =	vpop (erf)  }
0x12b: {  	v4 =	vadd.f32 v5, v54  }
0x12c: {  	v55 =	vpop (erf)  }
0x12d: {  	v4 =	vadd.f32 v4, v55  }
0x12e: {  	v56 =	vpop (erf)  }
0x12f: {  	v4 =	vadd.f32 v4, v56  }
0x130: {  	v57 =	vpop (erf)  }
0x131: {  	v4 =	vadd.f32 v4, v57  }
0x132: {  	v58 =	vpop (erf)  }
0x133: {  	v4 =	vadd.f32 v4, v58;
	_ =	sdelay $0x1  }
0x134: {  	v5 =	vand.u32 $0x7FFFFF, v4  }
0x135: {  	v5 =	vor.u32 $0x3F800000, v5  }
0x136: {  	v59 =	vadd.f32 $1.000000000e+00, v5;
	_ =	sdelay $0x1  }
0x137: {  	(erf) = vrcp.f32 v59;
	_ =	sdelay $0x7  }
0x138: {  	v60 =	vld [tilespmem:s28+$0x0];
	v5 =	vadd.f32 $-1.000000000e+00, v5  }
0x139: {  	v61 =	vpop (erf)  }
0x13a: {  	v5 =	vmul.f32 v61, v5;
	_ =	sdelay $0x1  }
0x13b: {  	v8 =	vmul.f32 v5, v5  }
0x13c: {  	v62 =	vshll.u32 v60, $0x7  }
0x13d: {  	v3 =	vadd.s32 v3, v62;
	v63 =	vmul.f32 $1.428571490e-01, v8  }
0x13e: {  	v1 =	vor.u32 v1, v3;
	v3 =	vand.u32 $0xFFFFFF80, v60  }
0x13f: {  	v2 =	vadd.s32 v2, v3;
	v7 =	vand.u32 $0x7F, v60;
	v3 =	vadd.f32 $2.000000030e-01, v63  }
0x140: {  	v2 =	vor.u32 v7, v2  }
0x141: {  	v3 =	vmul.f32 v3, v8;
	_ =	sdelay $0x1  }
0x142: {  	v3 =	vadd.f32 $3.333333430e-01, v3  }
0x143: {  	v1 =	vld.idx.msk [tilespmem:v1+s12+$0x0], $0xffff  }
0x144: {  	v2 =	vld.idx.msk [tilespmem:v2+s10+$0x0], $0xffff;
	v4 =	vshra.s32 v4, $0x17;
	v3 =	vmul.f32 v3, v8  }
0x145: {  	v4 =	vadd.s32 $0xFFFFFF81, v4  }
0x146: {  	v4 =	vcvt.s32.f32 v4;
	v5 =	vadd.f32 v5, v5;
	v3 =	vadd.f32 $1.000000000e+00, v3;
	_ =	sdelay $0x1  }
0x147: {  	s31 =	sadd.s32 $0x1, s31;
	v4 =	vmul.f32 $6.931471820e-01, v4;
	v3 =	vmul.f32 v3, v5  }
0x148: {  	p0 =	sne.s32 s31, $0x20;
	v1 =	vsel vm15, v2, v1  }
.Ltmp3:
0x149: {  	v1 =	vsub.f32 v1, v6;
	v2 =	vadd.f32 v3, v4;
	(pc) =	sbr.rel @!p0 .LBB2_5-.Ltmp3, $3  }
0x14a: {  	_ = 	snop  }
0x14b: {  	v1 =	vsub.f32 v1, v2;
	_ =	sdelay $0x1  }
0x14c: {  	s29 =	sadd.s32 $0x10, s29;
	s28 =	sadd.s32 $0x10, s28;
	[tilespmem:s30+$0x0] =	vst v1;
	s30 =	sadd.s32 $0x10, s30  }
.LBB2_2:
0x14d: {  	_ =	swait.ge [sflag:s24], $0x800  }
0x14e: {  	[sflag:s24] =	ssyncset.done $0x0  }
0x14f: {  	[sflag:s24] =	ssyncadd.s32 $0xFFFFF800  }
0x150: {  	_ =	swait.ge [sflag:s24], $0x800  }
0x151: {  	[sflag:s24] =	ssyncset.done $0x0  }
0x152: {  	[sflag:s24] =	ssyncadd.s32 $0xFFFFF800  }
0x153: {  	_ =	swait.ge [sflag:s24], $0x800  }
0x154: {  	[sflag:s24] =	ssyncset.done $0x0  }
0x155: {  	[sflag:s24] =	ssyncadd.s32 $0xFFFFF800  }
0x156: {  	_ =	swait.ge [sflag:s24], $0x800  }
0x157: {  	[sflag:s24] =	ssyncset.done $0x0  }
0x158: {  	[sflag:s24] =	ssyncadd.s32 $0xFFFFF800  }
0x159: {  	_ =	swait.ge [sflag:s24], $0x800  }
0x15a: {  	[sflag:s24] =	ssyncset.done $0x0  }
0x15b: {  	[sflag:s24] =	ssyncadd.s32 $0xFFFFF800  }
0x15c: {  	_ =	swait.ge [sflag:s24], $0x800  }
0x15d: {  	[sflag:s24] =	ssyncset.done $0x0  }
0x15e: {  	[sflag:s24] =	ssyncadd.s32 $0xFFFFF800  }
0x15f: {  	_ =	swait.ge [sflag:s24], $0x800  }
0x160: {  	[sflag:s24] =	ssyncset.done $0x0  }
0x161: {  	[sflag:s24] =	ssyncadd.s32 $0xFFFFF800  }
0x162: {  	_ =	swait.ge [sflag:s24], $0x800  }
0x163: {  	[sflag:s24] =	ssyncset.done $0x0  }
0x164: {  	[sflag:s24] =	ssyncadd.s32 $0xFFFFF800  }
0x165: {  	_ =	swait.ge [sflag:s24], $0x800  }
0x166: {  	[sflag:s24] =	ssyncset.done $0x0  }
0x167: {  	[sflag:s24] =	ssyncadd.s32 $0xFFFFF800  }
0x168: {  	_ =	swait.ge [sflag:s24], $0x800  }
0x169: {  	[sflag:s24] =	ssyncset.done $0x0  }
0x16a: {  	[sflag:s24] =	ssyncadd.s32 $0xFFFFF800  }
0x16b: {  	_ =	swait.ge [sflag:s24], $0x800  }
0x16c: {  	[sflag:s24] =	ssyncset.done $0x0  }
0x16d: {  	[sflag:s24] =	ssyncadd.s32 $0xFFFFF800  }
0x16e: {  	_ =	swait.ge [sflag:s24], $0x800  }
0x16f: {  	[sflag:s24] =	ssyncset.done $0x0  }
0x170: {  	[sflag:s24] =	ssyncadd.s32 $0xFFFFF800  }
0x171: {  	_ =	swait.ge [sflag:s24], $0x800  }
0x172: {  	[sflag:s24] =	ssyncset.done $0x0  }
0x173: {  	[sflag:s24] =	ssyncadd.s32 $0xFFFFF800  }
0x174: {  	_ =	swait.ge [sflag:s24], $0x800  }
0x175: {  	[sflag:s24] =	ssyncset.done $0x0  }
0x176: {  	[sflag:s24] =	ssyncadd.s32 $0xFFFFF800  }
0x177: {  	p0 =	sgt.u32 s31, $0x1D;
	_ =	swait.ge [sflag:s24], $0x800  }
.Ltmp4:
0x178: {  	[sflag:s24] =	ssyncset.done $0x0;
	(pc) =	sbr.rel @p0 .LBB2_4-.Ltmp4, $4  }
0x179: {  	[sflag:s24] =	ssyncadd.s32 $0xFFFFF800  }
0x17a: {  	_ =	swait.ge [sflag:s24], $0x800  }
0x17b: {  	[sflag:s24] =	ssyncset.done $0x0  }
0x17c: {  	[sflag:s24] =	ssyncadd.s32 $0xFFFFF800  }
0x17d: {  	v1 =	vld [tilespmem:s29+$0x0];
	_ =	sdelay $0x4  }
0x17e: {  	(v2sf) =	vpush v1, $0x0;
	_ =	sdelay $0x5  }
0x17f: {  	(v2sf) =	vpush v1, $0x1;
	_ =	sdelay $0x2  }
0x180: {  	s0 =	sadd.s32 $0x2, s31  }
0x181: {  	s3 =	smul.u32 $0xAB, s0;
	_ =	sdelay $0x1  }
0x182: {  	s3 =	sshrl.u32 s3, $0x9;
	(v2sf) =	vpush v1, $0x2  }
0x183: {  	s3 =	sand.u32 $0x7F, s3  }
0x184: {  	s3 =	smul.u32 $0x3, s3  }
0x185: {  	s13 =	spop (v2sf)  }
0x186: {  	s0 =	ssub.s32 s0, s3;
	s3 =	sand.u32 $0xFFFFFF80, s13  }
0x187: {  	s0 =	sand.u32 $0xFF, s0;
	p0 =	slt.s32 s3, $0xF4180  }
0x188: {  	s0 =	sshll.u32 s0, $0xF;
	(v2sf) =	vpush v1, $0x3;
	s3 =	simm.s32 @!p0 $0xF4180  }
0x189: {  	s13 =	sor.u32 $0x400, s0;
	s3 =	sadd.s32 s1, s3  }
0x18a: {  	[tilespmem:s13], [sflag:$0x1] =	stream.strided.gather [hbm4b:s3+s12], $0x800, s11, s12, $0x38;
	[tilespmem:$0x1A600] =	vst v63  }
0x18b: {  	s13 =	spop (v2sf)  }
0x18c: {  	s3 =	sand.u32 $0xFFFFFF80, s13  }
0x18d: {  	p0 =	slt.s32 s3, $0xF4180  }
0x18e: {  	(v2sf) =	vpush v1, $0x4;
	s3 =	simm.s32 @!p0 $0xF4180  }
0x18f: {  	s13 =	sor.u32 $0xC00, s0;
	s3 =	sadd.s32 s1, s3  }
0x190: {  	[tilespmem:s13], [sflag:$0x1] =	stream.strided.gather [hbm4b:s3+s12], $0x800, s11, s12, $0x38;
	[tilespmem:$0x1A600] =	vst v63  }
0x191: {  	s13 =	spop (v2sf)  }
0x192: {  	s3 =	sand.u32 $0xFFFFFF80, s13  }
0x193: {  	p0 =	slt.s32 s3, $0xF4180  }
0x194: {  	(v2sf) =	vpush v1, $0x5;
	s3 =	simm.s32 @!p0 $0xF4180  }
0x195: {  	s13 =	sor.u32 $0x1400, s0;
	s3 =	sadd.s32 s1, s3  }
0x196: {  	[tilespmem:s13], [sflag:$0x1] =	stream.strided.gather [hbm4b:s3+s12], $0x800, s11, s12, $0x38;
	[tilespmem:$0x1A600] =	vst v63  }
0x197: {  	s13 =	spop (v2sf)  }
0x198: {  	s3 =	sand.u32 $0xFFFFFF80, s13  }
0x199: {  	p0 =	slt.s32 s3, $0xF4180  }
0x19a: {  	(v2sf) =	vpush v1, $0x6;
	s3 =	simm.s32 @!p0 $0xF4180  }
0x19b: {  	s13 =	sor.u32 $0x1C00, s0;
	s3 =	sadd.s32 s1, s3  }
0x19c: {  	[tilespmem:s13], [sflag:$0x1] =	stream.strided.gather [hbm4b:s3+s12], $0x800, s11, s12, $0x38;
	[tilespmem:$0x1A600] =	vst v63  }
0x19d: {  	s13 =	spop (v2sf)  }
0x19e: {  	s3 =	sand.u32 $0xFFFFFF80, s13  }
0x19f: {  	p0 =	slt.s32 s3, $0xF4180  }
0x1a0: {  	(v2sf) =	vpush v1, $0x7;
	s3 =	simm.s32 @!p0 $0xF4180  }
0x1a1: {  	s13 =	sor.u32 $0x2400, s0;
	s3 =	sadd.s32 s1, s3  }
0x1a2: {  	[tilespmem:s13], [sflag:$0x1] =	stream.strided.gather [hbm4b:s3+s12], $0x800, s11, s12, $0x38;
	[tilespmem:$0x1A600] =	vst v63  }
0x1a3: {  	s13 =	spop (v2sf)  }
0x1a4: {  	s3 =	sand.u32 $0xFFFFFF80, s13  }
0x1a5: {  	p0 =	slt.s32 s3, $0xF4180  }
0x1a6: {  	(v2sf) =	vpush v1, $0x8;
	s3 =	simm.s32 @!p0 $0xF4180  }
0x1a7: {  	s13 =	sor.u32 $0x2C00, s0;
	s3 =	sadd.s32 s1, s3  }
0x1a8: {  	[tilespmem:s13], [sflag:$0x1] =	stream.strided.gather [hbm4b:s3+s12], $0x800, s11, s12, $0x38;
	[tilespmem:$0x1A600] =	vst v63  }
0x1a9: {  	s13 =	spop (v2sf)  }
0x1aa: {  	s3 =	sand.u32 $0xFFFFFF80, s13  }
0x1ab: {  	p0 =	slt.s32 s3, $0xF4180  }
0x1ac: {  	(v2sf) =	vpush v1, $0x9;
	s3 =	simm.s32 @!p0 $0xF4180  }
0x1ad: {  	s13 =	sor.u32 $0x3400, s0;
	s3 =	sadd.s32 s1, s3  }
0x1ae: {  	[tilespmem:s13], [sflag:$0x1] =	stream.strided.gather [hbm4b:s3+s12], $0x800, s11, s12, $0x38;
	[tilespmem:$0x1A600] =	vst v63  }
0x1af: {  	s13 =	spop (v2sf)  }
0x1b0: {  	s3 =	sand.u32 $0xFFFFFF80, s13  }
0x1b1: {  	p0 =	slt.s32 s3, $0xF4180  }
0x1b2: {  	(v2sf) =	vpush v1, $0xA;
	s3 =	simm.s32 @!p0 $0xF4180  }
0x1b3: {  	s13 =	sor.u32 $0x3C00, s0;
	s3 =	sadd.s32 s1, s3  }
0x1b4: {  	[tilespmem:s13], [sflag:$0x1] =	stream.strided.gather [hbm4b:s3+s12], $0x800, s11, s12, $0x38;
	[tilespmem:$0x1A600] =	vst v63  }
0x1b5: {  	s13 =	spop (v2sf)  }
0x1b6: {  	s3 =	sand.u32 $0xFFFFFF80, s13  }
0x1b7: {  	p0 =	slt.s32 s3, $0xF4180  }
0x1b8: {  	(v2sf) =	vpush v1, $0xB;
	s3 =	simm.s32 @!p0 $0xF4180  }
0x1b9: {  	s13 =	sor.u32 $0x4400, s0;
	s3 =	sadd.s32 s1, s3  }
0x1ba: {  	[tilespmem:s13], [sflag:$0x1] =	stream.strided.gather [hbm4b:s3+s12], $0x800, s11, s12, $0x38;
	[tilespmem:$0x1A600] =	vst v63  }
0x1bb: {  	s13 =	spop (v2sf)  }
0x1bc: {  	s3 =	sand.u32 $0xFFFFFF80, s13  }
0x1bd: {  	p0 =	slt.s32 s3, $0xF4180  }
0x1be: {  	(v2sf) =	vpush v1, $0xC;
	s3 =	simm.s32 @!p0 $0xF4180  }
0x1bf: {  	s13 =	sor.u32 $0x4C00, s0;
	s3 =	sadd.s32 s1, s3  }
0x1c0: {  	[tilespmem:s13], [sflag:$0x1] =	stream.strided.gather [hbm4b:s3+s12], $0x800, s11, s12, $0x38;
	[tilespmem:$0x1A600] =	vst v63  }
0x1c1: {  	s13 =	spop (v2sf)  }
0x1c2: {  	s3 =	sand.u32 $0xFFFFFF80, s13  }
0x1c3: {  	p0 =	slt.s32 s3, $0xF4180  }
0x1c4: {  	(v2sf) =	vpush v1, $0xD;
	s3 =	simm.s32 @!p0 $0xF4180  }
0x1c5: {  	s13 =	sor.u32 $0x5400, s0;
	s3 =	sadd.s32 s1, s3  }
0x1c6: {  	[tilespmem:s13], [sflag:$0x1] =	stream.strided.gather [hbm4b:s3+s12], $0x800, s11, s12, $0x38;
	[tilespmem:$0x1A600] =	vst v63  }
0x1c7: {  	s13 =	spop (v2sf)  }
0x1c8: {  	s3 =	sand.u32 $0xFFFFFF80, s13  }
0x1c9: {  	p0 =	slt.s32 s3, $0xF4180  }
0x1ca: {  	(v2sf) =	vpush v1, $0xE;
	s3 =	simm.s32 @!p0 $0xF4180  }
0x1cb: {  	s13 =	sor.u32 $0x5C00, s0;
	s3 =	sadd.s32 s1, s3  }
0x1cc: {  	[tilespmem:s13], [sflag:$0x1] =	stream.strided.gather [hbm4b:s3+s12], $0x800, s11, s12, $0x38;
	[tilespmem:$0x1A600] =	vst v63  }
0x1cd: {  	s13 =	spop (v2sf)  }
0x1ce: {  	s3 =	sand.u32 $0xFFFFFF80, s13  }
0x1cf: {  	p0 =	slt.s32 s3, $0xF4180  }
0x1d0: {  	(v2sf) =	vpush v1, $0xF;
	s3 =	simm.s32 @!p0 $0xF4180  }
0x1d1: {  	s13 =	sor.u32 $0x6400, s0;
	s3 =	sadd.s32 s1, s3  }
0x1d2: {  	[tilespmem:s13], [sflag:$0x1] =	stream.strided.gather [hbm4b:s3+s12], $0x800, s11, s12, $0x38;
	[tilespmem:$0x1A600] =	vst v63  }
0x1d3: {  	s13 =	spop (v2sf)  }
0x1d4: {  	s3 =	sand.u32 $0xFFFFFF80, s13  }
0x1d5: {  	p0 =	slt.s32 s3, $0xF4180  }
0x1d6: {  	s3 =	simm.s32 @!p0 $0xF4180  }
0x1d7: {  	s13 =	sor.u32 $0x6C00, s0;
	s3 =	sadd.s32 s1, s3  }
0x1d8: {  	[tilespmem:s13], [sflag:$0x1] =	stream.strided.gather [hbm4b:s3+s12], $0x800, s11, s12, $0x38;
	[tilespmem:$0x1A600] =	vst v63  }
0x1d9: {  	s13 =	spop (v2sf)  }
0x1da: {  	s3 =	sand.u32 $0xFFFFFF80, s13  }
0x1db: {  	p0 =	slt.s32 s3, $0xF4180  }
0x1dc: {  	s3 =	simm.s32 @!p0 $0xF4180  }
0x1dd: {  	s13 =	sor.u32 $0x7400, s0;
	s3 =	sadd.s32 s1, s3  }
0x1de: {  	[tilespmem:s13], [sflag:$0x1] =	stream.strided.gather [hbm4b:s3+s12], $0x800, s11, s12, $0x38;
	[tilespmem:$0x1A600] =	vst v63  }
0x1df: {  	s13 =	spop (v2sf)  }
.Ltmp5:
0x1e0: {  	s3 =	sand.u32 $0xFFFFFF80, s13;
	(pc) =	sbr.rel .LBB2_4-.Ltmp5, $4  }
0x1e1: {  	p0 =	slt.s32 s3, $0xF4180  }
0x1e2: {  	s3 =	simm.s32 @!p0 $0xF4180  }
0x1e3: {  	s0 =	sor.u32 $0x7C00, s0;
	s3 =	sadd.s32 s1, s3  }
0x1e4: {  	[tilespmem:s0], [sflag:$0x1] =	stream.strided.gather [hbm4b:s3+s12], $0x800, s11, s12, $0x38;
	[tilespmem:$0x1A600] =	vst v63  }
.LBB2_6:
0x1e5: {  	_ =	sfence.sel $0x180000  }
0x1e6: {  	[bflag:$0x0] =	sbarrier.arrive $0xFFFF  }
0x1e7: {  	_ =	strace $0x90000047  }
0x1e8: {  	s0 =	stileid.u32;
	[bflag:$0x2] =	sbarrier.arrive $0xFFFF  }
0x1e9: {  	p0 =	sne.s32 s0, $0x0;
	s0 =	rddreg [dreg:$0x5]  }
0x1ea: {  	s0 =	sadd.s32 @!p0 $0x100000, s0  }
0x1eb: {  	[sflag:s0] =	ssyncadd.tile.s32 @!p0 $0x1;
	_ =	shalt  }
.Lfunc_end2:
_tile_overlayer_lowered:
.L_overlay_start_2:
0x1ec: {  	(tag) =	ssettag $0x2  }
0x1ed: {  	s0 =	rddreg [dreg:$0x0];
	s2 =	stileid.u32  }
0x1ee: {  	s1 =	rddreg [dreg:$0x1];
	p0 =	sne.s32 s2, $0x0  }
0x1ef: {  	s3 =	rddreg [dreg:$0x2];
	[bflag:$0x3] =	sbarrier.arrive $0xFFFF;
	s2 =	simm.s32 @!p0 $0x1C02  }
0x1f0: {  	[timem:s3], [sflag:s2] =	dma.local @!p0 [hbm:s0], s1  }
0x1f1: {  	s0 =	simm.s32 @!p0 $0x2  }
0x1f2: {  	_ =	swait.ge @!p0 [sflag:s0], s1  }
0x1f3: {  	s1 =	ssub.s32 @!p0 $0x0, s1;
	[sflag:s0] =	ssyncset.done @!p0 $0x0  }
0x1f4: {  	[sflag:s0] =	ssyncadd.s32 @!p0 s1  }
0x1f5: {  	[bflag:$0x3] =	sbarrier.arrive $0xFFFF  }
0x1f6: {  	_ =	shalt  }

</sc_bundles>
